<compile_context>
chip_gen: v7x
topology: tpu7x:2x2x1
jax: 0.10.2.dev20260603
libtpu: 0.0.44.dev20260713+nightly
codegen_flags: <defaults>
</compile_context>

<pallas_src>
import functools

import jax
import jax.numpy as jnp
import numpy as np
from jax.experimental import pallas as pl
from jax.experimental.pallas import tpu as pltpu

_OBJECT_PROBS = (0.1, 0.1, 0.1, 0.1, 0.15, 0.15, 0.05, 0.05)
_COLS_PER_OBJ = 32
_MASK_VALUE = 0.0


def _threefry2x32_pair(keypair, x0, x1):
    def rotl(v, d):
        return ((v << np.uint32(d)) | (v >> np.uint32(32 - d))).astype(np.uint32)

    x = [np.asarray(x0, np.uint32).copy(), np.asarray(x1, np.uint32).copy()]
    rotations = ((13, 15, 26, 6), (17, 29, 16, 24))
    k0, k1 = np.uint32(keypair[0]), np.uint32(keypair[1])
    ks = [k0, k1, k0 ^ k1 ^ np.uint32(0x1BD11BDA)]
    x[0] = (x[0] + ks[0]).astype(np.uint32)
    x[1] = (x[1] + ks[1]).astype(np.uint32)
    for i in range(5):
        for r in rotations[i % 2]:
            x[0] = (x[0] + x[1]).astype(np.uint32)
            x[1] = rotl(x[1], r)
            x[1] = x[1] ^ x[0]
        x[0] = (x[0] + ks[(i + 1) % 3]).astype(np.uint32)
        x[1] = (x[1] + ks[(i + 2) % 3] + np.uint32(i + 1)).astype(np.uint32)
    return x


def _fold_in(keypair, i):
    o = _threefry2x32_pair(keypair, np.array([0], np.uint32), np.array([i], np.uint32))
    return np.uint32(o[0][0]), np.uint32(o[1][0])


def _np_uniform(keypair, n):
    idx = np.arange(n, dtype=np.uint64)
    o = _threefry2x32_pair(keypair, (idx >> np.uint64(32)).astype(np.uint32),
                           idx.astype(np.uint32))
    bits = o[0] ^ o[1]
    return ((bits >> np.uint32(9)) | np.uint32(0x3F800000)).view(np.float32) - np.float32(1.0)


@functools.lru_cache(maxsize=None)
def _mask_bits(batch):
    root = (np.uint32(0), np.uint32(42))
    bits = np.zeros((batch,), np.int32)
    for i, p in enumerate(_OBJECT_PROBS):
        m = _np_uniform(_fold_in(root, i), batch) < np.float32(p)
        bits |= m.astype(np.int32) << i
    return bits.reshape(batch, 1)


def _mask_kernel(bits_ref, x_ref, o_ref):
    x = x_ref[...]
    bits = bits_ref[...]
    obj = jax.lax.broadcasted_iota(jnp.int32, x.shape, 1) // _COLS_PER_OBJ
    masked = (jnp.right_shift(bits, obj) & 1) != 0
    o_ref[...] = jnp.where(masked, jnp.float32(_MASK_VALUE), x)


def _tc_mask_rows(x, r1, rows):
    b, f = x.shape
    bits = jnp.asarray(_mask_bits(b))
    return pl.pallas_call(
        _mask_kernel,
        grid=(r1 // rows,),
        in_specs=[
            pl.BlockSpec((rows, 1), lambda i: (i, 0)),
            pl.BlockSpec((rows, f), lambda i: (i, 0)),
        ],
        out_specs=pl.BlockSpec((rows, f), lambda i: (i, 0)),
        out_shape=jax.ShapeDtypeStruct((r1, f), x.dtype),
        compiler_params=pltpu.CompilerParams(
            dimension_semantics=("parallel",),
        ),
    )(bits, x)



_NW = 32
_CHUNK_ROWS = 128
_LANES = 16


@functools.lru_cache(maxsize=None)
def _sc_consts(batch, n_feat, r0, r1):
    n_obj = len(_OBJECT_PROBS)
    seg_w = n_feat // n_obj
    bits = _mask_bits(batch).ravel()[r0:r1]
    rows, objs = np.nonzero((bits[:, None] >> np.arange(n_obj)) & 1)
    rows = rows.astype(np.int32)
    cols = (objs * seg_w).astype(np.int32)
    rows_per_w = (r1 - r0) // _NW
    nch = rows_per_w // _CHUNK_ROWS
    lists = [[None] * nch for _ in range(_NW)]
    for w in range(_NW):
        for t in range(nch):
            lo = w * rows_per_w + t * _CHUNK_ROWS
            sel = (rows >= lo) & (rows < lo + _CHUNK_ROWS)
            assert sel.any()
            lists[w][t] = (rows[sel] - lo, cols[sel])
    g_max = max(-(-len(l[0]) // _LANES) for row in lists for l in row)
    ridx = np.empty((_NW, nch * g_max * _LANES), np.int32)
    cidx = np.empty((_NW, nch * g_max * _LANES), np.int32)
    for w in range(_NW):
        for t in range(nch):
            r, c = lists[w][t]
            sl = slice(t * g_max * _LANES, (t + 1) * g_max * _LANES)
            rp = np.full(g_max * _LANES, r[0], np.int32)
            cp = np.full(g_max * _LANES, c[0], np.int32)
            rp[: len(r)] = r
            cp[: len(c)] = c
            ridx[w, sl] = rp
            cidx[w, sl] = cp
    return ridx, cidx, nch, g_max


def _sc_mask_rows(x, r0, r1):
    b, f = x.shape
    n_obj = len(_OBJECT_PROBS)
    seg_w = f // n_obj
    rows_per_w = (r1 - r0) // _NW
    ridx_np, cidx_np, nch, g_max = _sc_consts(b, f, r0, r1)

    from jax.experimental.pallas import tpu_sc as plsc

    mesh = plsc.VectorSubcoreMesh(core_axis_name="c", subcore_axis_name="s")
    n_cores = mesh.num_cores

    @functools.partial(
        pl.kernel,
        out_type=jax.ShapeDtypeStruct((r1 - r0, f), jnp.float32),
        mesh=mesh,
        scratch_types=[
            pltpu.VMEM((_CHUNK_ROWS, f), jnp.float32),
            pltpu.VMEM((_CHUNK_ROWS, f), jnp.float32),
            pltpu.VMEM((ridx_np.shape[1],), jnp.int32),
            pltpu.VMEM((cidx_np.shape[1],), jnp.int32),
            pltpu.SemaphoreType.DMA,
            pltpu.SemaphoreType.DMA,
            pltpu.SemaphoreType.DMA,
            pltpu.SemaphoreType.DMA,
        ],
        compiler_params=pltpu.CompilerParams(needs_layout_passes=False),
    )
    def sc_kernel(x_hbm, ridx_hbm, cidx_hbm, out_hbm,
                  buf0, buf1, rv, cv, l0, l1, s0, s1):
        wid = jax.lax.axis_index("s") * n_cores + jax.lax.axis_index("c")
        base = r0 + wid * rows_per_w
        obase = wid * rows_per_w
        bufs, lsems, ssems = (buf0, buf1), (l0, l1), (s0, s1)
        pltpu.sync_copy(ridx_hbm.at[wid], rv)
        pltpu.sync_copy(cidx_hbm.at[wid], cv)
        zeros = jnp.zeros((_LANES,), jnp.float32)

        def load(t):
            return pltpu.make_async_copy(
                x_hbm.at[pl.ds(base + t * _CHUNK_ROWS, _CHUNK_ROWS)],
                bufs[t % 2], lsems[t % 2])

        def store(t):
            return pltpu.make_async_copy(
                bufs[t % 2],
                out_hbm.at[pl.ds(obase + t * _CHUNK_ROWS, _CHUNK_ROWS)],
                ssems[t % 2])

        load(0).start()
        for t in range(nch):
            if t + 1 < nch:
                if t >= 1:
                    store(t - 1).wait()
                load(t + 1).start()
            load(t).wait()
            for g in range(g_max):
                o = (t * g_max + g) * _LANES
                a = rv[pl.ds(o, _LANES)]
                cbase = cv[pl.ds(o, _LANES)]
                for c in range(seg_w):
                    plsc.store_scatter(bufs[t % 2], [a, cbase + c], zeros)
            store(t).start()
        if nch >= 2:
            store(nch - 2).wait()
        store(nch - 1).wait()

    return sc_kernel(x, jnp.asarray(ridx_np), jnp.asarray(cidx_np))


def kernel(x):
    b, _ = x.shape
    split = (3 * b) // 4
    top = _tc_mask_rows(x, split, rows=4096)
    bot = _sc_mask_rows(x, split, b)
    return jnp.concatenate([top, bot], axis=0)

# --- scband reference (transcript-rebuilt; emitter-appended) ---
"""Pipeline reference for scband-particle-masking-46961172415072 (READ-ONLY COPY).

The authoritative reference and input builder live on the scoring server;
editing this copy changes nothing except your own understanding.
"""

import jax, jax.numpy as jnp
import numpy as np

N_FEATURES = 256
BATCH = 16384
MASK_VALUE = 0.0

# Feature map: 8 objects, each owning 32 contiguous columns (as if loaded
# from object_feature_map_path).
_OBJ_NAMES = ["jet1", "jet2", "jet3", "jet4", "lepton1", "lepton2", "met", "photon"]
OBJECT_COLUMNS = {name: list(range(i * 32, (i + 1) * 32)) for i, name in enumerate(_OBJ_NAMES)}
OBJECT_PROBS = {"jet1": 0.1, "jet2": 0.1, "jet3": 0.1, "jet4": 0.1,
                "lepton1": 0.15, "lepton2": 0.15, "met": 0.05, "photon": 0.05}


def setup_inputs(seed: int = 0) -> dict:
    key = jax.random.key(seed)
    x = jax.random.normal(key, (BATCH, N_FEATURES), dtype=jnp.float32)
    return {"x": x}


def reference(x):
    # training mode: apply per-object column-wise masking
    batch_size, n_feat = x.shape
    rng = jax.random.key(42)
    out = x
    for i, (obj, prob) in enumerate(OBJECT_PROBS.items()):
        if prob <= 0.0:
            continue
        cols = OBJECT_COLUMNS.get(obj)
        if not cols:
            continue
        cols_t = jnp.asarray(cols, dtype=jnp.int32)
        k = jax.random.fold_in(rng, i)
        row_mask = jax.random.uniform(k, (batch_size,)) < prob  # (B,)
        col_mask = jnp.zeros((n_feat,), dtype=bool).at[cols_t].set(True)  # (F,)
        full_mask = row_mask[:, None] & col_mask[None, :]
        out = jnp.where(full_mask, jnp.float32(MASK_VALUE), out)
    return out

if __name__ == "__main__":
    import jax
    _d = setup_inputs()
    print(jax.jit(kernel)(*tuple(_d.values())))

</pallas_src>

<mosaic_0001>
#map = affine_map<(d0, d1) -> (0, 0)>
module attributes {stable_mosaic.version = 14 : i64} {
  func.func @sc_kernel(%arg0: i32, %arg1: i32, %arg2: memref<16384x256xf32, #tpu.memory_space<hbm>>, %arg3: memref<32x128xi32, #tpu.memory_space<hbm>>, %arg4: memref<32x128xi32, #tpu.memory_space<hbm>>, %arg5: memref<4096x256xf32, #tpu.memory_space<hbm>>, %arg6: memref<128x256xf32, #tpu.memory_space<vmem>>, %arg7: memref<128x256xf32, #tpu.memory_space<vmem>>, %arg8: memref<128xi32, #tpu.memory_space<vmem>>, %arg9: memref<128xi32, #tpu.memory_space<vmem>>, %arg10: memref<!tpu.dma_semaphore, #tpu.memory_space<semaphore_mem>>, %arg11: memref<!tpu.dma_semaphore, #tpu.memory_space<semaphore_mem>>, %arg12: memref<!tpu.dma_semaphore, #tpu.memory_space<semaphore_mem>>, %arg13: memref<!tpu.dma_semaphore, #tpu.memory_space<semaphore_mem>>) attributes {dimension_semantics = [#tpu.dimension_semantics<core_parallel>, #tpu.dimension_semantics<subcore_parallel>], iteration_bounds = array<i64: 2, 16>, scalar_prefetch = 0 : i64, scratch_operands = 8 : i64, tpu.core_type = #tpu.core_type<sc_vector_subcore>, window_params = [{transform_indices = #map}, {transform_indices = #map}, {transform_indices = #map}, {transform_indices = #map}]} {
    %mul3A = arith.constant 2 : i32
    %mul3A_0 = arith.muli %arg1, %mul3A : i32
    %add3A = arith.addi %mul3A_0, %arg0 : i32
    %mul3A_1 = arith.constant 128 : i32
    %mul3A_2 = arith.muli %add3A, %mul3A_1 : i32
    %add3A_3 = arith.constant 12288 : i32
    %add3A_4 = arith.addi %add3A_3, %mul3A_2 : i32
    %mul3A_5 = arith.constant 128 : i32
    %mul3A_6 = arith.muli %add3A, %mul3A_5 : i32
    "tpu.region"() ({
      %run_scoped3A = tpu.sem_alloc : memref<!tpu.dma_semaphore, #tpu.memory_space<semaphore_mem>>
      %dma_start3A_829 = arith.constant 0 : i32
      %dma_start3A_830 = tpu.memref_slice %arg3[%add3A, %dma_start3A_829] : memref<32x128xi32, #tpu.memory_space<hbm>> -> memref<1x128xi32, #tpu.memory_space<hbm>>
      %dma_start3A_831 = tpu.memref_squeeze %dma_start3A_830 : memref<1x128xi32, #tpu.memory_space<hbm>> -> memref<128xi32, #tpu.memory_space<hbm>>
      %dma_start3A_832 = arith.constant 0 : i32
      %dma_start3A_833 = tpu.memref_slice %arg3[%add3A, %dma_start3A_832] : memref<32x128xi32, #tpu.memory_space<hbm>> -> memref<1x128xi32, #tpu.memory_space<hbm>>
      %dma_start3A_834 = tpu.memref_squeeze %dma_start3A_833 : memref<1x128xi32, #tpu.memory_space<hbm>> -> memref<128xi32, #tpu.memory_space<hbm>>
      tpu.enqueue_dma source(%dma_start3A_834 : memref<128xi32, #tpu.memory_space<hbm>>) target(%arg8 : memref<128xi32, #tpu.memory_space<vmem>>) target_semaphore(%run_scoped3A : memref<!tpu.dma_semaphore, #tpu.memory_space<semaphore_mem>>)
      %dma_wait3A_835 = arith.constant 0 : i32
      %dma_wait3A_836 = tpu.memref_slice %arg3[%add3A, %dma_wait3A_835] : memref<32x128xi32, #tpu.memory_space<hbm>> -> memref<1x128xi32, #tpu.memory_space<hbm>>
      %dma_wait3A_837 = tpu.memref_squeeze %dma_wait3A_836 : memref<1x128xi32, #tpu.memory_space<hbm>> -> memref<128xi32, #tpu.memory_space<hbm>>
      %dma_wait3A_838 = arith.constant 0 : i32
      %dma_wait3A_839 = tpu.memref_slice %arg3[%add3A, %dma_wait3A_838] : memref<32x128xi32, #tpu.memory_space<hbm>> -> memref<1x128xi32, #tpu.memory_space<hbm>>
      %dma_wait3A_840 = tpu.memref_squeeze %dma_wait3A_839 : memref<1x128xi32, #tpu.memory_space<hbm>> -> memref<128xi32, #tpu.memory_space<hbm>>
      tpu.wait_dma2 semaphore(%run_scoped3A : memref<!tpu.dma_semaphore, #tpu.memory_space<semaphore_mem>>) src(%dma_wait3A_840 : memref<128xi32, #tpu.memory_space<hbm>>) dst(%arg8 : memref<128xi32, #tpu.memory_space<vmem>>)
      tpu.yield
    }) : () -> ()
    "tpu.region"() ({
      %run_scoped3A = tpu.sem_alloc : memref<!tpu.dma_semaphore, #tpu.memory_space<semaphore_mem>>
      %dma_start3A_829 = arith.constant 0 : i32
      %dma_start3A_830 = tpu.memref_slice %arg4[%add3A, %dma_start3A_829] : memref<32x128xi32, #tpu.memory_space<hbm>> -> memref<1x128xi32, #tpu.memory_space<hbm>>
      %dma_start3A_831 = tpu.memref_squeeze %dma_start3A_830 : memref<1x128xi32, #tpu.memory_space<hbm>> -> memref<128xi32, #tpu.memory_space<hbm>>
      %dma_start3A_832 = arith.constant 0 : i32
      %dma_start3A_833 = tpu.memref_slice %arg4[%add3A, %dma_start3A_832] : memref<32x128xi32, #tpu.memory_space<hbm>> -> memref<1x128xi32, #tpu.memory_space<hbm>>
      %dma_start3A_834 = tpu.memref_squeeze %dma_start3A_833 : memref<1x128xi32, #tpu.memory_space<hbm>> -> memref<128xi32, #tpu.memory_space<hbm>>
      tpu.enqueue_dma source(%dma_start3A_834 : memref<128xi32, #tpu.memory_space<hbm>>) target(%arg9 : memref<128xi32, #tpu.memory_space<vmem>>) target_semaphore(%run_scoped3A : memref<!tpu.dma_semaphore, #tpu.memory_space<semaphore_mem>>)
      %dma_wait3A_835 = arith.constant 0 : i32
      %dma_wait3A_836 = tpu.memref_slice %arg4[%add3A, %dma_wait3A_835] : memref<32x128xi32, #tpu.memory_space<hbm>> -> memref<1x128xi32, #tpu.memory_space<hbm>>
      %dma_wait3A_837 = tpu.memref_squeeze %dma_wait3A_836 : memref<1x128xi32, #tpu.memory_space<hbm>> -> memref<128xi32, #tpu.memory_space<hbm>>
      %dma_wait3A_838 = arith.constant 0 : i32
      %dma_wait3A_839 = tpu.memref_slice %arg4[%add3A, %dma_wait3A_838] : memref<32x128xi32, #tpu.memory_space<hbm>> -> memref<1x128xi32, #tpu.memory_space<hbm>>
      %dma_wait3A_840 = tpu.memref_squeeze %dma_wait3A_839 : memref<1x128xi32, #tpu.memory_space<hbm>> -> memref<128xi32, #tpu.memory_space<hbm>>
      tpu.wait_dma2 semaphore(%run_scoped3A : memref<!tpu.dma_semaphore, #tpu.memory_space<semaphore_mem>>) src(%dma_wait3A_840 : memref<128xi32, #tpu.memory_space<hbm>>) dst(%arg9 : memref<128xi32, #tpu.memory_space<vmem>>)
      tpu.yield
    }) : () -> ()
    %broadcast_in_dim3A = arith.constant 0.000000e+00 : f32
    %broadcast_in_dim3A_7 = vector.broadcast %broadcast_in_dim3A : f32 to vector<16xf32>
    %add3A_8 = arith.constant 0 : i32
    %add3A_9 = arith.addi %add3A_4, %add3A_8 : i32
    %dma_start3A = arith.constant 0 : i32
    %dma_start3A_10 = tpu.memref_slice %arg2[%add3A_9, %dma_start3A] : memref<16384x256xf32, #tpu.memory_space<hbm>> -> memref<128x256xf32, #tpu.memory_space<hbm>>
    %dma_start3A_11 = arith.constant 0 : i32
    %dma_start3A_12 = tpu.memref_slice %arg2[%add3A_9, %dma_start3A_11] : memref<16384x256xf32, #tpu.memory_space<hbm>> -> memref<128x256xf32, #tpu.memory_space<hbm>>
    tpu.enqueue_dma source(%dma_start3A_12 : memref<128x256xf32, #tpu.memory_space<hbm>>) target(%arg6 : memref<128x256xf32, #tpu.memory_space<vmem>>) target_semaphore(%arg10 : memref<!tpu.dma_semaphore, #tpu.memory_space<semaphore_mem>>)
    %add3A_13 = arith.constant 0 : i32
    %add3A_14 = arith.addi %add3A_4, %add3A_13 : i32
    %dma_wait3A = arith.constant 0 : i32
    %dma_wait3A_15 = tpu.memref_slice %arg2[%add3A_14, %dma_wait3A] : memref<16384x256xf32, #tpu.memory_space<hbm>> -> memref<128x256xf32, #tpu.memory_space<hbm>>
    %dma_wait3A_16 = arith.constant 0 : i32
    %dma_wait3A_17 = tpu.memref_slice %arg2[%add3A_14, %dma_wait3A_16] : memref<16384x256xf32, #tpu.memory_space<hbm>> -> memref<128x256xf32, #tpu.memory_space<hbm>>
    tpu.wait_dma2 semaphore(%arg10 : memref<!tpu.dma_semaphore, #tpu.memory_space<semaphore_mem>>) src(%dma_wait3A_17 : memref<128x256xf32, #tpu.memory_space<hbm>>) dst(%arg6 : memref<128x256xf32, #tpu.memory_space<vmem>>)
    %get3A = arith.constant 0 : index
    %get3A_18 = tpu.vector_load %arg8[%get3A] {strides = array<i32>} : memref<128xi32, #tpu.memory_space<vmem>>, vector<16xi32>,
    %get3A_19 = arith.constant 0 : index
    %get3A_20 = tpu.vector_load %arg9[%get3A_19] {strides = array<i32>} : memref<128xi32, #tpu.memory_space<vmem>>, vector<16xi32>,
    %add3A_21 = arith.constant 0 : i32
    %add3A_22 = vector.broadcast %add3A_21 : i32 to vector<16xi32>
    %add3A_23 = arith.addi %get3A_20, %add3A_22 : vector<16xi32>
    tpu.vector_store_idx %arg6[%get3A_18, %add3A_23], %broadcast_in_dim3A_7 : memref<128x256xf32, #tpu.memory_space<vmem>>[vector<16xi32>, vector<16xi32>], vector<16xf32>,
    %add3A_24 = arith.constant 1 : i32
    %add3A_25 = vector.broadcast %add3A_24 : i32 to vector<16xi32>
    %add3A_26 = arith.addi %get3A_20, %add3A_25 : vector<16xi32>
    tpu.vector_store_idx %arg6[%get3A_18, %add3A_26], %broadcast_in_dim3A_7 : memref<128x256xf32, #tpu.memory_space<vmem>>[vector<16xi32>, vector<16xi32>], vector<16xf32>,
    %add3A_27 = arith.constant 2 : i32
    %add3A_28 = vector.broadcast %add3A_27 : i32 to vector<16xi32>
    %add3A_29 = arith.addi %get3A_20, %add3A_28 : vector<16xi32>
    tpu.vector_store_idx %arg6[%get3A_18, %add3A_29], %broadcast_in_dim3A_7 : memref<128x256xf32, #tpu.memory_space<vmem>>[vector<16xi32>, vector<16xi32>], vector<16xf32>,
    %add3A_30 = arith.constant 3 : i32
    %add3A_31 = vector.broadcast %add3A_30 : i32 to vector<16xi32>
    %add3A_32 = arith.addi %get3A_20, %add3A_31 : vector<16xi32>
    tpu.vector_store_idx %arg6[%get3A_18, %add3A_32], %broadcast_in_dim3A_7 : memref<128x256xf32, #tpu.memory_space<vmem>>[vector<16xi32>, vector<16xi32>], vector<16xf32>,
    %add3A_33 = arith.constant 4 : i32
    %add3A_34 = vector.broadcast %add3A_33 : i32 to vector<16xi32>
    %add3A_35 = arith.addi %get3A_20, %add3A_34 : vector<16xi32>
    tpu.vector_store_idx %arg6[%get3A_18, %add3A_35], %broadcast_in_dim3A_7 : memref<128x256xf32, #tpu.memory_space<vmem>>[vector<16xi32>, vector<16xi32>], vector<16xf32>,
    %add3A_36 = arith.constant 5 : i32
    %add3A_37 = vector.broadcast %add3A_36 : i32 to vector<16xi32>
    %add3A_38 = arith.addi %get3A_20, %add3A_37 : vector<16xi32>
    tpu.vector_store_idx %arg6[%get3A_18, %add3A_38], %broadcast_in_dim3A_7 : memref<128x256xf32, #tpu.memory_space<vmem>>[vector<16xi32>, vector<16xi32>], vector<16xf32>,
    %add3A_39 = arith.constant 6 : i32
    %add3A_40 = vector.broadcast %add3A_39 : i32 to vector<16xi32>
    %add3A_41 = arith.addi %get3A_20, %add3A_40 : vector<16xi32>
    tpu.vector_store_idx %arg6[%get3A_18, %add3A_41], %broadcast_in_dim3A_7 : memref<128x256xf32, #tpu.memory_space<vmem>>[vector<16xi32>, vector<16xi32>], vector<16xf32>,
    %add3A_42 = arith.constant 7 : i32
    %add3A_43 = vector.broadcast %add3A_42 : i32 to vector<16xi32>
    %add3A_44 = arith.addi %get3A_20, %add3A_43 : vector<16xi32>
    tpu.vector_store_idx %arg6[%get3A_18, %add3A_44], %broadcast_in_dim3A_7 : memref<128x256xf32, #tpu.memory_space<vmem>>[vector<16xi32>, vector<16xi32>], vector<16xf32>,
    %add3A_45 = arith.constant 8 : i32
    %add3A_46 = vector.broadcast %add3A_45 : i32 to vector<16xi32>
    %add3A_47 = arith.addi %get3A_20, %add3A_46 : vector<16xi32>
    tpu.vector_store_idx %arg6[%get3A_18, %add3A_47], %broadcast_in_dim3A_7 : memref<128x256xf32, #tpu.memory_space<vmem>>[vector<16xi32>, vector<16xi32>], vector<16xf32>,
    %add3A_48 = arith.constant 9 : i32
    %add3A_49 = vector.broadcast %add3A_48 : i32 to vector<16xi32>
    %add3A_50 = arith.addi %get3A_20, %add3A_49 : vector<16xi32>
    tpu.vector_store_idx %arg6[%get3A_18, %add3A_50], %broadcast_in_dim3A_7 : memref<128x256xf32, #tpu.memory_space<vmem>>[vector<16xi32>, vector<16xi32>], vector<16xf32>,
    %add3A_51 = arith.constant 10 : i32
    %add3A_52 = vector.broadcast %add3A_51 : i32 to vector<16xi32>
    %add3A_53 = arith.addi %get3A_20, %add3A_52 : vector<16xi32>
    tpu.vector_store_idx %arg6[%get3A_18, %add3A_53], %broadcast_in_dim3A_7 : memref<128x256xf32, #tpu.memory_space<vmem>>[vector<16xi32>, vector<16xi32>], vector<16xf32>,
    %add3A_54 = arith.constant 11 : i32
    %add3A_55 = vector.broadcast %add3A_54 : i32 to vector<16xi32>
    %add3A_56 = arith.addi %get3A_20, %add3A_55 : vector<16xi32>
    tpu.vector_store_idx %arg6[%get3A_18, %add3A_56], %broadcast_in_dim3A_7 : memref<128x256xf32, #tpu.memory_space<vmem>>[vector<16xi32>, vector<16xi32>], vector<16xf32>,
    %add3A_57 = arith.constant 12 : i32
    %add3A_58 = vector.broadcast %add3A_57 : i32 to vector<16xi32>
    %add3A_59 = arith.addi %get3A_20, %add3A_58 : vector<16xi32>
    tpu.vector_store_idx %arg6[%get3A_18, %add3A_59], %broadcast_in_dim3A_7 : memref<128x256xf32, #tpu.memory_space<vmem>>[vector<16xi32>, vector<16xi32>], vector<16xf32>,
    %add3A_60 = arith.constant 13 : i32
    %add3A_61 = vector.broadcast %add3A_60 : i32 to vector<16xi32>
    %add3A_62 = arith.addi %get3A_20, %add3A_61 : vector<16xi32>
    tpu.vector_store_idx %arg6[%get3A_18, %add3A_62], %broadcast_in_dim3A_7 : memref<128x256xf32, #tpu.memory_space<vmem>>[vector<16xi32>, vector<16xi32>], vector<16xf32>,
    %add3A_63 = arith.constant 14 : i32
    %add3A_64 = vector.broadcast %add3A_63 : i32 to vector<16xi32>
    %add3A_65 = arith.addi %get3A_20, %add3A_64 : vector<16xi32>
    tpu.vector_store_idx %arg6[%get3A_18, %add3A_65], %broadcast_in_dim3A_7 : memref<128x256xf32, #tpu.memory_space<vmem>>[vector<16xi32>, vector<16xi32>], vector<16xf32>,
    %add3A_66 = arith.constant 15 : i32
    %add3A_67 = vector.broadcast %add3A_66 : i32 to vector<16xi32>
    %add3A_68 = arith.addi %get3A_20, %add3A_67 : vector<16xi32>
    tpu.vector_store_idx %arg6[%get3A_18, %add3A_68], %broadcast_in_dim3A_7 : memref<128x256xf32, #tpu.memory_space<vmem>>[vector<16xi32>, vector<16xi32>], vector<16xf32>,
    %add3A_69 = arith.constant 16 : i32
    %add3A_70 = vector.broadcast %add3A_69 : i32 to vector<16xi32>
    %add3A_71 = arith.addi %get3A_20, %add3A_70 : vector<16xi32>
    tpu.vector_store_idx %arg6[%get3A_18, %add3A_71], %broadcast_in_dim3A_7 : memref<128x256xf32, #tpu.memory_space<vmem>>[vector<16xi32>, vector<16xi32>], vector<16xf32>,
    %add3A_72 = arith.constant 17 : i32
    %add3A_73 = vector.broadcast %add3A_72 : i32 to vector<16xi32>
    %add3A_74 = arith.addi %get3A_20, %add3A_73 : vector<16xi32>
    tpu.vector_store_idx %arg6[%get3A_18, %add3A_74], %broadcast_in_dim3A_7 : memref<128x256xf32, #tpu.memory_space<vmem>>[vector<16xi32>, vector<16xi32>], vector<16xf32>,
    %add3A_75 = arith.constant 18 : i32
    %add3A_76 = vector.broadcast %add3A_75 : i32 to vector<16xi32>
    %add3A_77 = arith.addi %get3A_20, %add3A_76 : vector<16xi32>
    tpu.vector_store_idx %arg6[%get3A_18, %add3A_77], %broadcast_in_dim3A_7 : memref<128x256xf32, #tpu.memory_space<vmem>>[vector<16xi32>, vector<16xi32>], vector<16xf32>,
    %add3A_78 = arith.constant 19 : i32
    %add3A_79 = vector.broadcast %add3A_78 : i32 to vector<16xi32>
    %add3A_80 = arith.addi %get3A_20, %add3A_79 : vector<16xi32>
    tpu.vector_store_idx %arg6[%get3A_18, %add3A_80], %broadcast_in_dim3A_7 : memref<128x256xf32, #tpu.memory_space<vmem>>[vector<16xi32>, vector<16xi32>], vector<16xf32>,
    %add3A_81 = arith.constant 20 : i32
    %add3A_82 = vector.broadcast %add3A_81 : i32 to vector<16xi32>
    %add3A_83 = arith.addi %get3A_20, %add3A_82 : vector<16xi32>
    tpu.vector_store_idx %arg6[%get3A_18, %add3A_83], %broadcast_in_dim3A_7 : memref<128x256xf32, #tpu.memory_space<vmem>>[vector<16xi32>, vector<16xi32>], vector<16xf32>,
    %add3A_84 = arith.constant 21 : i32
    %add3A_85 = vector.broadcast %add3A_84 : i32 to vector<16xi32>
    %add3A_86 = arith.addi %get3A_20, %add3A_85 : vector<16xi32>
    tpu.vector_store_idx %arg6[%get3A_18, %add3A_86], %broadcast_in_dim3A_7 : memref<128x256xf32, #tpu.memory_space<vmem>>[vector<16xi32>, vector<16xi32>], vector<16xf32>,
    %add3A_87 = arith.constant 22 : i32
    %add3A_88 = vector.broadcast %add3A_87 : i32 to vector<16xi32>
    %add3A_89 = arith.addi %get3A_20, %add3A_88 : vector<16xi32>
    tpu.vector_store_idx %arg6[%get3A_18, %add3A_89], %broadcast_in_dim3A_7 : memref<128x256xf32, #tpu.memory_space<vmem>>[vector<16xi32>, vector<16xi32>], vector<16xf32>,
    %add3A_90 = arith.constant 23 : i32
    %add3A_91 = vector.broadcast %add3A_90 : i32 to vector<16xi32>
    %add3A_92 = arith.addi %get3A_20, %add3A_91 : vector<16xi32>
    tpu.vector_store_idx %arg6[%get3A_18, %add3A_92], %broadcast_in_dim3A_7 : memref<128x256xf32, #tpu.memory_space<vmem>>[vector<16xi32>, vector<16xi32>], vector<16xf32>,
    %add3A_93 = arith.constant 24 : i32
    %add3A_94 = vector.broadcast %add3A_93 : i32 to vector<16xi32>
    %add3A_95 = arith.addi %get3A_20, %add3A_94 : vector<16xi32>
    tpu.vector_store_idx %arg6[%get3A_18, %add3A_95], %broadcast_in_dim3A_7 : memref<128x256xf32, #tpu.memory_space<vmem>>[vector<16xi32>, vector<16xi32>], vector<16xf32>,
    %add3A_96 = arith.constant 25 : i32
    %add3A_97 = vector.broadcast %add3A_96 : i32 to vector<16xi32>
    %add3A_98 = arith.addi %get3A_20, %add3A_97 : vector<16xi32>
    tpu.vector_store_idx %arg6[%get3A_18, %add3A_98], %broadcast_in_dim3A_7 : memref<128x256xf32, #tpu.memory_space<vmem>>[vector<16xi32>, vector<16xi32>], vector<16xf32>,
    %add3A_99 = arith.constant 26 : i32
    %add3A_100 = vector.broadcast %add3A_99 : i32 to vector<16xi32>
    %add3A_101 = arith.addi %get3A_20, %add3A_100 : vector<16xi32>
    tpu.vector_store_idx %arg6[%get3A_18, %add3A_101], %broadcast_in_dim3A_7 : memref<128x256xf32, #tpu.memory_space<vmem>>[vector<16xi32>, vector<16xi32>], vector<16xf32>,
    %add3A_102 = arith.constant 27 : i32
    %add3A_103 = vector.broadcast %add3A_102 : i32 to vector<16xi32>
    %add3A_104 = arith.addi %get3A_20, %add3A_103 : vector<16xi32>
    tpu.vector_store_idx %arg6[%get3A_18, %add3A_104], %broadcast_in_dim3A_7 : memref<128x256xf32, #tpu.memory_space<vmem>>[vector<16xi32>, vector<16xi32>], vector<16xf32>,
    %add3A_105 = arith.constant 28 : i32
    %add3A_106 = vector.broadcast %add3A_105 : i32 to vector<16xi32>
    %add3A_107 = arith.addi %get3A_20, %add3A_106 : vector<16xi32>
    tpu.vector_store_idx %arg6[%get3A_18, %add3A_107], %broadcast_in_dim3A_7 : memref<128x256xf32, #tpu.memory_space<vmem>>[vector<16xi32>, vector<16xi32>], vector<16xf32>,
    %add3A_108 = arith.constant 29 : i32
    %add3A_109 = vector.broadcast %add3A_108 : i32 to vector<16xi32>
    %add3A_110 = arith.addi %get3A_20, %add3A_109 : vector<16xi32>
    tpu.vector_store_idx %arg6[%get3A_18, %add3A_110], %broadcast_in_dim3A_7 : memref<128x256xf32, #tpu.memory_space<vmem>>[vector<16xi32>, vector<16xi32>], vector<16xf32>,
    %add3A_111 = arith.constant 30 : i32
    %add3A_112 = vector.broadcast %add3A_111 : i32 to vector<16xi32>
    %add3A_113 = arith.addi %get3A_20, %add3A_112 : vector<16xi32>
    tpu.vector_store_idx %arg6[%get3A_18, %add3A_113], %broadcast_in_dim3A_7 : memref<128x256xf32, #tpu.memory_space<vmem>>[vector<16xi32>, vector<16xi32>], vector<16xf32>,
    %add3A_114 = arith.constant 31 : i32
    %add3A_115 = vector.broadcast %add3A_114 : i32 to vector<16xi32>
    %add3A_116 = arith.addi %get3A_20, %add3A_115 : vector<16xi32>
    tpu.vector_store_idx %arg6[%get3A_18, %add3A_116], %broadcast_in_dim3A_7 : memref<128x256xf32, #tpu.memory_space<vmem>>[vector<16xi32>, vector<16xi32>], vector<16xf32>,
    %get3A_117 = arith.constant 16 : index
    %get3A_118 = tpu.vector_load %arg8[%get3A_117] {strides = array<i32>} : memref<128xi32, #tpu.memory_space<vmem>>, vector<16xi32>,
    %get3A_119 = arith.constant 16 : index
    %get3A_120 = tpu.vector_load %arg9[%get3A_119] {strides = array<i32>} : memref<128xi32, #tpu.memory_space<vmem>>, vector<16xi32>,
    %add3A_121 = arith.constant 0 : i32
    %add3A_122 = vector.broadcast %add3A_121 : i32 to vector<16xi32>
    %add3A_123 = arith.addi %get3A_120, %add3A_122 : vector<16xi32>
    tpu.vector_store_idx %arg6[%get3A_118, %add3A_123], %broadcast_in_dim3A_7 : memref<128x256xf32, #tpu.memory_space<vmem>>[vector<16xi32>, vector<16xi32>], vector<16xf32>,
    %add3A_124 = arith.constant 1 : i32
    %add3A_125 = vector.broadcast %add3A_124 : i32 to vector<16xi32>
    %add3A_126 = arith.addi %get3A_120, %add3A_125 : vector<16xi32>
    tpu.vector_store_idx %arg6[%get3A_118, %add3A_126], %broadcast_in_dim3A_7 : memref<128x256xf32, #tpu.memory_space<vmem>>[vector<16xi32>, vector<16xi32>], vector<16xf32>,
    %add3A_127 = arith.constant 2 : i32
    %add3A_128 = vector.broadcast %add3A_127 : i32 to vector<16xi32>
    %add3A_129 = arith.addi %get3A_120, %add3A_128 : vector<16xi32>
    tpu.vector_store_idx %arg6[%get3A_118, %add3A_129], %broadcast_in_dim3A_7 : memref<128x256xf32, #tpu.memory_space<vmem>>[vector<16xi32>, vector<16xi32>], vector<16xf32>,
    %add3A_130 = arith.constant 3 : i32
    %add3A_131 = vector.broadcast %add3A_130 : i32 to vector<16xi32>
    %add3A_132 = arith.addi %get3A_120, %add3A_131 : vector<16xi32>
    tpu.vector_store_idx %arg6[%get3A_118, %add3A_132], %broadcast_in_dim3A_7 : memref<128x256xf32, #tpu.memory_space<vmem>>[vector<16xi32>, vector<16xi32>], vector<16xf32>,
    %add3A_133 = arith.constant 4 : i32
    %add3A_134 = vector.broadcast %add3A_133 : i32 to vector<16xi32>
    %add3A_135 = arith.addi %get3A_120, %add3A_134 : vector<16xi32>
    tpu.vector_store_idx %arg6[%get3A_118, %add3A_135], %broadcast_in_dim3A_7 : memref<128x256xf32, #tpu.memory_space<vmem>>[vector<16xi32>, vector<16xi32>], vector<16xf32>,
    %add3A_136 = arith.constant 5 : i32
    %add3A_137 = vector.broadcast %add3A_136 : i32 to vector<16xi32>
    %add3A_138 = arith.addi %get3A_120, %add3A_137 : vector<16xi32>
    tpu.vector_store_idx %arg6[%get3A_118, %add3A_138], %broadcast_in_dim3A_7 : memref<128x256xf32, #tpu.memory_space<vmem>>[vector<16xi32>, vector<16xi32>], vector<16xf32>,
    %add3A_139 = arith.constant 6 : i32
    %add3A_140 = vector.broadcast %add3A_139 : i32 to vector<16xi32>
    %add3A_141 = arith.addi %get3A_120, %add3A_140 : vector<16xi32>
    tpu.vector_store_idx %arg6[%get3A_118, %add3A_141], %broadcast_in_dim3A_7 : memref<128x256xf32, #tpu.memory_space<vmem>>[vector<16xi32>, vector<16xi32>], vector<16xf32>,
    %add3A_142 = arith.constant 7 : i32
    %add3A_143 = vector.broadcast %add3A_142 : i32 to vector<16xi32>
    %add3A_144 = arith.addi %get3A_120, %add3A_143 : vector<16xi32>
    tpu.vector_store_idx %arg6[%get3A_118, %add3A_144], %broadcast_in_dim3A_7 : memref<128x256xf32, #tpu.memory_space<vmem>>[vector<16xi32>, vector<16xi32>], vector<16xf32>,
    %add3A_145 = arith.constant 8 : i32
    %add3A_146 = vector.broadcast %add3A_145 : i32 to vector<16xi32>
    %add3A_147 = arith.addi %get3A_120, %add3A_146 : vector<16xi32>
    tpu.vector_store_idx %arg6[%get3A_118, %add3A_147], %broadcast_in_dim3A_7 : memref<128x256xf32, #tpu.memory_space<vmem>>[vector<16xi32>, vector<16xi32>], vector<16xf32>,
    %add3A_148 = arith.constant 9 : i32
    %add3A_149 = vector.broadcast %add3A_148 : i32 to vector<16xi32>
    %add3A_150 = arith.addi %get3A_120, %add3A_149 : vector<16xi32>
    tpu.vector_store_idx %arg6[%get3A_118, %add3A_150], %broadcast_in_dim3A_7 : memref<128x256xf32, #tpu.memory_space<vmem>>[vector<16xi32>, vector<16xi32>], vector<16xf32>,
    %add3A_151 = arith.constant 10 : i32
    %add3A_152 = vector.broadcast %add3A_151 : i32 to vector<16xi32>
    %add3A_153 = arith.addi %get3A_120, %add3A_152 : vector<16xi32>
    tpu.vector_store_idx %arg6[%get3A_118, %add3A_153], %broadcast_in_dim3A_7 : memref<128x256xf32, #tpu.memory_space<vmem>>[vector<16xi32>, vector<16xi32>], vector<16xf32>,
    %add3A_154 = arith.constant 11 : i32
    %add3A_155 = vector.broadcast %add3A_154 : i32 to vector<16xi32>
    %add3A_156 = arith.addi %get3A_120, %add3A_155 : vector<16xi32>
    tpu.vector_store_idx %arg6[%get3A_118, %add3A_156], %broadcast_in_dim3A_7 : memref<128x256xf32, #tpu.memory_space<vmem>>[vector<16xi32>, vector<16xi32>], vector<16xf32>,
    %add3A_157 = arith.constant 12 : i32
    %add3A_158 = vector.broadcast %add3A_157 : i32 to vector<16xi32>
    %add3A_159 = arith.addi %get3A_120, %add3A_158 : vector<16xi32>
    tpu.vector_store_idx %arg6[%get3A_118, %add3A_159], %broadcast_in_dim3A_7 : memref<128x256xf32, #tpu.memory_space<vmem>>[vector<16xi32>, vector<16xi32>], vector<16xf32>,
    %add3A_160 = arith.constant 13 : i32
    %add3A_161 = vector.broadcast %add3A_160 : i32 to vector<16xi32>
    %add3A_162 = arith.addi %get3A_120, %add3A_161 : vector<16xi32>
    tpu.vector_store_idx %arg6[%get3A_118, %add3A_162], %broadcast_in_dim3A_7 : memref<128x256xf32, #tpu.memory_space<vmem>>[vector<16xi32>, vector<16xi32>], vector<16xf32>,
    %add3A_163 = arith.constant 14 : i32
    %add3A_164 = vector.broadcast %add3A_163 : i32 to vector<16xi32>
    %add3A_165 = arith.addi %get3A_120, %add3A_164 : vector<16xi32>
    tpu.vector_store_idx %arg6[%get3A_118, %add3A_165], %broadcast_in_dim3A_7 : memref<128x256xf32, #tpu.memory_space<vmem>>[vector<16xi32>, vector<16xi32>], vector<16xf32>,
    %add3A_166 = arith.constant 15 : i32
    %add3A_167 = vector.broadcast %add3A_166 : i32 to vector<16xi32>
    %add3A_168 = arith.addi %get3A_120, %add3A_167 : vector<16xi32>
    tpu.vector_store_idx %arg6[%get3A_118, %add3A_168], %broadcast_in_dim3A_7 : memref<128x256xf32, #tpu.memory_space<vmem>>[vector<16xi32>, vector<16xi32>], vector<16xf32>,
    %add3A_169 = arith.constant 16 : i32
    %add3A_170 = vector.broadcast %add3A_169 : i32 to vector<16xi32>
    %add3A_171 = arith.addi %get3A_120, %add3A_170 : vector<16xi32>
    tpu.vector_store_idx %arg6[%get3A_118, %add3A_171], %broadcast_in_dim3A_7 : memref<128x256xf32, #tpu.memory_space<vmem>>[vector<16xi32>, vector<16xi32>], vector<16xf32>,
    %add3A_172 = arith.constant 17 : i32
    %add3A_173 = vector.broadcast %add3A_172 : i32 to vector<16xi32>
    %add3A_174 = arith.addi %get3A_120, %add3A_173 : vector<16xi32>
    tpu.vector_store_idx %arg6[%get3A_118, %add3A_174], %broadcast_in_dim3A_7 : memref<128x256xf32, #tpu.memory_space<vmem>>[vector<16xi32>, vector<16xi32>], vector<16xf32>,
    %add3A_175 = arith.constant 18 : i32
    %add3A_176 = vector.broadcast %add3A_175 : i32 to vector<16xi32>
    %add3A_177 = arith.addi %get3A_120, %add3A_176 : vector<16xi32>
    tpu.vector_store_idx %arg6[%get3A_118, %add3A_177], %broadcast_in_dim3A_7 : memref<128x256xf32, #tpu.memory_space<vmem>>[vector<16xi32>, vector<16xi32>], vector<16xf32>,
    %add3A_178 = arith.constant 19 : i32
    %add3A_179 = vector.broadcast %add3A_178 : i32 to vector<16xi32>
    %add3A_180 = arith.addi %get3A_120, %add3A_179 : vector<16xi32>
    tpu.vector_store_idx %arg6[%get3A_118, %add3A_180], %broadcast_in_dim3A_7 : memref<128x256xf32, #tpu.memory_space<vmem>>[vector<16xi32>, vector<16xi32>], vector<16xf32>,
    %add3A_181 = arith.constant 20 : i32
    %add3A_182 = vector.broadcast %add3A_181 : i32 to vector<16xi32>
    %add3A_183 = arith.addi %get3A_120, %add3A_182 : vector<16xi32>
    tpu.vector_store_idx %arg6[%get3A_118, %add3A_183], %broadcast_in_dim3A_7 : memref<128x256xf32, #tpu.memory_space<vmem>>[vector<16xi32>, vector<16xi32>], vector<16xf32>,
    %add3A_184 = arith.constant 21 : i32
    %add3A_185 = vector.broadcast %add3A_184 : i32 to vector<16xi32>
    %add3A_186 = arith.addi %get3A_120, %add3A_185 : vector<16xi32>
    tpu.vector_store_idx %arg6[%get3A_118, %add3A_186], %broadcast_in_dim3A_7 : memref<128x256xf32, #tpu.memory_space<vmem>>[vector<16xi32>, vector<16xi32>], vector<16xf32>,
    %add3A_187 = arith.constant 22 : i32
    %add3A_188 = vector.broadcast %add3A_187 : i32 to vector<16xi32>
    %add3A_189 = arith.addi %get3A_120, %add3A_188 : vector<16xi32>
    tpu.vector_store_idx %arg6[%get3A_118, %add3A_189], %broadcast_in_dim3A_7 : memref<128x256xf32, #tpu.memory_space<vmem>>[vector<16xi32>, vector<16xi32>], vector<16xf32>,
    %add3A_190 = arith.constant 23 : i32
    %add3A_191 = vector.broadcast %add3A_190 : i32 to vector<16xi32>
    %add3A_192 = arith.addi %get3A_120, %add3A_191 : vector<16xi32>
    tpu.vector_store_idx %arg6[%get3A_118, %add3A_192], %broadcast_in_dim3A_7 : memref<128x256xf32, #tpu.memory_space<vmem>>[vector<16xi32>, vector<16xi32>], vector<16xf32>,
    %add3A_193 = arith.constant 24 : i32
    %add3A_194 = vector.broadcast %add3A_193 : i32 to vector<16xi32>
    %add3A_195 = arith.addi %get3A_120, %add3A_194 : vector<16xi32>
    tpu.vector_store_idx %arg6[%get3A_118, %add3A_195], %broadcast_in_dim3A_7 : memref<128x256xf32, #tpu.memory_space<vmem>>[vector<16xi32>, vector<16xi32>], vector<16xf32>,
    %add3A_196 = arith.constant 25 : i32
    %add3A_197 = vector.broadcast %add3A_196 : i32 to vector<16xi32>
    %add3A_198 = arith.addi %get3A_120, %add3A_197 : vector<16xi32>
    tpu.vector_store_idx %arg6[%get3A_118, %add3A_198], %broadcast_in_dim3A_7 : memref<128x256xf32, #tpu.memory_space<vmem>>[vector<16xi32>, vector<16xi32>], vector<16xf32>,
    %add3A_199 = arith.constant 26 : i32
    %add3A_200 = vector.broadcast %add3A_199 : i32 to vector<16xi32>
    %add3A_201 = arith.addi %get3A_120, %add3A_200 : vector<16xi32>
    tpu.vector_store_idx %arg6[%get3A_118, %add3A_201], %broadcast_in_dim3A_7 : memref<128x256xf32, #tpu.memory_space<vmem>>[vector<16xi32>, vector<16xi32>], vector<16xf32>,
    %add3A_202 = arith.constant 27 : i32
    %add3A_203 = vector.broadcast %add3A_202 : i32 to vector<16xi32>
    %add3A_204 = arith.addi %get3A_120, %add3A_203 : vector<16xi32>
    tpu.vector_store_idx %arg6[%get3A_118, %add3A_204], %broadcast_in_dim3A_7 : memref<128x256xf32, #tpu.memory_space<vmem>>[vector<16xi32>, vector<16xi32>], vector<16xf32>,
    %add3A_205 = arith.constant 28 : i32
    %add3A_206 = vector.broadcast %add3A_205 : i32 to vector<16xi32>
    %add3A_207 = arith.addi %get3A_120, %add3A_206 : vector<16xi32>
    tpu.vector_store_idx %arg6[%get3A_118, %add3A_207], %broadcast_in_dim3A_7 : memref<128x256xf32, #tpu.memory_space<vmem>>[vector<16xi32>, vector<16xi32>], vector<16xf32>,
    %add3A_208 = arith.constant 29 : i32
    %add3A_209 = vector.broadcast %add3A_208 : i32 to vector<16xi32>
    %add3A_210 = arith.addi %get3A_120, %add3A_209 : vector<16xi32>
    tpu.vector_store_idx %arg6[%get3A_118, %add3A_210], %broadcast_in_dim3A_7 : memref<128x256xf32, #tpu.memory_space<vmem>>[vector<16xi32>, vector<16xi32>], vector<16xf32>,
    %add3A_211 = arith.constant 30 : i32
    %add3A_212 = vector.broadcast %add3A_211 : i32 to vector<16xi32>
    %add3A_213 = arith.addi %get3A_120, %add3A_212 : vector<16xi32>
    tpu.vector_store_idx %arg6[%get3A_118, %add3A_213], %broadcast_in_dim3A_7 : memref<128x256xf32, #tpu.memory_space<vmem>>[vector<16xi32>, vector<16xi32>], vector<16xf32>,
    %add3A_214 = arith.constant 31 : i32
    %add3A_215 = vector.broadcast %add3A_214 : i32 to vector<16xi32>
    %add3A_216 = arith.addi %get3A_120, %add3A_215 : vector<16xi32>
    tpu.vector_store_idx %arg6[%get3A_118, %add3A_216], %broadcast_in_dim3A_7 : memref<128x256xf32, #tpu.memory_space<vmem>>[vector<16xi32>, vector<16xi32>], vector<16xf32>,
    %get3A_217 = arith.constant 32 : index
    %get3A_218 = tpu.vector_load %arg8[%get3A_217] {strides = array<i32>} : memref<128xi32, #tpu.memory_space<vmem>>, vector<16xi32>,
    %get3A_219 = arith.constant 32 : index
    %get3A_220 = tpu.vector_load %arg9[%get3A_219] {strides = array<i32>} : memref<128xi32, #tpu.memory_space<vmem>>, vector<16xi32>,
    %add3A_221 = arith.constant 0 : i32
    %add3A_222 = vector.broadcast %add3A_221 : i32 to vector<16xi32>
    %add3A_223 = arith.addi %get3A_220, %add3A_222 : vector<16xi32>
    tpu.vector_store_idx %arg6[%get3A_218, %add3A_223], %broadcast_in_dim3A_7 : memref<128x256xf32, #tpu.memory_space<vmem>>[vector<16xi32>, vector<16xi32>], vector<16xf32>,
    %add3A_224 = arith.constant 1 : i32
    %add3A_225 = vector.broadcast %add3A_224 : i32 to vector<16xi32>
    %add3A_226 = arith.addi %get3A_220, %add3A_225 : vector<16xi32>
    tpu.vector_store_idx %arg6[%get3A_218, %add3A_226], %broadcast_in_dim3A_7 : memref<128x256xf32, #tpu.memory_space<vmem>>[vector<16xi32>, vector<16xi32>], vector<16xf32>,
    %add3A_227 = arith.constant 2 : i32
    %add3A_228 = vector.broadcast %add3A_227 : i32 to vector<16xi32>
    %add3A_229 = arith.addi %get3A_220, %add3A_228 : vector<16xi32>
    tpu.vector_store_idx %arg6[%get3A_218, %add3A_229], %broadcast_in_dim3A_7 : memref<128x256xf32, #tpu.memory_space<vmem>>[vector<16xi32>, vector<16xi32>], vector<16xf32>,
    %add3A_230 = arith.constant 3 : i32
    %add3A_231 = vector.broadcast %add3A_230 : i32 to vector<16xi32>
    %add3A_232 = arith.addi %get3A_220, %add3A_231 : vector<16xi32>
    tpu.vector_store_idx %arg6[%get3A_218, %add3A_232], %broadcast_in_dim3A_7 : memref<128x256xf32, #tpu.memory_space<vmem>>[vector<16xi32>, vector<16xi32>], vector<16xf32>,
    %add3A_233 = arith.constant 4 : i32
    %add3A_234 = vector.broadcast %add3A_233 : i32 to vector<16xi32>
    %add3A_235 = arith.addi %get3A_220, %add3A_234 : vector<16xi32>
    tpu.vector_store_idx %arg6[%get3A_218, %add3A_235], %broadcast_in_dim3A_7 : memref<128x256xf32, #tpu.memory_space<vmem>>[vector<16xi32>, vector<16xi32>], vector<16xf32>,
    %add3A_236 = arith.constant 5 : i32
    %add3A_237 = vector.broadcast %add3A_236 : i32 to vector<16xi32>
    %add3A_238 = arith.addi %get3A_220, %add3A_237 : vector<16xi32>
    tpu.vector_store_idx %arg6[%get3A_218, %add3A_238], %broadcast_in_dim3A_7 : memref<128x256xf32, #tpu.memory_space<vmem>>[vector<16xi32>, vector<16xi32>], vector<16xf32>,
    %add3A_239 = arith.constant 6 : i32
    %add3A_240 = vector.broadcast %add3A_239 : i32 to vector<16xi32>
    %add3A_241 = arith.addi %get3A_220, %add3A_240 : vector<16xi32>
    tpu.vector_store_idx %arg6[%get3A_218, %add3A_241], %broadcast_in_dim3A_7 : memref<128x256xf32, #tpu.memory_space<vmem>>[vector<16xi32>, vector<16xi32>], vector<16xf32>,
    %add3A_242 = arith.constant 7 : i32
    %add3A_243 = vector.broadcast %add3A_242 : i32 to vector<16xi32>
    %add3A_244 = arith.addi %get3A_220, %add3A_243 : vector<16xi32>
    tpu.vector_store_idx %arg6[%get3A_218, %add3A_244], %broadcast_in_dim3A_7 : memref<128x256xf32, #tpu.memory_space<vmem>>[vector<16xi32>, vector<16xi32>], vector<16xf32>,
    %add3A_245 = arith.constant 8 : i32
    %add3A_246 = vector.broadcast %add3A_245 : i32 to vector<16xi32>
    %add3A_247 = arith.addi %get3A_220, %add3A_246 : vector<16xi32>
    tpu.vector_store_idx %arg6[%get3A_218, %add3A_247], %broadcast_in_dim3A_7 : memref<128x256xf32, #tpu.memory_space<vmem>>[vector<16xi32>, vector<16xi32>], vector<16xf32>,
    %add3A_248 = arith.constant 9 : i32
    %add3A_249 = vector.broadcast %add3A_248 : i32 to vector<16xi32>
    %add3A_250 = arith.addi %get3A_220, %add3A_249 : vector<16xi32>
    tpu.vector_store_idx %arg6[%get3A_218, %add3A_250], %broadcast_in_dim3A_7 : memref<128x256xf32, #tpu.memory_space<vmem>>[vector<16xi32>, vector<16xi32>], vector<16xf32>,
    %add3A_251 = arith.constant 10 : i32
    %add3A_252 = vector.broadcast %add3A_251 : i32 to vector<16xi32>
    %add3A_253 = arith.addi %get3A_220, %add3A_252 : vector<16xi32>
    tpu.vector_store_idx %arg6[%get3A_218, %add3A_253], %broadcast_in_dim3A_7 : memref<128x256xf32, #tpu.memory_space<vmem>>[vector<16xi32>, vector<16xi32>], vector<16xf32>,
    %add3A_254 = arith.constant 11 : i32
    %add3A_255 = vector.broadcast %add3A_254 : i32 to vector<16xi32>
    %add3A_256 = arith.addi %get3A_220, %add3A_255 : vector<16xi32>
    tpu.vector_store_idx %arg6[%get3A_218, %add3A_256], %broadcast_in_dim3A_7 : memref<128x256xf32, #tpu.memory_space<vmem>>[vector<16xi32>, vector<16xi32>], vector<16xf32>,
    %add3A_257 = arith.constant 12 : i32
    %add3A_258 = vector.broadcast %add3A_257 : i32 to vector<16xi32>
    %add3A_259 = arith.addi %get3A_220, %add3A_258 : vector<16xi32>
    tpu.vector_store_idx %arg6[%get3A_218, %add3A_259], %broadcast_in_dim3A_7 : memref<128x256xf32, #tpu.memory_space<vmem>>[vector<16xi32>, vector<16xi32>], vector<16xf32>,
    %add3A_260 = arith.constant 13 : i32
    %add3A_261 = vector.broadcast %add3A_260 : i32 to vector<16xi32>
    %add3A_262 = arith.addi %get3A_220, %add3A_261 : vector<16xi32>
    tpu.vector_store_idx %arg6[%get3A_218, %add3A_262], %broadcast_in_dim3A_7 : memref<128x256xf32, #tpu.memory_space<vmem>>[vector<16xi32>, vector<16xi32>], vector<16xf32>,
    %add3A_263 = arith.constant 14 : i32
    %add3A_264 = vector.broadcast %add3A_263 : i32 to vector<16xi32>
    %add3A_265 = arith.addi %get3A_220, %add3A_264 : vector<16xi32>
    tpu.vector_store_idx %arg6[%get3A_218, %add3A_265], %broadcast_in_dim3A_7 : memref<128x256xf32, #tpu.memory_space<vmem>>[vector<16xi32>, vector<16xi32>], vector<16xf32>,
    %add3A_266 = arith.constant 15 : i32
    %add3A_267 = vector.broadcast %add3A_266 : i32 to vector<16xi32>
    %add3A_268 = arith.addi %get3A_220, %add3A_267 : vector<16xi32>
    tpu.vector_store_idx %arg6[%get3A_218, %add3A_268], %broadcast_in_dim3A_7 : memref<128x256xf32, #tpu.memory_space<vmem>>[vector<16xi32>, vector<16xi32>], vector<16xf32>,
    %add3A_269 = arith.constant 16 : i32
    %add3A_270 = vector.broadcast %add3A_269 : i32 to vector<16xi32>
    %add3A_271 = arith.addi %get3A_220, %add3A_270 : vector<16xi32>
    tpu.vector_store_idx %arg6[%get3A_218, %add3A_271], %broadcast_in_dim3A_7 : memref<128x256xf32, #tpu.memory_space<vmem>>[vector<16xi32>, vector<16xi32>], vector<16xf32>,
    %add3A_272 = arith.constant 17 : i32
    %add3A_273 = vector.broadcast %add3A_272 : i32 to vector<16xi32>
    %add3A_274 = arith.addi %get3A_220, %add3A_273 : vector<16xi32>
    tpu.vector_store_idx %arg6[%get3A_218, %add3A_274], %broadcast_in_dim3A_7 : memref<128x256xf32, #tpu.memory_space<vmem>>[vector<16xi32>, vector<16xi32>], vector<16xf32>,
    %add3A_275 = arith.constant 18 : i32
    %add3A_276 = vector.broadcast %add3A_275 : i32 to vector<16xi32>
    %add3A_277 = arith.addi %get3A_220, %add3A_276 : vector<16xi32>
    tpu.vector_store_idx %arg6[%get3A_218, %add3A_277], %broadcast_in_dim3A_7 : memref<128x256xf32, #tpu.memory_space<vmem>>[vector<16xi32>, vector<16xi32>], vector<16xf32>,
    %add3A_278 = arith.constant 19 : i32
    %add3A_279 = vector.broadcast %add3A_278 : i32 to vector<16xi32>
    %add3A_280 = arith.addi %get3A_220, %add3A_279 : vector<16xi32>
    tpu.vector_store_idx %arg6[%get3A_218, %add3A_280], %broadcast_in_dim3A_7 : memref<128x256xf32, #tpu.memory_space<vmem>>[vector<16xi32>, vector<16xi32>], vector<16xf32>,
    %add3A_281 = arith.constant 20 : i32
    %add3A_282 = vector.broadcast %add3A_281 : i32 to vector<16xi32>
    %add3A_283 = arith.addi %get3A_220, %add3A_282 : vector<16xi32>
    tpu.vector_store_idx %arg6[%get3A_218, %add3A_283], %broadcast_in_dim3A_7 : memref<128x256xf32, #tpu.memory_space<vmem>>[vector<16xi32>, vector<16xi32>], vector<16xf32>,
    %add3A_284 = arith.constant 21 : i32
    %add3A_285 = vector.broadcast %add3A_284 : i32 to vector<16xi32>
    %add3A_286 = arith.addi %get3A_220, %add3A_285 : vector<16xi32>
    tpu.vector_store_idx %arg6[%get3A_218, %add3A_286], %broadcast_in_dim3A_7 : memref<128x256xf32, #tpu.memory_space<vmem>>[vector<16xi32>, vector<16xi32>], vector<16xf32>,
    %add3A_287 = arith.constant 22 : i32
    %add3A_288 = vector.broadcast %add3A_287 : i32 to vector<16xi32>
    %add3A_289 = arith.addi %get3A_220, %add3A_288 : vector<16xi32>
    tpu.vector_store_idx %arg6[%get3A_218, %add3A_289], %broadcast_in_dim3A_7 : memref<128x256xf32, #tpu.memory_space<vmem>>[vector<16xi32>, vector<16xi32>], vector<16xf32>,
    %add3A_290 = arith.constant 23 : i32
    %add3A_291 = vector.broadcast %add3A_290 : i32 to vector<16xi32>
    %add3A_292 = arith.addi %get3A_220, %add3A_291 : vector<16xi32>
    tpu.vector_store_idx %arg6[%get3A_218, %add3A_292], %broadcast_in_dim3A_7 : memref<128x256xf32, #tpu.memory_space<vmem>>[vector<16xi32>, vector<16xi32>], vector<16xf32>,
    %add3A_293 = arith.constant 24 : i32
    %add3A_294 = vector.broadcast %add3A_293 : i32 to vector<16xi32>
    %add3A_295 = arith.addi %get3A_220, %add3A_294 : vector<16xi32>
    tpu.vector_store_idx %arg6[%get3A_218, %add3A_295], %broadcast_in_dim3A_7 : memref<128x256xf32, #tpu.memory_space<vmem>>[vector<16xi32>, vector<16xi32>], vector<16xf32>,
    %add3A_296 = arith.constant 25 : i32
    %add3A_297 = vector.broadcast %add3A_296 : i32 to vector<16xi32>
    %add3A_298 = arith.addi %get3A_220, %add3A_297 : vector<16xi32>
    tpu.vector_store_idx %arg6[%get3A_218, %add3A_298], %broadcast_in_dim3A_7 : memref<128x256xf32, #tpu.memory_space<vmem>>[vector<16xi32>, vector<16xi32>], vector<16xf32>,
    %add3A_299 = arith.constant 26 : i32
    %add3A_300 = vector.broadcast %add3A_299 : i32 to vector<16xi32>
    %add3A_301 = arith.addi %get3A_220, %add3A_300 : vector<16xi32>
    tpu.vector_store_idx %arg6[%get3A_218, %add3A_301], %broadcast_in_dim3A_7 : memref<128x256xf32, #tpu.memory_space<vmem>>[vector<16xi32>, vector<16xi32>], vector<16xf32>,
    %add3A_302 = arith.constant 27 : i32
    %add3A_303 = vector.broadcast %add3A_302 : i32 to vector<16xi32>
    %add3A_304 = arith.addi %get3A_220, %add3A_303 : vector<16xi32>
    tpu.vector_store_idx %arg6[%get3A_218, %add3A_304], %broadcast_in_dim3A_7 : memref<128x256xf32, #tpu.memory_space<vmem>>[vector<16xi32>, vector<16xi32>], vector<16xf32>,
    %add3A_305 = arith.constant 28 : i32
    %add3A_306 = vector.broadcast %add3A_305 : i32 to vector<16xi32>
    %add3A_307 = arith.addi %get3A_220, %add3A_306 : vector<16xi32>
    tpu.vector_store_idx %arg6[%get3A_218, %add3A_307], %broadcast_in_dim3A_7 : memref<128x256xf32, #tpu.memory_space<vmem>>[vector<16xi32>, vector<16xi32>], vector<16xf32>,
    %add3A_308 = arith.constant 29 : i32
    %add3A_309 = vector.broadcast %add3A_308 : i32 to vector<16xi32>
    %add3A_310 = arith.addi %get3A_220, %add3A_309 : vector<16xi32>
    tpu.vector_store_idx %arg6[%get3A_218, %add3A_310], %broadcast_in_dim3A_7 : memref<128x256xf32, #tpu.memory_space<vmem>>[vector<16xi32>, vector<16xi32>], vector<16xf32>,
    %add3A_311 = arith.constant 30 : i32
    %add3A_312 = vector.broadcast %add3A_311 : i32 to vector<16xi32>
    %add3A_313 = arith.addi %get3A_220, %add3A_312 : vector<16xi32>
    tpu.vector_store_idx %arg6[%get3A_218, %add3A_313], %broadcast_in_dim3A_7 : memref<128x256xf32, #tpu.memory_space<vmem>>[vector<16xi32>, vector<16xi32>], vector<16xf32>,
    %add3A_314 = arith.constant 31 : i32
    %add3A_315 = vector.broadcast %add3A_314 : i32 to vector<16xi32>
    %add3A_316 = arith.addi %get3A_220, %add3A_315 : vector<16xi32>
    tpu.vector_store_idx %arg6[%get3A_218, %add3A_316], %broadcast_in_dim3A_7 : memref<128x256xf32, #tpu.memory_space<vmem>>[vector<16xi32>, vector<16xi32>], vector<16xf32>,
    %get3A_317 = arith.constant 48 : index
    %get3A_318 = tpu.vector_load %arg8[%get3A_317] {strides = array<i32>} : memref<128xi32, #tpu.memory_space<vmem>>, vector<16xi32>,
    %get3A_319 = arith.constant 48 : index
    %get3A_320 = tpu.vector_load %arg9[%get3A_319] {strides = array<i32>} : memref<128xi32, #tpu.memory_space<vmem>>, vector<16xi32>,
    %add3A_321 = arith.constant 0 : i32
    %add3A_322 = vector.broadcast %add3A_321 : i32 to vector<16xi32>
    %add3A_323 = arith.addi %get3A_320, %add3A_322 : vector<16xi32>
    tpu.vector_store_idx %arg6[%get3A_318, %add3A_323], %broadcast_in_dim3A_7 : memref<128x256xf32, #tpu.memory_space<vmem>>[vector<16xi32>, vector<16xi32>], vector<16xf32>,
    %add3A_324 = arith.constant 1 : i32
    %add3A_325 = vector.broadcast %add3A_324 : i32 to vector<16xi32>
    %add3A_326 = arith.addi %get3A_320, %add3A_325 : vector<16xi32>
    tpu.vector_store_idx %arg6[%get3A_318, %add3A_326], %broadcast_in_dim3A_7 : memref<128x256xf32, #tpu.memory_space<vmem>>[vector<16xi32>, vector<16xi32>], vector<16xf32>,
    %add3A_327 = arith.constant 2 : i32
    %add3A_328 = vector.broadcast %add3A_327 : i32 to vector<16xi32>
    %add3A_329 = arith.addi %get3A_320, %add3A_328 : vector<16xi32>
    tpu.vector_store_idx %arg6[%get3A_318, %add3A_329], %broadcast_in_dim3A_7 : memref<128x256xf32, #tpu.memory_space<vmem>>[vector<16xi32>, vector<16xi32>], vector<16xf32>,
    %add3A_330 = arith.constant 3 : i32
    %add3A_331 = vector.broadcast %add3A_330 : i32 to vector<16xi32>
    %add3A_332 = arith.addi %get3A_320, %add3A_331 : vector<16xi32>
    tpu.vector_store_idx %arg6[%get3A_318, %add3A_332], %broadcast_in_dim3A_7 : memref<128x256xf32, #tpu.memory_space<vmem>>[vector<16xi32>, vector<16xi32>], vector<16xf32>,
    %add3A_333 = arith.constant 4 : i32
    %add3A_334 = vector.broadcast %add3A_333 : i32 to vector<16xi32>
    %add3A_335 = arith.addi %get3A_320, %add3A_334 : vector<16xi32>
    tpu.vector_store_idx %arg6[%get3A_318, %add3A_335], %broadcast_in_dim3A_7 : memref<128x256xf32, #tpu.memory_space<vmem>>[vector<16xi32>, vector<16xi32>], vector<16xf32>,
    %add3A_336 = arith.constant 5 : i32
    %add3A_337 = vector.broadcast %add3A_336 : i32 to vector<16xi32>
    %add3A_338 = arith.addi %get3A_320, %add3A_337 : vector<16xi32>
    tpu.vector_store_idx %arg6[%get3A_318, %add3A_338], %broadcast_in_dim3A_7 : memref<128x256xf32, #tpu.memory_space<vmem>>[vector<16xi32>, vector<16xi32>], vector<16xf32>,
    %add3A_339 = arith.constant 6 : i32
    %add3A_340 = vector.broadcast %add3A_339 : i32 to vector<16xi32>
    %add3A_341 = arith.addi %get3A_320, %add3A_340 : vector<16xi32>
    tpu.vector_store_idx %arg6[%get3A_318, %add3A_341], %broadcast_in_dim3A_7 : memref<128x256xf32, #tpu.memory_space<vmem>>[vector<16xi32>, vector<16xi32>], vector<16xf32>,
    %add3A_342 = arith.constant 7 : i32
    %add3A_343 = vector.broadcast %add3A_342 : i32 to vector<16xi32>
    %add3A_344 = arith.addi %get3A_320, %add3A_343 : vector<16xi32>
    tpu.vector_store_idx %arg6[%get3A_318, %add3A_344], %broadcast_in_dim3A_7 : memref<128x256xf32, #tpu.memory_space<vmem>>[vector<16xi32>, vector<16xi32>], vector<16xf32>,
    %add3A_345 = arith.constant 8 : i32
    %add3A_346 = vector.broadcast %add3A_345 : i32 to vector<16xi32>
    %add3A_347 = arith.addi %get3A_320, %add3A_346 : vector<16xi32>
    tpu.vector_store_idx %arg6[%get3A_318, %add3A_347], %broadcast_in_dim3A_7 : memref<128x256xf32, #tpu.memory_space<vmem>>[vector<16xi32>, vector<16xi32>], vector<16xf32>,
    %add3A_348 = arith.constant 9 : i32
    %add3A_349 = vector.broadcast %add3A_348 : i32 to vector<16xi32>
    %add3A_350 = arith.addi %get3A_320, %add3A_349 : vector<16xi32>
    tpu.vector_store_idx %arg6[%get3A_318, %add3A_350], %broadcast_in_dim3A_7 : memref<128x256xf32, #tpu.memory_space<vmem>>[vector<16xi32>, vector<16xi32>], vector<16xf32>,
    %add3A_351 = arith.constant 10 : i32
    %add3A_352 = vector.broadcast %add3A_351 : i32 to vector<16xi32>
    %add3A_353 = arith.addi %get3A_320, %add3A_352 : vector<16xi32>
    tpu.vector_store_idx %arg6[%get3A_318, %add3A_353], %broadcast_in_dim3A_7 : memref<128x256xf32, #tpu.memory_space<vmem>>[vector<16xi32>, vector<16xi32>], vector<16xf32>,
    %add3A_354 = arith.constant 11 : i32
    %add3A_355 = vector.broadcast %add3A_354 : i32 to vector<16xi32>
    %add3A_356 = arith.addi %get3A_320, %add3A_355 : vector<16xi32>
    tpu.vector_store_idx %arg6[%get3A_318, %add3A_356], %broadcast_in_dim3A_7 : memref<128x256xf32, #tpu.memory_space<vmem>>[vector<16xi32>, vector<16xi32>], vector<16xf32>,
    %add3A_357 = arith.constant 12 : i32
    %add3A_358 = vector.broadcast %add3A_357 : i32 to vector<16xi32>
    %add3A_359 = arith.addi %get3A_320, %add3A_358 : vector<16xi32>
    tpu.vector_store_idx %arg6[%get3A_318, %add3A_359], %broadcast_in_dim3A_7 : memref<128x256xf32, #tpu.memory_space<vmem>>[vector<16xi32>, vector<16xi32>], vector<16xf32>,
    %add3A_360 = arith.constant 13 : i32
    %add3A_361 = vector.broadcast %add3A_360 : i32 to vector<16xi32>
    %add3A_362 = arith.addi %get3A_320, %add3A_361 : vector<16xi32>
    tpu.vector_store_idx %arg6[%get3A_318, %add3A_362], %broadcast_in_dim3A_7 : memref<128x256xf32, #tpu.memory_space<vmem>>[vector<16xi32>, vector<16xi32>], vector<16xf32>,
    %add3A_363 = arith.constant 14 : i32
    %add3A_364 = vector.broadcast %add3A_363 : i32 to vector<16xi32>
    %add3A_365 = arith.addi %get3A_320, %add3A_364 : vector<16xi32>
    tpu.vector_store_idx %arg6[%get3A_318, %add3A_365], %broadcast_in_dim3A_7 : memref<128x256xf32, #tpu.memory_space<vmem>>[vector<16xi32>, vector<16xi32>], vector<16xf32>,
    %add3A_366 = arith.constant 15 : i32
    %add3A_367 = vector.broadcast %add3A_366 : i32 to vector<16xi32>
    %add3A_368 = arith.addi %get3A_320, %add3A_367 : vector<16xi32>
    tpu.vector_store_idx %arg6[%get3A_318, %add3A_368], %broadcast_in_dim3A_7 : memref<128x256xf32, #tpu.memory_space<vmem>>[vector<16xi32>, vector<16xi32>], vector<16xf32>,
    %add3A_369 = arith.constant 16 : i32
    %add3A_370 = vector.broadcast %add3A_369 : i32 to vector<16xi32>
    %add3A_371 = arith.addi %get3A_320, %add3A_370 : vector<16xi32>
    tpu.vector_store_idx %arg6[%get3A_318, %add3A_371], %broadcast_in_dim3A_7 : memref<128x256xf32, #tpu.memory_space<vmem>>[vector<16xi32>, vector<16xi32>], vector<16xf32>,
    %add3A_372 = arith.constant 17 : i32
    %add3A_373 = vector.broadcast %add3A_372 : i32 to vector<16xi32>
    %add3A_374 = arith.addi %get3A_320, %add3A_373 : vector<16xi32>
    tpu.vector_store_idx %arg6[%get3A_318, %add3A_374], %broadcast_in_dim3A_7 : memref<128x256xf32, #tpu.memory_space<vmem>>[vector<16xi32>, vector<16xi32>], vector<16xf32>,
    %add3A_375 = arith.constant 18 : i32
    %add3A_376 = vector.broadcast %add3A_375 : i32 to vector<16xi32>
    %add3A_377 = arith.addi %get3A_320, %add3A_376 : vector<16xi32>
    tpu.vector_store_idx %arg6[%get3A_318, %add3A_377], %broadcast_in_dim3A_7 : memref<128x256xf32, #tpu.memory_space<vmem>>[vector<16xi32>, vector<16xi32>], vector<16xf32>,
    %add3A_378 = arith.constant 19 : i32
    %add3A_379 = vector.broadcast %add3A_378 : i32 to vector<16xi32>
    %add3A_380 = arith.addi %get3A_320, %add3A_379 : vector<16xi32>
    tpu.vector_store_idx %arg6[%get3A_318, %add3A_380], %broadcast_in_dim3A_7 : memref<128x256xf32, #tpu.memory_space<vmem>>[vector<16xi32>, vector<16xi32>], vector<16xf32>,
    %add3A_381 = arith.constant 20 : i32
    %add3A_382 = vector.broadcast %add3A_381 : i32 to vector<16xi32>
    %add3A_383 = arith.addi %get3A_320, %add3A_382 : vector<16xi32>
    tpu.vector_store_idx %arg6[%get3A_318, %add3A_383], %broadcast_in_dim3A_7 : memref<128x256xf32, #tpu.memory_space<vmem>>[vector<16xi32>, vector<16xi32>], vector<16xf32>,
    %add3A_384 = arith.constant 21 : i32
    %add3A_385 = vector.broadcast %add3A_384 : i32 to vector<16xi32>
    %add3A_386 = arith.addi %get3A_320, %add3A_385 : vector<16xi32>
    tpu.vector_store_idx %arg6[%get3A_318, %add3A_386], %broadcast_in_dim3A_7 : memref<128x256xf32, #tpu.memory_space<vmem>>[vector<16xi32>, vector<16xi32>], vector<16xf32>,
    %add3A_387 = arith.constant 22 : i32
    %add3A_388 = vector.broadcast %add3A_387 : i32 to vector<16xi32>
    %add3A_389 = arith.addi %get3A_320, %add3A_388 : vector<16xi32>
    tpu.vector_store_idx %arg6[%get3A_318, %add3A_389], %broadcast_in_dim3A_7 : memref<128x256xf32, #tpu.memory_space<vmem>>[vector<16xi32>, vector<16xi32>], vector<16xf32>,
    %add3A_390 = arith.constant 23 : i32
    %add3A_391 = vector.broadcast %add3A_390 : i32 to vector<16xi32>
    %add3A_392 = arith.addi %get3A_320, %add3A_391 : vector<16xi32>
    tpu.vector_store_idx %arg6[%get3A_318, %add3A_392], %broadcast_in_dim3A_7 : memref<128x256xf32, #tpu.memory_space<vmem>>[vector<16xi32>, vector<16xi32>], vector<16xf32>,
    %add3A_393 = arith.constant 24 : i32
    %add3A_394 = vector.broadcast %add3A_393 : i32 to vector<16xi32>
    %add3A_395 = arith.addi %get3A_320, %add3A_394 : vector<16xi32>
    tpu.vector_store_idx %arg6[%get3A_318, %add3A_395], %broadcast_in_dim3A_7 : memref<128x256xf32, #tpu.memory_space<vmem>>[vector<16xi32>, vector<16xi32>], vector<16xf32>,
    %add3A_396 = arith.constant 25 : i32
    %add3A_397 = vector.broadcast %add3A_396 : i32 to vector<16xi32>
    %add3A_398 = arith.addi %get3A_320, %add3A_397 : vector<16xi32>
    tpu.vector_store_idx %arg6[%get3A_318, %add3A_398], %broadcast_in_dim3A_7 : memref<128x256xf32, #tpu.memory_space<vmem>>[vector<16xi32>, vector<16xi32>], vector<16xf32>,
    %add3A_399 = arith.constant 26 : i32
    %add3A_400 = vector.broadcast %add3A_399 : i32 to vector<16xi32>
    %add3A_401 = arith.addi %get3A_320, %add3A_400 : vector<16xi32>
    tpu.vector_store_idx %arg6[%get3A_318, %add3A_401], %broadcast_in_dim3A_7 : memref<128x256xf32, #tpu.memory_space<vmem>>[vector<16xi32>, vector<16xi32>], vector<16xf32>,
    %add3A_402 = arith.constant 27 : i32
    %add3A_403 = vector.broadcast %add3A_402 : i32 to vector<16xi32>
    %add3A_404 = arith.addi %get3A_320, %add3A_403 : vector<16xi32>
    tpu.vector_store_idx %arg6[%get3A_318, %add3A_404], %broadcast_in_dim3A_7 : memref<128x256xf32, #tpu.memory_space<vmem>>[vector<16xi32>, vector<16xi32>], vector<16xf32>,
    %add3A_405 = arith.constant 28 : i32
    %add3A_406 = vector.broadcast %add3A_405 : i32 to vector<16xi32>
    %add3A_407 = arith.addi %get3A_320, %add3A_406 : vector<16xi32>
    tpu.vector_store_idx %arg6[%get3A_318, %add3A_407], %broadcast_in_dim3A_7 : memref<128x256xf32, #tpu.memory_space<vmem>>[vector<16xi32>, vector<16xi32>], vector<16xf32>,
    %add3A_408 = arith.constant 29 : i32
    %add3A_409 = vector.broadcast %add3A_408 : i32 to vector<16xi32>
    %add3A_410 = arith.addi %get3A_320, %add3A_409 : vector<16xi32>
    tpu.vector_store_idx %arg6[%get3A_318, %add3A_410], %broadcast_in_dim3A_7 : memref<128x256xf32, #tpu.memory_space<vmem>>[vector<16xi32>, vector<16xi32>], vector<16xf32>,
    %add3A_411 = arith.constant 30 : i32
    %add3A_412 = vector.broadcast %add3A_411 : i32 to vector<16xi32>
    %add3A_413 = arith.addi %get3A_320, %add3A_412 : vector<16xi32>
    tpu.vector_store_idx %arg6[%get3A_318, %add3A_413], %broadcast_in_dim3A_7 : memref<128x256xf32, #tpu.memory_space<vmem>>[vector<16xi32>, vector<16xi32>], vector<16xf32>,
    %add3A_414 = arith.constant 31 : i32
    %add3A_415 = vector.broadcast %add3A_414 : i32 to vector<16xi32>
    %add3A_416 = arith.addi %get3A_320, %add3A_415 : vector<16xi32>
    tpu.vector_store_idx %arg6[%get3A_318, %add3A_416], %broadcast_in_dim3A_7 : memref<128x256xf32, #tpu.memory_space<vmem>>[vector<16xi32>, vector<16xi32>], vector<16xf32>,
    %get3A_417 = arith.constant 64 : index
    %get3A_418 = tpu.vector_load %arg8[%get3A_417] {strides = array<i32>} : memref<128xi32, #tpu.memory_space<vmem>>, vector<16xi32>,
    %get3A_419 = arith.constant 64 : index
    %get3A_420 = tpu.vector_load %arg9[%get3A_419] {strides = array<i32>} : memref<128xi32, #tpu.memory_space<vmem>>, vector<16xi32>,
    %add3A_421 = arith.constant 0 : i32
    %add3A_422 = vector.broadcast %add3A_421 : i32 to vector<16xi32>
    %add3A_423 = arith.addi %get3A_420, %add3A_422 : vector<16xi32>
    tpu.vector_store_idx %arg6[%get3A_418, %add3A_423], %broadcast_in_dim3A_7 : memref<128x256xf32, #tpu.memory_space<vmem>>[vector<16xi32>, vector<16xi32>], vector<16xf32>,
    %add3A_424 = arith.constant 1 : i32
    %add3A_425 = vector.broadcast %add3A_424 : i32 to vector<16xi32>
    %add3A_426 = arith.addi %get3A_420, %add3A_425 : vector<16xi32>
    tpu.vector_store_idx %arg6[%get3A_418, %add3A_426], %broadcast_in_dim3A_7 : memref<128x256xf32, #tpu.memory_space<vmem>>[vector<16xi32>, vector<16xi32>], vector<16xf32>,
    %add3A_427 = arith.constant 2 : i32
    %add3A_428 = vector.broadcast %add3A_427 : i32 to vector<16xi32>
    %add3A_429 = arith.addi %get3A_420, %add3A_428 : vector<16xi32>
    tpu.vector_store_idx %arg6[%get3A_418, %add3A_429], %broadcast_in_dim3A_7 : memref<128x256xf32, #tpu.memory_space<vmem>>[vector<16xi32>, vector<16xi32>], vector<16xf32>,
    %add3A_430 = arith.constant 3 : i32
    %add3A_431 = vector.broadcast %add3A_430 : i32 to vector<16xi32>
    %add3A_432 = arith.addi %get3A_420, %add3A_431 : vector<16xi32>
    tpu.vector_store_idx %arg6[%get3A_418, %add3A_432], %broadcast_in_dim3A_7 : memref<128x256xf32, #tpu.memory_space<vmem>>[vector<16xi32>, vector<16xi32>], vector<16xf32>,
    %add3A_433 = arith.constant 4 : i32
    %add3A_434 = vector.broadcast %add3A_433 : i32 to vector<16xi32>
    %add3A_435 = arith.addi %get3A_420, %add3A_434 : vector<16xi32>
    tpu.vector_store_idx %arg6[%get3A_418, %add3A_435], %broadcast_in_dim3A_7 : memref<128x256xf32, #tpu.memory_space<vmem>>[vector<16xi32>, vector<16xi32>], vector<16xf32>,
    %add3A_436 = arith.constant 5 : i32
    %add3A_437 = vector.broadcast %add3A_436 : i32 to vector<16xi32>
    %add3A_438 = arith.addi %get3A_420, %add3A_437 : vector<16xi32>
    tpu.vector_store_idx %arg6[%get3A_418, %add3A_438], %broadcast_in_dim3A_7 : memref<128x256xf32, #tpu.memory_space<vmem>>[vector<16xi32>, vector<16xi32>], vector<16xf32>,
    %add3A_439 = arith.constant 6 : i32
    %add3A_440 = vector.broadcast %add3A_439 : i32 to vector<16xi32>
    %add3A_441 = arith.addi %get3A_420, %add3A_440 : vector<16xi32>
    tpu.vector_store_idx %arg6[%get3A_418, %add3A_441], %broadcast_in_dim3A_7 : memref<128x256xf32, #tpu.memory_space<vmem>>[vector<16xi32>, vector<16xi32>], vector<16xf32>,
    %add3A_442 = arith.constant 7 : i32
    %add3A_443 = vector.broadcast %add3A_442 : i32 to vector<16xi32>
    %add3A_444 = arith.addi %get3A_420, %add3A_443 : vector<16xi32>
    tpu.vector_store_idx %arg6[%get3A_418, %add3A_444], %broadcast_in_dim3A_7 : memref<128x256xf32, #tpu.memory_space<vmem>>[vector<16xi32>, vector<16xi32>], vector<16xf32>,
    %add3A_445 = arith.constant 8 : i32
    %add3A_446 = vector.broadcast %add3A_445 : i32 to vector<16xi32>
    %add3A_447 = arith.addi %get3A_420, %add3A_446 : vector<16xi32>
    tpu.vector_store_idx %arg6[%get3A_418, %add3A_447], %broadcast_in_dim3A_7 : memref<128x256xf32, #tpu.memory_space<vmem>>[vector<16xi32>, vector<16xi32>], vector<16xf32>,
    %add3A_448 = arith.constant 9 : i32
    %add3A_449 = vector.broadcast %add3A_448 : i32 to vector<16xi32>
    %add3A_450 = arith.addi %get3A_420, %add3A_449 : vector<16xi32>
    tpu.vector_store_idx %arg6[%get3A_418, %add3A_450], %broadcast_in_dim3A_7 : memref<128x256xf32, #tpu.memory_space<vmem>>[vector<16xi32>, vector<16xi32>], vector<16xf32>,
    %add3A_451 = arith.constant 10 : i32
    %add3A_452 = vector.broadcast %add3A_451 : i32 to vector<16xi32>
    %add3A_453 = arith.addi %get3A_420, %add3A_452 : vector<16xi32>
    tpu.vector_store_idx %arg6[%get3A_418, %add3A_453], %broadcast_in_dim3A_7 : memref<128x256xf32, #tpu.memory_space<vmem>>[vector<16xi32>, vector<16xi32>], vector<16xf32>,
    %add3A_454 = arith.constant 11 : i32
    %add3A_455 = vector.broadcast %add3A_454 : i32 to vector<16xi32>
    %add3A_456 = arith.addi %get3A_420, %add3A_455 : vector<16xi32>
    tpu.vector_store_idx %arg6[%get3A_418, %add3A_456], %broadcast_in_dim3A_7 : memref<128x256xf32, #tpu.memory_space<vmem>>[vector<16xi32>, vector<16xi32>], vector<16xf32>,
    %add3A_457 = arith.constant 12 : i32
    %add3A_458 = vector.broadcast %add3A_457 : i32 to vector<16xi32>
    %add3A_459 = arith.addi %get3A_420, %add3A_458 : vector<16xi32>
    tpu.vector_store_idx %arg6[%get3A_418, %add3A_459], %broadcast_in_dim3A_7 : memref<128x256xf32, #tpu.memory_space<vmem>>[vector<16xi32>, vector<16xi32>], vector<16xf32>,
    %add3A_460 = arith.constant 13 : i32
    %add3A_461 = vector.broadcast %add3A_460 : i32 to vector<16xi32>
    %add3A_462 = arith.addi %get3A_420, %add3A_461 : vector<16xi32>
    tpu.vector_store_idx %arg6[%get3A_418, %add3A_462], %broadcast_in_dim3A_7 : memref<128x256xf32, #tpu.memory_space<vmem>>[vector<16xi32>, vector<16xi32>], vector<16xf32>,
    %add3A_463 = arith.constant 14 : i32
    %add3A_464 = vector.broadcast %add3A_463 : i32 to vector<16xi32>
    %add3A_465 = arith.addi %get3A_420, %add3A_464 : vector<16xi32>
    tpu.vector_store_idx %arg6[%get3A_418, %add3A_465], %broadcast_in_dim3A_7 : memref<128x256xf32, #tpu.memory_space<vmem>>[vector<16xi32>, vector<16xi32>], vector<16xf32>,
    %add3A_466 = arith.constant 15 : i32
    %add3A_467 = vector.broadcast %add3A_466 : i32 to vector<16xi32>
    %add3A_468 = arith.addi %get3A_420, %add3A_467 : vector<16xi32>
    tpu.vector_store_idx %arg6[%get3A_418, %add3A_468], %broadcast_in_dim3A_7 : memref<128x256xf32, #tpu.memory_space<vmem>>[vector<16xi32>, vector<16xi32>], vector<16xf32>,
    %add3A_469 = arith.constant 16 : i32
    %add3A_470 = vector.broadcast %add3A_469 : i32 to vector<16xi32>
    %add3A_471 = arith.addi %get3A_420, %add3A_470 : vector<16xi32>
    tpu.vector_store_idx %arg6[%get3A_418, %add3A_471], %broadcast_in_dim3A_7 : memref<128x256xf32, #tpu.memory_space<vmem>>[vector<16xi32>, vector<16xi32>], vector<16xf32>,
    %add3A_472 = arith.constant 17 : i32
    %add3A_473 = vector.broadcast %add3A_472 : i32 to vector<16xi32>
    %add3A_474 = arith.addi %get3A_420, %add3A_473 : vector<16xi32>
    tpu.vector_store_idx %arg6[%get3A_418, %add3A_474], %broadcast_in_dim3A_7 : memref<128x256xf32, #tpu.memory_space<vmem>>[vector<16xi32>, vector<16xi32>], vector<16xf32>,
    %add3A_475 = arith.constant 18 : i32
    %add3A_476 = vector.broadcast %add3A_475 : i32 to vector<16xi32>
    %add3A_477 = arith.addi %get3A_420, %add3A_476 : vector<16xi32>
    tpu.vector_store_idx %arg6[%get3A_418, %add3A_477], %broadcast_in_dim3A_7 : memref<128x256xf32, #tpu.memory_space<vmem>>[vector<16xi32>, vector<16xi32>], vector<16xf32>,
    %add3A_478 = arith.constant 19 : i32
    %add3A_479 = vector.broadcast %add3A_478 : i32 to vector<16xi32>
    %add3A_480 = arith.addi %get3A_420, %add3A_479 : vector<16xi32>
    tpu.vector_store_idx %arg6[%get3A_418, %add3A_480], %broadcast_in_dim3A_7 : memref<128x256xf32, #tpu.memory_space<vmem>>[vector<16xi32>, vector<16xi32>], vector<16xf32>,
    %add3A_481 = arith.constant 20 : i32
    %add3A_482 = vector.broadcast %add3A_481 : i32 to vector<16xi32>
    %add3A_483 = arith.addi %get3A_420, %add3A_482 : vector<16xi32>
    tpu.vector_store_idx %arg6[%get3A_418, %add3A_483], %broadcast_in_dim3A_7 : memref<128x256xf32, #tpu.memory_space<vmem>>[vector<16xi32>, vector<16xi32>], vector<16xf32>,
    %add3A_484 = arith.constant 21 : i32
    %add3A_485 = vector.broadcast %add3A_484 : i32 to vector<16xi32>
    %add3A_486 = arith.addi %get3A_420, %add3A_485 : vector<16xi32>
    tpu.vector_store_idx %arg6[%get3A_418, %add3A_486], %broadcast_in_dim3A_7 : memref<128x256xf32, #tpu.memory_space<vmem>>[vector<16xi32>, vector<16xi32>], vector<16xf32>,
    %add3A_487 = arith.constant 22 : i32
    %add3A_488 = vector.broadcast %add3A_487 : i32 to vector<16xi32>
    %add3A_489 = arith.addi %get3A_420, %add3A_488 : vector<16xi32>
    tpu.vector_store_idx %arg6[%get3A_418, %add3A_489], %broadcast_in_dim3A_7 : memref<128x256xf32, #tpu.memory_space<vmem>>[vector<16xi32>, vector<16xi32>], vector<16xf32>,
    %add3A_490 = arith.constant 23 : i32
    %add3A_491 = vector.broadcast %add3A_490 : i32 to vector<16xi32>
    %add3A_492 = arith.addi %get3A_420, %add3A_491 : vector<16xi32>
    tpu.vector_store_idx %arg6[%get3A_418, %add3A_492], %broadcast_in_dim3A_7 : memref<128x256xf32, #tpu.memory_space<vmem>>[vector<16xi32>, vector<16xi32>], vector<16xf32>,
    %add3A_493 = arith.constant 24 : i32
    %add3A_494 = vector.broadcast %add3A_493 : i32 to vector<16xi32>
    %add3A_495 = arith.addi %get3A_420, %add3A_494 : vector<16xi32>
    tpu.vector_store_idx %arg6[%get3A_418, %add3A_495], %broadcast_in_dim3A_7 : memref<128x256xf32, #tpu.memory_space<vmem>>[vector<16xi32>, vector<16xi32>], vector<16xf32>,
    %add3A_496 = arith.constant 25 : i32
    %add3A_497 = vector.broadcast %add3A_496 : i32 to vector<16xi32>
    %add3A_498 = arith.addi %get3A_420, %add3A_497 : vector<16xi32>
    tpu.vector_store_idx %arg6[%get3A_418, %add3A_498], %broadcast_in_dim3A_7 : memref<128x256xf32, #tpu.memory_space<vmem>>[vector<16xi32>, vector<16xi32>], vector<16xf32>,
    %add3A_499 = arith.constant 26 : i32
    %add3A_500 = vector.broadcast %add3A_499 : i32 to vector<16xi32>
    %add3A_501 = arith.addi %get3A_420, %add3A_500 : vector<16xi32>
    tpu.vector_store_idx %arg6[%get3A_418, %add3A_501], %broadcast_in_dim3A_7 : memref<128x256xf32, #tpu.memory_space<vmem>>[vector<16xi32>, vector<16xi32>], vector<16xf32>,
    %add3A_502 = arith.constant 27 : i32
    %add3A_503 = vector.broadcast %add3A_502 : i32 to vector<16xi32>
    %add3A_504 = arith.addi %get3A_420, %add3A_503 : vector<16xi32>
    tpu.vector_store_idx %arg6[%get3A_418, %add3A_504], %broadcast_in_dim3A_7 : memref<128x256xf32, #tpu.memory_space<vmem>>[vector<16xi32>, vector<16xi32>], vector<16xf32>,
    %add3A_505 = arith.constant 28 : i32
    %add3A_506 = vector.broadcast %add3A_505 : i32 to vector<16xi32>
    %add3A_507 = arith.addi %get3A_420, %add3A_506 : vector<16xi32>
    tpu.vector_store_idx %arg6[%get3A_418, %add3A_507], %broadcast_in_dim3A_7 : memref<128x256xf32, #tpu.memory_space<vmem>>[vector<16xi32>, vector<16xi32>], vector<16xf32>,
    %add3A_508 = arith.constant 29 : i32
    %add3A_509 = vector.broadcast %add3A_508 : i32 to vector<16xi32>
    %add3A_510 = arith.addi %get3A_420, %add3A_509 : vector<16xi32>
    tpu.vector_store_idx %arg6[%get3A_418, %add3A_510], %broadcast_in_dim3A_7 : memref<128x256xf32, #tpu.memory_space<vmem>>[vector<16xi32>, vector<16xi32>], vector<16xf32>,
    %add3A_511 = arith.constant 30 : i32
    %add3A_512 = vector.broadcast %add3A_511 : i32 to vector<16xi32>
    %add3A_513 = arith.addi %get3A_420, %add3A_512 : vector<16xi32>
    tpu.vector_store_idx %arg6[%get3A_418, %add3A_513], %broadcast_in_dim3A_7 : memref<128x256xf32, #tpu.memory_space<vmem>>[vector<16xi32>, vector<16xi32>], vector<16xf32>,
    %add3A_514 = arith.constant 31 : i32
    %add3A_515 = vector.broadcast %add3A_514 : i32 to vector<16xi32>
    %add3A_516 = arith.addi %get3A_420, %add3A_515 : vector<16xi32>
    tpu.vector_store_idx %arg6[%get3A_418, %add3A_516], %broadcast_in_dim3A_7 : memref<128x256xf32, #tpu.memory_space<vmem>>[vector<16xi32>, vector<16xi32>], vector<16xf32>,
    %get3A_517 = arith.constant 80 : index
    %get3A_518 = tpu.vector_load %arg8[%get3A_517] {strides = array<i32>} : memref<128xi32, #tpu.memory_space<vmem>>, vector<16xi32>,
    %get3A_519 = arith.constant 80 : index
    %get3A_520 = tpu.vector_load %arg9[%get3A_519] {strides = array<i32>} : memref<128xi32, #tpu.memory_space<vmem>>, vector<16xi32>,
    %add3A_521 = arith.constant 0 : i32
    %add3A_522 = vector.broadcast %add3A_521 : i32 to vector<16xi32>
    %add3A_523 = arith.addi %get3A_520, %add3A_522 : vector<16xi32>
    tpu.vector_store_idx %arg6[%get3A_518, %add3A_523], %broadcast_in_dim3A_7 : memref<128x256xf32, #tpu.memory_space<vmem>>[vector<16xi32>, vector<16xi32>], vector<16xf32>,
    %add3A_524 = arith.constant 1 : i32
    %add3A_525 = vector.broadcast %add3A_524 : i32 to vector<16xi32>
    %add3A_526 = arith.addi %get3A_520, %add3A_525 : vector<16xi32>
    tpu.vector_store_idx %arg6[%get3A_518, %add3A_526], %broadcast_in_dim3A_7 : memref<128x256xf32, #tpu.memory_space<vmem>>[vector<16xi32>, vector<16xi32>], vector<16xf32>,
    %add3A_527 = arith.constant 2 : i32
    %add3A_528 = vector.broadcast %add3A_527 : i32 to vector<16xi32>
    %add3A_529 = arith.addi %get3A_520, %add3A_528 : vector<16xi32>
    tpu.vector_store_idx %arg6[%get3A_518, %add3A_529], %broadcast_in_dim3A_7 : memref<128x256xf32, #tpu.memory_space<vmem>>[vector<16xi32>, vector<16xi32>], vector<16xf32>,
    %add3A_530 = arith.constant 3 : i32
    %add3A_531 = vector.broadcast %add3A_530 : i32 to vector<16xi32>
    %add3A_532 = arith.addi %get3A_520, %add3A_531 : vector<16xi32>
    tpu.vector_store_idx %arg6[%get3A_518, %add3A_532], %broadcast_in_dim3A_7 : memref<128x256xf32, #tpu.memory_space<vmem>>[vector<16xi32>, vector<16xi32>], vector<16xf32>,
    %add3A_533 = arith.constant 4 : i32
    %add3A_534 = vector.broadcast %add3A_533 : i32 to vector<16xi32>
    %add3A_535 = arith.addi %get3A_520, %add3A_534 : vector<16xi32>
    tpu.vector_store_idx %arg6[%get3A_518, %add3A_535], %broadcast_in_dim3A_7 : memref<128x256xf32, #tpu.memory_space<vmem>>[vector<16xi32>, vector<16xi32>], vector<16xf32>,
    %add3A_536 = arith.constant 5 : i32
    %add3A_537 = vector.broadcast %add3A_536 : i32 to vector<16xi32>
    %add3A_538 = arith.addi %get3A_520, %add3A_537 : vector<16xi32>
    tpu.vector_store_idx %arg6[%get3A_518, %add3A_538], %broadcast_in_dim3A_7 : memref<128x256xf32, #tpu.memory_space<vmem>>[vector<16xi32>, vector<16xi32>], vector<16xf32>,
    %add3A_539 = arith.constant 6 : i32
    %add3A_540 = vector.broadcast %add3A_539 : i32 to vector<16xi32>
    %add3A_541 = arith.addi %get3A_520, %add3A_540 : vector<16xi32>
    tpu.vector_store_idx %arg6[%get3A_518, %add3A_541], %broadcast_in_dim3A_7 : memref<128x256xf32, #tpu.memory_space<vmem>>[vector<16xi32>, vector<16xi32>], vector<16xf32>,
    %add3A_542 = arith.constant 7 : i32
    %add3A_543 = vector.broadcast %add3A_542 : i32 to vector<16xi32>
    %add3A_544 = arith.addi %get3A_520, %add3A_543 : vector<16xi32>
    tpu.vector_store_idx %arg6[%get3A_518, %add3A_544], %broadcast_in_dim3A_7 : memref<128x256xf32, #tpu.memory_space<vmem>>[vector<16xi32>, vector<16xi32>], vector<16xf32>,
    %add3A_545 = arith.constant 8 : i32
    %add3A_546 = vector.broadcast %add3A_545 : i32 to vector<16xi32>
    %add3A_547 = arith.addi %get3A_520, %add3A_546 : vector<16xi32>
    tpu.vector_store_idx %arg6[%get3A_518, %add3A_547], %broadcast_in_dim3A_7 : memref<128x256xf32, #tpu.memory_space<vmem>>[vector<16xi32>, vector<16xi32>], vector<16xf32>,
    %add3A_548 = arith.constant 9 : i32
    %add3A_549 = vector.broadcast %add3A_548 : i32 to vector<16xi32>
    %add3A_550 = arith.addi %get3A_520, %add3A_549 : vector<16xi32>
    tpu.vector_store_idx %arg6[%get3A_518, %add3A_550], %broadcast_in_dim3A_7 : memref<128x256xf32, #tpu.memory_space<vmem>>[vector<16xi32>, vector<16xi32>], vector<16xf32>,
    %add3A_551 = arith.constant 10 : i32
    %add3A_552 = vector.broadcast %add3A_551 : i32 to vector<16xi32>
    %add3A_553 = arith.addi %get3A_520, %add3A_552 : vector<16xi32>
    tpu.vector_store_idx %arg6[%get3A_518, %add3A_553], %broadcast_in_dim3A_7 : memref<128x256xf32, #tpu.memory_space<vmem>>[vector<16xi32>, vector<16xi32>], vector<16xf32>,
    %add3A_554 = arith.constant 11 : i32
    %add3A_555 = vector.broadcast %add3A_554 : i32 to vector<16xi32>
    %add3A_556 = arith.addi %get3A_520, %add3A_555 : vector<16xi32>
    tpu.vector_store_idx %arg6[%get3A_518, %add3A_556], %broadcast_in_dim3A_7 : memref<128x256xf32, #tpu.memory_space<vmem>>[vector<16xi32>, vector<16xi32>], vector<16xf32>,
    %add3A_557 = arith.constant 12 : i32
    %add3A_558 = vector.broadcast %add3A_557 : i32 to vector<16xi32>
    %add3A_559 = arith.addi %get3A_520, %add3A_558 : vector<16xi32>
    tpu.vector_store_idx %arg6[%get3A_518, %add3A_559], %broadcast_in_dim3A_7 : memref<128x256xf32, #tpu.memory_space<vmem>>[vector<16xi32>, vector<16xi32>], vector<16xf32>,
    %add3A_560 = arith.constant 13 : i32
    %add3A_561 = vector.broadcast %add3A_560 : i32 to vector<16xi32>
    %add3A_562 = arith.addi %get3A_520, %add3A_561 : vector<16xi32>
    tpu.vector_store_idx %arg6[%get3A_518, %add3A_562], %broadcast_in_dim3A_7 : memref<128x256xf32, #tpu.memory_space<vmem>>[vector<16xi32>, vector<16xi32>], vector<16xf32>,
    %add3A_563 = arith.constant 14 : i32
    %add3A_564 = vector.broadcast %add3A_563 : i32 to vector<16xi32>
    %add3A_565 = arith.addi %get3A_520, %add3A_564 : vector<16xi32>
    tpu.vector_store_idx %arg6[%get3A_518, %add3A_565], %broadcast_in_dim3A_7 : memref<128x256xf32, #tpu.memory_space<vmem>>[vector<16xi32>, vector<16xi32>], vector<16xf32>,
    %add3A_566 = arith.constant 15 : i32
    %add3A_567 = vector.broadcast %add3A_566 : i32 to vector<16xi32>
    %add3A_568 = arith.addi %get3A_520, %add3A_567 : vector<16xi32>
    tpu.vector_store_idx %arg6[%get3A_518, %add3A_568], %broadcast_in_dim3A_7 : memref<128x256xf32, #tpu.memory_space<vmem>>[vector<16xi32>, vector<16xi32>], vector<16xf32>,
    %add3A_569 = arith.constant 16 : i32
    %add3A_570 = vector.broadcast %add3A_569 : i32 to vector<16xi32>
    %add3A_571 = arith.addi %get3A_520, %add3A_570 : vector<16xi32>
    tpu.vector_store_idx %arg6[%get3A_518, %add3A_571], %broadcast_in_dim3A_7 : memref<128x256xf32, #tpu.memory_space<vmem>>[vector<16xi32>, vector<16xi32>], vector<16xf32>,
    %add3A_572 = arith.constant 17 : i32
    %add3A_573 = vector.broadcast %add3A_572 : i32 to vector<16xi32>
    %add3A_574 = arith.addi %get3A_520, %add3A_573 : vector<16xi32>
    tpu.vector_store_idx %arg6[%get3A_518, %add3A_574], %broadcast_in_dim3A_7 : memref<128x256xf32, #tpu.memory_space<vmem>>[vector<16xi32>, vector<16xi32>], vector<16xf32>,
    %add3A_575 = arith.constant 18 : i32
    %add3A_576 = vector.broadcast %add3A_575 : i32 to vector<16xi32>
    %add3A_577 = arith.addi %get3A_520, %add3A_576 : vector<16xi32>
    tpu.vector_store_idx %arg6[%get3A_518, %add3A_577], %broadcast_in_dim3A_7 : memref<128x256xf32, #tpu.memory_space<vmem>>[vector<16xi32>, vector<16xi32>], vector<16xf32>,
    %add3A_578 = arith.constant 19 : i32
    %add3A_579 = vector.broadcast %add3A_578 : i32 to vector<16xi32>
    %add3A_580 = arith.addi %get3A_520, %add3A_579 : vector<16xi32>
    tpu.vector_store_idx %arg6[%get3A_518, %add3A_580], %broadcast_in_dim3A_7 : memref<128x256xf32, #tpu.memory_space<vmem>>[vector<16xi32>, vector<16xi32>], vector<16xf32>,
    %add3A_581 = arith.constant 20 : i32
    %add3A_582 = vector.broadcast %add3A_581 : i32 to vector<16xi32>
    %add3A_583 = arith.addi %get3A_520, %add3A_582 : vector<16xi32>
    tpu.vector_store_idx %arg6[%get3A_518, %add3A_583], %broadcast_in_dim3A_7 : memref<128x256xf32, #tpu.memory_space<vmem>>[vector<16xi32>, vector<16xi32>], vector<16xf32>,
    %add3A_584 = arith.constant 21 : i32
    %add3A_585 = vector.broadcast %add3A_584 : i32 to vector<16xi32>
    %add3A_586 = arith.addi %get3A_520, %add3A_585 : vector<16xi32>
    tpu.vector_store_idx %arg6[%get3A_518, %add3A_586], %broadcast_in_dim3A_7 : memref<128x256xf32, #tpu.memory_space<vmem>>[vector<16xi32>, vector<16xi32>], vector<16xf32>,
    %add3A_587 = arith.constant 22 : i32
    %add3A_588 = vector.broadcast %add3A_587 : i32 to vector<16xi32>
    %add3A_589 = arith.addi %get3A_520, %add3A_588 : vector<16xi32>
    tpu.vector_store_idx %arg6[%get3A_518, %add3A_589], %broadcast_in_dim3A_7 : memref<128x256xf32, #tpu.memory_space<vmem>>[vector<16xi32>, vector<16xi32>], vector<16xf32>,
    %add3A_590 = arith.constant 23 : i32
    %add3A_591 = vector.broadcast %add3A_590 : i32 to vector<16xi32>
    %add3A_592 = arith.addi %get3A_520, %add3A_591 : vector<16xi32>
    tpu.vector_store_idx %arg6[%get3A_518, %add3A_592], %broadcast_in_dim3A_7 : memref<128x256xf32, #tpu.memory_space<vmem>>[vector<16xi32>, vector<16xi32>], vector<16xf32>,
    %add3A_593 = arith.constant 24 : i32
    %add3A_594 = vector.broadcast %add3A_593 : i32 to vector<16xi32>
    %add3A_595 = arith.addi %get3A_520, %add3A_594 : vector<16xi32>
    tpu.vector_store_idx %arg6[%get3A_518, %add3A_595], %broadcast_in_dim3A_7 : memref<128x256xf32, #tpu.memory_space<vmem>>[vector<16xi32>, vector<16xi32>], vector<16xf32>,
    %add3A_596 = arith.constant 25 : i32
    %add3A_597 = vector.broadcast %add3A_596 : i32 to vector<16xi32>
    %add3A_598 = arith.addi %get3A_520, %add3A_597 : vector<16xi32>
    tpu.vector_store_idx %arg6[%get3A_518, %add3A_598], %broadcast_in_dim3A_7 : memref<128x256xf32, #tpu.memory_space<vmem>>[vector<16xi32>, vector<16xi32>], vector<16xf32>,
    %add3A_599 = arith.constant 26 : i32
    %add3A_600 = vector.broadcast %add3A_599 : i32 to vector<16xi32>
    %add3A_601 = arith.addi %get3A_520, %add3A_600 : vector<16xi32>
    tpu.vector_store_idx %arg6[%get3A_518, %add3A_601], %broadcast_in_dim3A_7 : memref<128x256xf32, #tpu.memory_space<vmem>>[vector<16xi32>, vector<16xi32>], vector<16xf32>,
    %add3A_602 = arith.constant 27 : i32
    %add3A_603 = vector.broadcast %add3A_602 : i32 to vector<16xi32>
    %add3A_604 = arith.addi %get3A_520, %add3A_603 : vector<16xi32>
    tpu.vector_store_idx %arg6[%get3A_518, %add3A_604], %broadcast_in_dim3A_7 : memref<128x256xf32, #tpu.memory_space<vmem>>[vector<16xi32>, vector<16xi32>], vector<16xf32>,
    %add3A_605 = arith.constant 28 : i32
    %add3A_606 = vector.broadcast %add3A_605 : i32 to vector<16xi32>
    %add3A_607 = arith.addi %get3A_520, %add3A_606 : vector<16xi32>
    tpu.vector_store_idx %arg6[%get3A_518, %add3A_607], %broadcast_in_dim3A_7 : memref<128x256xf32, #tpu.memory_space<vmem>>[vector<16xi32>, vector<16xi32>], vector<16xf32>,
    %add3A_608 = arith.constant 29 : i32
    %add3A_609 = vector.broadcast %add3A_608 : i32 to vector<16xi32>
    %add3A_610 = arith.addi %get3A_520, %add3A_609 : vector<16xi32>
    tpu.vector_store_idx %arg6[%get3A_518, %add3A_610], %broadcast_in_dim3A_7 : memref<128x256xf32, #tpu.memory_space<vmem>>[vector<16xi32>, vector<16xi32>], vector<16xf32>,
    %add3A_611 = arith.constant 30 : i32
    %add3A_612 = vector.broadcast %add3A_611 : i32 to vector<16xi32>
    %add3A_613 = arith.addi %get3A_520, %add3A_612 : vector<16xi32>
    tpu.vector_store_idx %arg6[%get3A_518, %add3A_613], %broadcast_in_dim3A_7 : memref<128x256xf32, #tpu.memory_space<vmem>>[vector<16xi32>, vector<16xi32>], vector<16xf32>,
    %add3A_614 = arith.constant 31 : i32
    %add3A_615 = vector.broadcast %add3A_614 : i32 to vector<16xi32>
    %add3A_616 = arith.addi %get3A_520, %add3A_615 : vector<16xi32>
    tpu.vector_store_idx %arg6[%get3A_518, %add3A_616], %broadcast_in_dim3A_7 : memref<128x256xf32, #tpu.memory_space<vmem>>[vector<16xi32>, vector<16xi32>], vector<16xf32>,
    %get3A_617 = arith.constant 96 : index
    %get3A_618 = tpu.vector_load %arg8[%get3A_617] {strides = array<i32>} : memref<128xi32, #tpu.memory_space<vmem>>, vector<16xi32>,
    %get3A_619 = arith.constant 96 : index
    %get3A_620 = tpu.vector_load %arg9[%get3A_619] {strides = array<i32>} : memref<128xi32, #tpu.memory_space<vmem>>, vector<16xi32>,
    %add3A_621 = arith.constant 0 : i32
    %add3A_622 = vector.broadcast %add3A_621 : i32 to vector<16xi32>
    %add3A_623 = arith.addi %get3A_620, %add3A_622 : vector<16xi32>
    tpu.vector_store_idx %arg6[%get3A_618, %add3A_623], %broadcast_in_dim3A_7 : memref<128x256xf32, #tpu.memory_space<vmem>>[vector<16xi32>, vector<16xi32>], vector<16xf32>,
    %add3A_624 = arith.constant 1 : i32
    %add3A_625 = vector.broadcast %add3A_624 : i32 to vector<16xi32>
    %add3A_626 = arith.addi %get3A_620, %add3A_625 : vector<16xi32>
    tpu.vector_store_idx %arg6[%get3A_618, %add3A_626], %broadcast_in_dim3A_7 : memref<128x256xf32, #tpu.memory_space<vmem>>[vector<16xi32>, vector<16xi32>], vector<16xf32>,
    %add3A_627 = arith.constant 2 : i32
    %add3A_628 = vector.broadcast %add3A_627 : i32 to vector<16xi32>
    %add3A_629 = arith.addi %get3A_620, %add3A_628 : vector<16xi32>
    tpu.vector_store_idx %arg6[%get3A_618, %add3A_629], %broadcast_in_dim3A_7 : memref<128x256xf32, #tpu.memory_space<vmem>>[vector<16xi32>, vector<16xi32>], vector<16xf32>,
    %add3A_630 = arith.constant 3 : i32
    %add3A_631 = vector.broadcast %add3A_630 : i32 to vector<16xi32>
    %add3A_632 = arith.addi %get3A_620, %add3A_631 : vector<16xi32>
    tpu.vector_store_idx %arg6[%get3A_618, %add3A_632], %broadcast_in_dim3A_7 : memref<128x256xf32, #tpu.memory_space<vmem>>[vector<16xi32>, vector<16xi32>], vector<16xf32>,
    %add3A_633 = arith.constant 4 : i32
    %add3A_634 = vector.broadcast %add3A_633 : i32 to vector<16xi32>
    %add3A_635 = arith.addi %get3A_620, %add3A_634 : vector<16xi32>
    tpu.vector_store_idx %arg6[%get3A_618, %add3A_635], %broadcast_in_dim3A_7 : memref<128x256xf32, #tpu.memory_space<vmem>>[vector<16xi32>, vector<16xi32>], vector<16xf32>,
    %add3A_636 = arith.constant 5 : i32
    %add3A_637 = vector.broadcast %add3A_636 : i32 to vector<16xi32>
    %add3A_638 = arith.addi %get3A_620, %add3A_637 : vector<16xi32>
    tpu.vector_store_idx %arg6[%get3A_618, %add3A_638], %broadcast_in_dim3A_7 : memref<128x256xf32, #tpu.memory_space<vmem>>[vector<16xi32>, vector<16xi32>], vector<16xf32>,
    %add3A_639 = arith.constant 6 : i32
    %add3A_640 = vector.broadcast %add3A_639 : i32 to vector<16xi32>
    %add3A_641 = arith.addi %get3A_620, %add3A_640 : vector<16xi32>
    tpu.vector_store_idx %arg6[%get3A_618, %add3A_641], %broadcast_in_dim3A_7 : memref<128x256xf32, #tpu.memory_space<vmem>>[vector<16xi32>, vector<16xi32>], vector<16xf32>,
    %add3A_642 = arith.constant 7 : i32
    %add3A_643 = vector.broadcast %add3A_642 : i32 to vector<16xi32>
    %add3A_644 = arith.addi %get3A_620, %add3A_643 : vector<16xi32>
    tpu.vector_store_idx %arg6[%get3A_618, %add3A_644], %broadcast_in_dim3A_7 : memref<128x256xf32, #tpu.memory_space<vmem>>[vector<16xi32>, vector<16xi32>], vector<16xf32>,
    %add3A_645 = arith.constant 8 : i32
    %add3A_646 = vector.broadcast %add3A_645 : i32 to vector<16xi32>
    %add3A_647 = arith.addi %get3A_620, %add3A_646 : vector<16xi32>
    tpu.vector_store_idx %arg6[%get3A_618, %add3A_647], %broadcast_in_dim3A_7 : memref<128x256xf32, #tpu.memory_space<vmem>>[vector<16xi32>, vector<16xi32>], vector<16xf32>,
    %add3A_648 = arith.constant 9 : i32
    %add3A_649 = vector.broadcast %add3A_648 : i32 to vector<16xi32>
    %add3A_650 = arith.addi %get3A_620, %add3A_649 : vector<16xi32>
    tpu.vector_store_idx %arg6[%get3A_618, %add3A_650], %broadcast_in_dim3A_7 : memref<128x256xf32, #tpu.memory_space<vmem>>[vector<16xi32>, vector<16xi32>], vector<16xf32>,
    %add3A_651 = arith.constant 10 : i32
    %add3A_652 = vector.broadcast %add3A_651 : i32 to vector<16xi32>
    %add3A_653 = arith.addi %get3A_620, %add3A_652 : vector<16xi32>
    tpu.vector_store_idx %arg6[%get3A_618, %add3A_653], %broadcast_in_dim3A_7 : memref<128x256xf32, #tpu.memory_space<vmem>>[vector<16xi32>, vector<16xi32>], vector<16xf32>,
    %add3A_654 = arith.constant 11 : i32
    %add3A_655 = vector.broadcast %add3A_654 : i32 to vector<16xi32>
    %add3A_656 = arith.addi %get3A_620, %add3A_655 : vector<16xi32>
    tpu.vector_store_idx %arg6[%get3A_618, %add3A_656], %broadcast_in_dim3A_7 : memref<128x256xf32, #tpu.memory_space<vmem>>[vector<16xi32>, vector<16xi32>], vector<16xf32>,
    %add3A_657 = arith.constant 12 : i32
    %add3A_658 = vector.broadcast %add3A_657 : i32 to vector<16xi32>
    %add3A_659 = arith.addi %get3A_620, %add3A_658 : vector<16xi32>
    tpu.vector_store_idx %arg6[%get3A_618, %add3A_659], %broadcast_in_dim3A_7 : memref<128x256xf32, #tpu.memory_space<vmem>>[vector<16xi32>, vector<16xi32>], vector<16xf32>,
    %add3A_660 = arith.constant 13 : i32
    %add3A_661 = vector.broadcast %add3A_660 : i32 to vector<16xi32>
    %add3A_662 = arith.addi %get3A_620, %add3A_661 : vector<16xi32>
    tpu.vector_store_idx %arg6[%get3A_618, %add3A_662], %broadcast_in_dim3A_7 : memref<128x256xf32, #tpu.memory_space<vmem>>[vector<16xi32>, vector<16xi32>], vector<16xf32>,
    %add3A_663 = arith.constant 14 : i32
    %add3A_664 = vector.broadcast %add3A_663 : i32 to vector<16xi32>
    %add3A_665 = arith.addi %get3A_620, %add3A_664 : vector<16xi32>
    tpu.vector_store_idx %arg6[%get3A_618, %add3A_665], %broadcast_in_dim3A_7 : memref<128x256xf32, #tpu.memory_space<vmem>>[vector<16xi32>, vector<16xi32>], vector<16xf32>,
    %add3A_666 = arith.constant 15 : i32
    %add3A_667 = vector.broadcast %add3A_666 : i32 to vector<16xi32>
    %add3A_668 = arith.addi %get3A_620, %add3A_667 : vector<16xi32>
    tpu.vector_store_idx %arg6[%get3A_618, %add3A_668], %broadcast_in_dim3A_7 : memref<128x256xf32, #tpu.memory_space<vmem>>[vector<16xi32>, vector<16xi32>], vector<16xf32>,
    %add3A_669 = arith.constant 16 : i32
    %add3A_670 = vector.broadcast %add3A_669 : i32 to vector<16xi32>
    %add3A_671 = arith.addi %get3A_620, %add3A_670 : vector<16xi32>
    tpu.vector_store_idx %arg6[%get3A_618, %add3A_671], %broadcast_in_dim3A_7 : memref<128x256xf32, #tpu.memory_space<vmem>>[vector<16xi32>, vector<16xi32>], vector<16xf32>,
    %add3A_672 = arith.constant 17 : i32
    %add3A_673 = vector.broadcast %add3A_672 : i32 to vector<16xi32>
    %add3A_674 = arith.addi %get3A_620, %add3A_673 : vector<16xi32>
    tpu.vector_store_idx %arg6[%get3A_618, %add3A_674], %broadcast_in_dim3A_7 : memref<128x256xf32, #tpu.memory_space<vmem>>[vector<16xi32>, vector<16xi32>], vector<16xf32>,
    %add3A_675 = arith.constant 18 : i32
    %add3A_676 = vector.broadcast %add3A_675 : i32 to vector<16xi32>
    %add3A_677 = arith.addi %get3A_620, %add3A_676 : vector<16xi32>
    tpu.vector_store_idx %arg6[%get3A_618, %add3A_677], %broadcast_in_dim3A_7 : memref<128x256xf32, #tpu.memory_space<vmem>>[vector<16xi32>, vector<16xi32>], vector<16xf32>,
    %add3A_678 = arith.constant 19 : i32
    %add3A_679 = vector.broadcast %add3A_678 : i32 to vector<16xi32>
    %add3A_680 = arith.addi %get3A_620, %add3A_679 : vector<16xi32>
    tpu.vector_store_idx %arg6[%get3A_618, %add3A_680], %broadcast_in_dim3A_7 : memref<128x256xf32, #tpu.memory_space<vmem>>[vector<16xi32>, vector<16xi32>], vector<16xf32>,
    %add3A_681 = arith.constant 20 : i32
    %add3A_682 = vector.broadcast %add3A_681 : i32 to vector<16xi32>
    %add3A_683 = arith.addi %get3A_620, %add3A_682 : vector<16xi32>
    tpu.vector_store_idx %arg6[%get3A_618, %add3A_683], %broadcast_in_dim3A_7 : memref<128x256xf32, #tpu.memory_space<vmem>>[vector<16xi32>, vector<16xi32>], vector<16xf32>,
    %add3A_684 = arith.constant 21 : i32
    %add3A_685 = vector.broadcast %add3A_684 : i32 to vector<16xi32>
    %add3A_686 = arith.addi %get3A_620, %add3A_685 : vector<16xi32>
    tpu.vector_store_idx %arg6[%get3A_618, %add3A_686], %broadcast_in_dim3A_7 : memref<128x256xf32, #tpu.memory_space<vmem>>[vector<16xi32>, vector<16xi32>], vector<16xf32>,
    %add3A_687 = arith.constant 22 : i32
    %add3A_688 = vector.broadcast %add3A_687 : i32 to vector<16xi32>
    %add3A_689 = arith.addi %get3A_620, %add3A_688 : vector<16xi32>
    tpu.vector_store_idx %arg6[%get3A_618, %add3A_689], %broadcast_in_dim3A_7 : memref<128x256xf32, #tpu.memory_space<vmem>>[vector<16xi32>, vector<16xi32>], vector<16xf32>,
    %add3A_690 = arith.constant 23 : i32
    %add3A_691 = vector.broadcast %add3A_690 : i32 to vector<16xi32>
    %add3A_692 = arith.addi %get3A_620, %add3A_691 : vector<16xi32>
    tpu.vector_store_idx %arg6[%get3A_618, %add3A_692], %broadcast_in_dim3A_7 : memref<128x256xf32, #tpu.memory_space<vmem>>[vector<16xi32>, vector<16xi32>], vector<16xf32>,
    %add3A_693 = arith.constant 24 : i32
    %add3A_694 = vector.broadcast %add3A_693 : i32 to vector<16xi32>
    %add3A_695 = arith.addi %get3A_620, %add3A_694 : vector<16xi32>
    tpu.vector_store_idx %arg6[%get3A_618, %add3A_695], %broadcast_in_dim3A_7 : memref<128x256xf32, #tpu.memory_space<vmem>>[vector<16xi32>, vector<16xi32>], vector<16xf32>,
    %add3A_696 = arith.constant 25 : i32
    %add3A_697 = vector.broadcast %add3A_696 : i32 to vector<16xi32>
    %add3A_698 = arith.addi %get3A_620, %add3A_697 : vector<16xi32>
    tpu.vector_store_idx %arg6[%get3A_618, %add3A_698], %broadcast_in_dim3A_7 : memref<128x256xf32, #tpu.memory_space<vmem>>[vector<16xi32>, vector<16xi32>], vector<16xf32>,
    %add3A_699 = arith.constant 26 : i32
    %add3A_700 = vector.broadcast %add3A_699 : i32 to vector<16xi32>
    %add3A_701 = arith.addi %get3A_620, %add3A_700 : vector<16xi32>
    tpu.vector_store_idx %arg6[%get3A_618, %add3A_701], %broadcast_in_dim3A_7 : memref<128x256xf32, #tpu.memory_space<vmem>>[vector<16xi32>, vector<16xi32>], vector<16xf32>,
    %add3A_702 = arith.constant 27 : i32
    %add3A_703 = vector.broadcast %add3A_702 : i32 to vector<16xi32>
    %add3A_704 = arith.addi %get3A_620, %add3A_703 : vector<16xi32>
    tpu.vector_store_idx %arg6[%get3A_618, %add3A_704], %broadcast_in_dim3A_7 : memref<128x256xf32, #tpu.memory_space<vmem>>[vector<16xi32>, vector<16xi32>], vector<16xf32>,
    %add3A_705 = arith.constant 28 : i32
    %add3A_706 = vector.broadcast %add3A_705 : i32 to vector<16xi32>
    %add3A_707 = arith.addi %get3A_620, %add3A_706 : vector<16xi32>
    tpu.vector_store_idx %arg6[%get3A_618, %add3A_707], %broadcast_in_dim3A_7 : memref<128x256xf32, #tpu.memory_space<vmem>>[vector<16xi32>, vector<16xi32>], vector<16xf32>,
    %add3A_708 = arith.constant 29 : i32
    %add3A_709 = vector.broadcast %add3A_708 : i32 to vector<16xi32>
    %add3A_710 = arith.addi %get3A_620, %add3A_709 : vector<16xi32>
    tpu.vector_store_idx %arg6[%get3A_618, %add3A_710], %broadcast_in_dim3A_7 : memref<128x256xf32, #tpu.memory_space<vmem>>[vector<16xi32>, vector<16xi32>], vector<16xf32>,
    %add3A_711 = arith.constant 30 : i32
    %add3A_712 = vector.broadcast %add3A_711 : i32 to vector<16xi32>
    %add3A_713 = arith.addi %get3A_620, %add3A_712 : vector<16xi32>
    tpu.vector_store_idx %arg6[%get3A_618, %add3A_713], %broadcast_in_dim3A_7 : memref<128x256xf32, #tpu.memory_space<vmem>>[vector<16xi32>, vector<16xi32>], vector<16xf32>,
    %add3A_714 = arith.constant 31 : i32
    %add3A_715 = vector.broadcast %add3A_714 : i32 to vector<16xi32>
    %add3A_716 = arith.addi %get3A_620, %add3A_715 : vector<16xi32>
    tpu.vector_store_idx %arg6[%get3A_618, %add3A_716], %broadcast_in_dim3A_7 : memref<128x256xf32, #tpu.memory_space<vmem>>[vector<16xi32>, vector<16xi32>], vector<16xf32>,
    %get3A_717 = arith.constant 112 : index
    %get3A_718 = tpu.vector_load %arg8[%get3A_717] {strides = array<i32>} : memref<128xi32, #tpu.memory_space<vmem>>, vector<16xi32>,
    %get3A_719 = arith.constant 112 : index
    %get3A_720 = tpu.vector_load %arg9[%get3A_719] {strides = array<i32>} : memref<128xi32, #tpu.memory_space<vmem>>, vector<16xi32>,
    %add3A_721 = arith.constant 0 : i32
    %add3A_722 = vector.broadcast %add3A_721 : i32 to vector<16xi32>
    %add3A_723 = arith.addi %get3A_720, %add3A_722 : vector<16xi32>
    tpu.vector_store_idx %arg6[%get3A_718, %add3A_723], %broadcast_in_dim3A_7 : memref<128x256xf32, #tpu.memory_space<vmem>>[vector<16xi32>, vector<16xi32>], vector<16xf32>,
    %add3A_724 = arith.constant 1 : i32
    %add3A_725 = vector.broadcast %add3A_724 : i32 to vector<16xi32>
    %add3A_726 = arith.addi %get3A_720, %add3A_725 : vector<16xi32>
    tpu.vector_store_idx %arg6[%get3A_718, %add3A_726], %broadcast_in_dim3A_7 : memref<128x256xf32, #tpu.memory_space<vmem>>[vector<16xi32>, vector<16xi32>], vector<16xf32>,
    %add3A_727 = arith.constant 2 : i32
    %add3A_728 = vector.broadcast %add3A_727 : i32 to vector<16xi32>
    %add3A_729 = arith.addi %get3A_720, %add3A_728 : vector<16xi32>
    tpu.vector_store_idx %arg6[%get3A_718, %add3A_729], %broadcast_in_dim3A_7 : memref<128x256xf32, #tpu.memory_space<vmem>>[vector<16xi32>, vector<16xi32>], vector<16xf32>,
    %add3A_730 = arith.constant 3 : i32
    %add3A_731 = vector.broadcast %add3A_730 : i32 to vector<16xi32>
    %add3A_732 = arith.addi %get3A_720, %add3A_731 : vector<16xi32>
    tpu.vector_store_idx %arg6[%get3A_718, %add3A_732], %broadcast_in_dim3A_7 : memref<128x256xf32, #tpu.memory_space<vmem>>[vector<16xi32>, vector<16xi32>], vector<16xf32>,
    %add3A_733 = arith.constant 4 : i32
    %add3A_734 = vector.broadcast %add3A_733 : i32 to vector<16xi32>
    %add3A_735 = arith.addi %get3A_720, %add3A_734 : vector<16xi32>
    tpu.vector_store_idx %arg6[%get3A_718, %add3A_735], %broadcast_in_dim3A_7 : memref<128x256xf32, #tpu.memory_space<vmem>>[vector<16xi32>, vector<16xi32>], vector<16xf32>,
    %add3A_736 = arith.constant 5 : i32
    %add3A_737 = vector.broadcast %add3A_736 : i32 to vector<16xi32>
    %add3A_738 = arith.addi %get3A_720, %add3A_737 : vector<16xi32>
    tpu.vector_store_idx %arg6[%get3A_718, %add3A_738], %broadcast_in_dim3A_7 : memref<128x256xf32, #tpu.memory_space<vmem>>[vector<16xi32>, vector<16xi32>], vector<16xf32>,
    %add3A_739 = arith.constant 6 : i32
    %add3A_740 = vector.broadcast %add3A_739 : i32 to vector<16xi32>
    %add3A_741 = arith.addi %get3A_720, %add3A_740 : vector<16xi32>
    tpu.vector_store_idx %arg6[%get3A_718, %add3A_741], %broadcast_in_dim3A_7 : memref<128x256xf32, #tpu.memory_space<vmem>>[vector<16xi32>, vector<16xi32>], vector<16xf32>,
    %add3A_742 = arith.constant 7 : i32
    %add3A_743 = vector.broadcast %add3A_742 : i32 to vector<16xi32>
    %add3A_744 = arith.addi %get3A_720, %add3A_743 : vector<16xi32>
    tpu.vector_store_idx %arg6[%get3A_718, %add3A_744], %broadcast_in_dim3A_7 : memref<128x256xf32, #tpu.memory_space<vmem>>[vector<16xi32>, vector<16xi32>], vector<16xf32>,
    %add3A_745 = arith.constant 8 : i32
    %add3A_746 = vector.broadcast %add3A_745 : i32 to vector<16xi32>
    %add3A_747 = arith.addi %get3A_720, %add3A_746 : vector<16xi32>
    tpu.vector_store_idx %arg6[%get3A_718, %add3A_747], %broadcast_in_dim3A_7 : memref<128x256xf32, #tpu.memory_space<vmem>>[vector<16xi32>, vector<16xi32>], vector<16xf32>,
    %add3A_748 = arith.constant 9 : i32
    %add3A_749 = vector.broadcast %add3A_748 : i32 to vector<16xi32>
    %add3A_750 = arith.addi %get3A_720, %add3A_749 : vector<16xi32>
    tpu.vector_store_idx %arg6[%get3A_718, %add3A_750], %broadcast_in_dim3A_7 : memref<128x256xf32, #tpu.memory_space<vmem>>[vector<16xi32>, vector<16xi32>], vector<16xf32>,
    %add3A_751 = arith.constant 10 : i32
    %add3A_752 = vector.broadcast %add3A_751 : i32 to vector<16xi32>
    %add3A_753 = arith.addi %get3A_720, %add3A_752 : vector<16xi32>
    tpu.vector_store_idx %arg6[%get3A_718, %add3A_753], %broadcast_in_dim3A_7 : memref<128x256xf32, #tpu.memory_space<vmem>>[vector<16xi32>, vector<16xi32>], vector<16xf32>,
    %add3A_754 = arith.constant 11 : i32
    %add3A_755 = vector.broadcast %add3A_754 : i32 to vector<16xi32>
    %add3A_756 = arith.addi %get3A_720, %add3A_755 : vector<16xi32>
    tpu.vector_store_idx %arg6[%get3A_718, %add3A_756], %broadcast_in_dim3A_7 : memref<128x256xf32, #tpu.memory_space<vmem>>[vector<16xi32>, vector<16xi32>], vector<16xf32>,
    %add3A_757 = arith.constant 12 : i32
    %add3A_758 = vector.broadcast %add3A_757 : i32 to vector<16xi32>
    %add3A_759 = arith.addi %get3A_720, %add3A_758 : vector<16xi32>
    tpu.vector_store_idx %arg6[%get3A_718, %add3A_759], %broadcast_in_dim3A_7 : memref<128x256xf32, #tpu.memory_space<vmem>>[vector<16xi32>, vector<16xi32>], vector<16xf32>,
    %add3A_760 = arith.constant 13 : i32
    %add3A_761 = vector.broadcast %add3A_760 : i32 to vector<16xi32>
    %add3A_762 = arith.addi %get3A_720, %add3A_761 : vector<16xi32>
    tpu.vector_store_idx %arg6[%get3A_718, %add3A_762], %broadcast_in_dim3A_7 : memref<128x256xf32, #tpu.memory_space<vmem>>[vector<16xi32>, vector<16xi32>], vector<16xf32>,
    %add3A_763 = arith.constant 14 : i32
    %add3A_764 = vector.broadcast %add3A_763 : i32 to vector<16xi32>
    %add3A_765 = arith.addi %get3A_720, %add3A_764 : vector<16xi32>
    tpu.vector_store_idx %arg6[%get3A_718, %add3A_765], %broadcast_in_dim3A_7 : memref<128x256xf32, #tpu.memory_space<vmem>>[vector<16xi32>, vector<16xi32>], vector<16xf32>,
    %add3A_766 = arith.constant 15 : i32
    %add3A_767 = vector.broadcast %add3A_766 : i32 to vector<16xi32>
    %add3A_768 = arith.addi %get3A_720, %add3A_767 : vector<16xi32>
    tpu.vector_store_idx %arg6[%get3A_718, %add3A_768], %broadcast_in_dim3A_7 : memref<128x256xf32, #tpu.memory_space<vmem>>[vector<16xi32>, vector<16xi32>], vector<16xf32>,
    %add3A_769 = arith.constant 16 : i32
    %add3A_770 = vector.broadcast %add3A_769 : i32 to vector<16xi32>
    %add3A_771 = arith.addi %get3A_720, %add3A_770 : vector<16xi32>
    tpu.vector_store_idx %arg6[%get3A_718, %add3A_771], %broadcast_in_dim3A_7 : memref<128x256xf32, #tpu.memory_space<vmem>>[vector<16xi32>, vector<16xi32>], vector<16xf32>,
    %add3A_772 = arith.constant 17 : i32
    %add3A_773 = vector.broadcast %add3A_772 : i32 to vector<16xi32>
    %add3A_774 = arith.addi %get3A_720, %add3A_773 : vector<16xi32>
    tpu.vector_store_idx %arg6[%get3A_718, %add3A_774], %broadcast_in_dim3A_7 : memref<128x256xf32, #tpu.memory_space<vmem>>[vector<16xi32>, vector<16xi32>], vector<16xf32>,
    %add3A_775 = arith.constant 18 : i32
    %add3A_776 = vector.broadcast %add3A_775 : i32 to vector<16xi32>
    %add3A_777 = arith.addi %get3A_720, %add3A_776 : vector<16xi32>
    tpu.vector_store_idx %arg6[%get3A_718, %add3A_777], %broadcast_in_dim3A_7 : memref<128x256xf32, #tpu.memory_space<vmem>>[vector<16xi32>, vector<16xi32>], vector<16xf32>,
    %add3A_778 = arith.constant 19 : i32
    %add3A_779 = vector.broadcast %add3A_778 : i32 to vector<16xi32>
    %add3A_780 = arith.addi %get3A_720, %add3A_779 : vector<16xi32>
    tpu.vector_store_idx %arg6[%get3A_718, %add3A_780], %broadcast_in_dim3A_7 : memref<128x256xf32, #tpu.memory_space<vmem>>[vector<16xi32>, vector<16xi32>], vector<16xf32>,
    %add3A_781 = arith.constant 20 : i32
    %add3A_782 = vector.broadcast %add3A_781 : i32 to vector<16xi32>
    %add3A_783 = arith.addi %get3A_720, %add3A_782 : vector<16xi32>
    tpu.vector_store_idx %arg6[%get3A_718, %add3A_783], %broadcast_in_dim3A_7 : memref<128x256xf32, #tpu.memory_space<vmem>>[vector<16xi32>, vector<16xi32>], vector<16xf32>,
    %add3A_784 = arith.constant 21 : i32
    %add3A_785 = vector.broadcast %add3A_784 : i32 to vector<16xi32>
    %add3A_786 = arith.addi %get3A_720, %add3A_785 : vector<16xi32>
    tpu.vector_store_idx %arg6[%get3A_718, %add3A_786], %broadcast_in_dim3A_7 : memref<128x256xf32, #tpu.memory_space<vmem>>[vector<16xi32>, vector<16xi32>], vector<16xf32>,
    %add3A_787 = arith.constant 22 : i32
    %add3A_788 = vector.broadcast %add3A_787 : i32 to vector<16xi32>
    %add3A_789 = arith.addi %get3A_720, %add3A_788 : vector<16xi32>
    tpu.vector_store_idx %arg6[%get3A_718, %add3A_789], %broadcast_in_dim3A_7 : memref<128x256xf32, #tpu.memory_space<vmem>>[vector<16xi32>, vector<16xi32>], vector<16xf32>,
    %add3A_790 = arith.constant 23 : i32
    %add3A_791 = vector.broadcast %add3A_790 : i32 to vector<16xi32>
    %add3A_792 = arith.addi %get3A_720, %add3A_791 : vector<16xi32>
    tpu.vector_store_idx %arg6[%get3A_718, %add3A_792], %broadcast_in_dim3A_7 : memref<128x256xf32, #tpu.memory_space<vmem>>[vector<16xi32>, vector<16xi32>], vector<16xf32>,
    %add3A_793 = arith.constant 24 : i32
    %add3A_794 = vector.broadcast %add3A_793 : i32 to vector<16xi32>
    %add3A_795 = arith.addi %get3A_720, %add3A_794 : vector<16xi32>
    tpu.vector_store_idx %arg6[%get3A_718, %add3A_795], %broadcast_in_dim3A_7 : memref<128x256xf32, #tpu.memory_space<vmem>>[vector<16xi32>, vector<16xi32>], vector<16xf32>,
    %add3A_796 = arith.constant 25 : i32
    %add3A_797 = vector.broadcast %add3A_796 : i32 to vector<16xi32>
    %add3A_798 = arith.addi %get3A_720, %add3A_797 : vector<16xi32>
    tpu.vector_store_idx %arg6[%get3A_718, %add3A_798], %broadcast_in_dim3A_7 : memref<128x256xf32, #tpu.memory_space<vmem>>[vector<16xi32>, vector<16xi32>], vector<16xf32>,
    %add3A_799 = arith.constant 26 : i32
    %add3A_800 = vector.broadcast %add3A_799 : i32 to vector<16xi32>
    %add3A_801 = arith.addi %get3A_720, %add3A_800 : vector<16xi32>
    tpu.vector_store_idx %arg6[%get3A_718, %add3A_801], %broadcast_in_dim3A_7 : memref<128x256xf32, #tpu.memory_space<vmem>>[vector<16xi32>, vector<16xi32>], vector<16xf32>,
    %add3A_802 = arith.constant 27 : i32
    %add3A_803 = vector.broadcast %add3A_802 : i32 to vector<16xi32>
    %add3A_804 = arith.addi %get3A_720, %add3A_803 : vector<16xi32>
    tpu.vector_store_idx %arg6[%get3A_718, %add3A_804], %broadcast_in_dim3A_7 : memref<128x256xf32, #tpu.memory_space<vmem>>[vector<16xi32>, vector<16xi32>], vector<16xf32>,
    %add3A_805 = arith.constant 28 : i32
    %add3A_806 = vector.broadcast %add3A_805 : i32 to vector<16xi32>
    %add3A_807 = arith.addi %get3A_720, %add3A_806 : vector<16xi32>
    tpu.vector_store_idx %arg6[%get3A_718, %add3A_807], %broadcast_in_dim3A_7 : memref<128x256xf32, #tpu.memory_space<vmem>>[vector<16xi32>, vector<16xi32>], vector<16xf32>,
    %add3A_808 = arith.constant 29 : i32
    %add3A_809 = vector.broadcast %add3A_808 : i32 to vector<16xi32>
    %add3A_810 = arith.addi %get3A_720, %add3A_809 : vector<16xi32>
    tpu.vector_store_idx %arg6[%get3A_718, %add3A_810], %broadcast_in_dim3A_7 : memref<128x256xf32, #tpu.memory_space<vmem>>[vector<16xi32>, vector<16xi32>], vector<16xf32>,
    %add3A_811 = arith.constant 30 : i32
    %add3A_812 = vector.broadcast %add3A_811 : i32 to vector<16xi32>
    %add3A_813 = arith.addi %get3A_720, %add3A_812 : vector<16xi32>
    tpu.vector_store_idx %arg6[%get3A_718, %add3A_813], %broadcast_in_dim3A_7 : memref<128x256xf32, #tpu.memory_space<vmem>>[vector<16xi32>, vector<16xi32>], vector<16xf32>,
    %add3A_814 = arith.constant 31 : i32
    %add3A_815 = vector.broadcast %add3A_814 : i32 to vector<16xi32>
    %add3A_816 = arith.addi %get3A_720, %add3A_815 : vector<16xi32>
    tpu.vector_store_idx %arg6[%get3A_718, %add3A_816], %broadcast_in_dim3A_7 : memref<128x256xf32, #tpu.memory_space<vmem>>[vector<16xi32>, vector<16xi32>], vector<16xf32>,
    %add3A_817 = arith.constant 0 : i32
    %add3A_818 = arith.addi %mul3A_6, %add3A_817 : i32
    %dma_start3A_819 = arith.constant 0 : i32
    %dma_start3A_820 = tpu.memref_slice %arg5[%add3A_818, %dma_start3A_819] : memref<4096x256xf32, #tpu.memory_space<hbm>> -> memref<128x256xf32, #tpu.memory_space<hbm>>
    %dma_start3A_821 = arith.constant 0 : i32
    %dma_start3A_822 = tpu.memref_slice %arg5[%add3A_818, %dma_start3A_821] : memref<4096x256xf32, #tpu.memory_space<hbm>> -> memref<128x256xf32, #tpu.memory_space<hbm>>
    tpu.enqueue_dma source(%arg6 : memref<128x256xf32, #tpu.memory_space<vmem>>) target(%dma_start3A_822 : memref<128x256xf32, #tpu.memory_space<hbm>>) target_semaphore(%arg12 : memref<!tpu.dma_semaphore, #tpu.memory_space<semaphore_mem>>)
    %add3A_823 = arith.constant 0 : i32
    %add3A_824 = arith.addi %mul3A_6, %add3A_823 : i32
    %dma_wait3A_825 = arith.constant 0 : i32
    %dma_wait3A_826 = tpu.memref_slice %arg5[%add3A_824, %dma_wait3A_825] : memref<4096x256xf32, #tpu.memory_space<hbm>> -> memref<128x256xf32, #tpu.memory_space<hbm>>
    %dma_wait3A_827 = arith.constant 0 : i32
    %dma_wait3A_828 = tpu.memref_slice %arg5[%add3A_824, %dma_wait3A_827] : memref<4096x256xf32, #tpu.memory_space<hbm>> -> memref<128x256xf32, #tpu.memory_space<hbm>>
    tpu.wait_dma2 semaphore(%arg12 : memref<!tpu.dma_semaphore, #tpu.memory_space<semaphore_mem>>) src(%arg6 : memref<128x256xf32, #tpu.memory_space<vmem>>) dst(%dma_wait3A_828 : memref<128x256xf32, #tpu.memory_space<hbm>>)
    return
  }
}

module attributes {stable_mosaic.version = 14 : i64} {
  func.func @_mask_kernel(%arg0: i32, %arg1: memref<4096x1xi32, #tpu.memory_space<vmem>>, %arg2: memref<4096x256xf32, #tpu.memory_space<vmem>>, %arg3: memref<4096x256xf32, #tpu.memory_space<vmem>>) attributes {dimension_semantics = [#tpu.dimension_semantics<parallel>], iteration_bounds = array<i64: 3>, scalar_prefetch = 0 : i64, scratch_operands = 0 : i64, tpu.core_type = #tpu.core_type<tc>, window_params = [{transform_indices = @transform_0, window_bounds = array<i64: 4096, 1>}, {transform_indices = @transform_1, window_bounds = array<i64: 4096, 256>}, {transform_indices = @transform_2, window_bounds = array<i64: 4096, 256>}]} {
    %get3A = arith.constant 0 : index
    %get3A_0 = arith.constant 0 : index
    %get3A_1 = vector.load %arg2[%get3A, %get3A_0] : memref<4096x256xf32, #tpu.memory_space<vmem>>, vector<4096x256xf32>
    %get3A_2 = arith.constant 0 : index
    %get3A_3 = arith.constant 0 : index
    %get3A_4 = vector.load %arg1[%get3A_2, %get3A_3] : memref<4096x1xi32, #tpu.memory_space<vmem>>, vector<4096x1xi32>
    %iota3A = tpu.iota {dimensions = array<i32: 1>} : vector<4096x256xi32>
    %jit3A = arith.constant 32 : i32
    %div3A = vector.broadcast %jit3A : i32 to vector<4096x256xi32>
    %div3A_5 = arith.divsi %iota3A, %div3A : vector<4096x256xi32>
    %sign3A = arith.constant 0 : i32
    %sign3A_6 = vector.broadcast %sign3A : i32 to vector<4096x256xi32>
    %sign3A_7 = arith.cmpi sgt, %iota3A, %sign3A_6 : vector<4096x256xi32>
    %sign3A_8 = arith.extui %sign3A_7 : vector<4096x256xi1> to vector<4096x256xi32>
    %sign3A_9 = arith.constant 0 : i32
    %sign3A_10 = vector.broadcast %sign3A_9 : i32 to vector<4096x256xi32>
    %sign3A_11 = arith.cmpi slt, %iota3A, %sign3A_10 : vector<4096x256xi32>
    %sign3A_12 = arith.extui %sign3A_11 : vector<4096x256xi1> to vector<4096x256xi32>
    %sign3A_13 = arith.subi %sign3A_8, %sign3A_12 : vector<4096x256xi32>
    %sign3A_14 = arith.constant 0 : i32
    %sign3A_15 = arith.cmpi sgt, %jit3A, %sign3A_14 : i32
    %sign3A_16 = arith.extui %sign3A_15 : i1 to i32
    %sign3A_17 = arith.constant 0 : i32
    %sign3A_18 = arith.cmpi slt, %jit3A, %sign3A_17 : i32
    %sign3A_19 = arith.extui %sign3A_18 : i1 to i32
    %sign3A_20 = arith.subi %sign3A_16, %sign3A_19 : i32
    %ne3A = vector.broadcast %sign3A_20 : i32 to vector<4096x256xi32>
    %ne3A_21 = arith.cmpi ne, %sign3A_13, %ne3A : vector<4096x256xi32>
    %rem3A = vector.broadcast %jit3A : i32 to vector<4096x256xi32>
    %rem3A_22 = arith.remsi %iota3A, %rem3A : vector<4096x256xi32>
    %ne3A_23 = arith.constant 0 : i32
    %ne3A_24 = vector.broadcast %ne3A_23 : i32 to vector<4096x256xi32>
    %ne3A_25 = arith.cmpi ne, %rem3A_22, %ne3A_24 : vector<4096x256xi32>
    %and3A = arith.andi %ne3A_21, %ne3A_25 : vector<4096x256xi1>
    %sub3A = arith.constant 1 : i32
    %sub3A_26 = vector.broadcast %sub3A : i32 to vector<4096x256xi32>
    %sub3A_27 = arith.subi %div3A_5, %sub3A_26 : vector<4096x256xi32>
    %select_n3A = arith.select %and3A, %sub3A_27, %div3A_5 : vector<4096x256xi1>, vector<4096x256xi32>
    %shift_right_arithmetic3A = vector.broadcast %get3A_4 : vector<4096x1xi32> to vector<4096x256xi32>
    %shift_right_arithmetic3A_28 = arith.shrsi %shift_right_arithmetic3A, %select_n3A : vector<4096x256xi32>
    %and3A_29 = arith.constant 1 : i32
    %and3A_30 = vector.broadcast %and3A_29 : i32 to vector<4096x256xi32>
    %and3A_31 = arith.andi %shift_right_arithmetic3A_28, %and3A_30 : vector<4096x256xi32>
    %ne3A_32 = arith.constant 0 : i32
    %ne3A_33 = vector.broadcast %ne3A_32 : i32 to vector<4096x256xi32>
    %ne3A_34 = arith.cmpi ne, %and3A_31, %ne3A_33 : vector<4096x256xi32>
    %jit3A_35 = arith.constant 0.000000e+00 : f32
    %broadcast_in_dim3A = vector.broadcast %jit3A_35 : f32 to vector<4096x256xf32>
    %select_n3A_36 = arith.select %ne3A_34, %broadcast_in_dim3A, %get3A_1 : vector<4096x256xi1>, vector<4096x256xf32>
    %swap3A = arith.constant 0 : index
    %swap3A_37 = arith.constant 0 : index
    %swap3A_38 = vector.load %arg3[%swap3A, %swap3A_37] : memref<4096x256xf32, #tpu.memory_space<vmem>>, vector<4096x256xf32>
    tpu.vector_store %arg3[%swap3A, %swap3A_37], %select_n3A_36 {strides = array<i32>} : memref<4096x256xf32, #tpu.memory_space<vmem>>, vector<4096x256xf32>,
    return
  }
  func.func @transform_0(%arg0: i32) -> (i32, i32) {
    %c0_i32 = arith.constant 0 : i32
    %c0_i32_0 = arith.constant 0 : i32
    return %arg0, %c0_i32 : i32, i32
  }
  func.func @transform_1(%arg0: i32) -> (i32, i32) {
    %c0_i32 = arith.constant 0 : i32
    %c0_i32_0 = arith.constant 0 : i32
    return %arg0, %c0_i32 : i32, i32
  }
  func.func @transform_2(%arg0: i32) -> (i32, i32) {
    %c0_i32 = arith.constant 0 : i32
    %c0_i32_0 = arith.constant 0 : i32
    return %arg0, %c0_i32 : i32, i32
  }
}

</mosaic_0001>

<sc_bundles>
// kernel: kernel.4.cloned.1.call-start
scs
__scs_entry_jumppad:
0x0: {  	(pc) =	sbr.rel $0x88, $3  }
0x1: {  	(tag) =	ssettag $0x0;
	lr =	simm.s32 $0x1  }
0x2: {  	[smem:$0x3FA0] =	sst lr;
	_ =	strace $0xD0000000  }
0x3: {  	_ = 	snop  }
0x4: {  	_ = 	snop  }
0x5: {  	_ = 	snop  }
0x6: {  	_ = 	snop  }
0x7: {  	_ = 	snop  }
__scs_overlays_trampoline_lowered:
0x8: {  	[smem:$0x3FAF] =	sst s0  }
0x9: {  	[smem:$0x3FB0] =	sst s1  }
0xa: {  	[smem:$0x3FB1] =	sst s2  }
0xb: {  	[smem:$0x3FB2] =	sst s3  }
0xc: {  	[smem:$0x3FB3] =	sst s4  }
0xd: {  	[smem:$0x3FB4] =	sst s5  }
0xe: {  	[smem:$0x3FB5] =	sst s6  }
0xf: {  	[smem:$0x3FB6] =	sst s7  }
0x10: {  	[smem:$0x3FB7] =	sst s8  }
0x11: {  	[smem:$0x3FB8] =	sst s9;
	s0 =	simm.s32 @!p0 $0x0  }
0x12: {  	s1 =	sld [smem:$0x3F9E];
	s0 =	simm.s32 @p0 $0x1  }
0x13: {  	[smem:$0x3FB9] =	sst s0;
	s0 =	simm.s32 @!p1 $0x0  }
0x14: {  	s2 =	sld [smem:$0x3F9D];
	s0 =	simm.s32 @p1 $0x1  }
0x15: {  	[smem:$0x3FBA] =	sst s0;
	s0 =	simm.s32 @!p2 $0x0  }
0x16: {  	s3 =	sld [smem:$0x3FDB];
	s0 =	simm.s32 @p2 $0x1  }
0x17: {  	s4 =	simm.s32 $0x1BF5;
	[smem:$0x3FBC] =	sst s0  }
0x18: {  	s0 =	sld [smem:$0x3F9F];
	_ =	swait.ge [sflag:s4], $0x0  }
0x19: {  	s7 =	sld [smem:$0x3FA0]  }
0x1a: {  	s8 =	sadd.s32 $0xFFFFE003, lr  }
0x1b: {  	s9 =	sadd.s32 $0xFFFFFEF7, lr;
	s5 =	simm.s32 $0xFFFFFFFF;
	p2 =	slt.u32 s8, $0xFFFFF086  }
0x1c: {  	p1 =	slt.u32 s9, $0xF7A;
	s5 =	simm.s32 @!p2 $0x0  }
0x1d: {  	s5 =	simm.s32 @p1 $0x1;
	p0 =	seq.s32 s7, s2  }
0x1e: {  	s7 =	smul.u32 @!p0 $0xF7A, s2;
	p2 =	seq.s32 @!p0 s5, $0x0  }
0x1f: {  	s9 =	smul.u32 $0xF7A, s1;
	s8 =	simm.s32 @!p0 $0x1BF5;
	p2 =	por !p2, p0  }
0x20: {  	[sflag:s8] =	ssyncset.s32 @!p0 $0xFFFFF086;
	s6 =	sadd.s32 @!p0 s3, s7;
	s7 =	simm.s32 @!p0 $0x108  }
0x21: {  	s3 =	sadd.s32 s3, s9;
	s6 =	sadd.s32 @!p0 $0x88, s6;
	s7 =	simm.s32 @p2 $0x1082  }
0x22: {  	[simem:s7], [sflag:s8] =	dma.local @!p0 [hbm:s6], $0xF7A  }
0x23: {  	s9 =	sor.u32 $0xD0000000, s2;
	s6 =	simm.s32 $0x108;
	_ =	swait.ge @!p0 [sflag:s8], $0x0  }
0x24: {  	s3 =	sadd.s32 $0x88, s3;
	s6 =	simm.s32 @!p1 $0x1082;
	[sflag:s4] =	ssyncset.s32 $0xFFFFF086  }
0x25: {  	[simem:s6], [sflag:s4] =	dma.local [hbm:s3], $0xF7A  }
0x26: {  	[smem:$0x3FA0] =	sst s1;
	(tag) =	ssettag s2;
	_ =	strace s9  }
0x27: {  	s1 =	sld [smem:$0x3FB0]  }
0x28: {  	s2 =	sld [smem:$0x3FB1]  }
0x29: {  	s4 =	sld [smem:$0x3FB3]  }
0x2a: {  	p0 =	seq.s32 s5, $0x0;
	s5 =	sld [smem:$0x3FB4]  }
0x2b: {  	s6 =	sld [smem:$0x3FB5]  }
0x2c: {  	s7 =	sld [smem:$0x3FB6]  }
0x2d: {  	s3 =	simm.s32 $0x108;
	s8 =	sld [smem:$0x3FB7]  }
0x2e: {  	s3 =	simm.s32 @!p0 $0x1082;
	s9 =	sld [smem:$0x3FB8]  }
0x2f: {  	lr =	sadd.s32 s0, s3;
	s0 =	sld [smem:$0x3FAF]  }
0x30: {  	s3 =	sld [smem:$0x3FB2]  }
0x31: {  	[smem:$0x3FBB] =	sst s10  }
0x32: {  	s10 =	sld [smem:$0x3FB9];
	_ =	sdelay $0x3  }
0x33: {  	p0 =	seq.s32 s10, $0x1;
	s10 =	sld [smem:$0x3FBB];
	_ =	sdelay $0x3  }
0x34: {  	[smem:$0x3FBB] =	sst s10  }
0x35: {  	s10 =	sld [smem:$0x3FBA];
	_ =	sdelay $0x3  }
0x36: {  	p1 =	seq.s32 s10, $0x1;
	s10 =	sld [smem:$0x3FBB];
	_ =	sdelay $0x3  }
0x37: {  	[smem:$0x3FBB] =	sst s10  }
0x38: {  	s10 =	sld [smem:$0x3FBC]  }
0x39: {  	_ = 	snop;
	(pc) =	sbr.ind lr, $3  }
0x3a: {  	_ = 	snop  }
0x3b: {  	_ = 	snop  }
0x3c: {  	p2 =	seq.s32 s10, $0x1;
	s10 =	sld [smem:$0x3FBB]  }
0x3d: {  	_ =	shalt  }
0x3e: {  	_ =	shalt  }
0x3f: {  	_ =	shalt  }
0x40: {  	_ =	shalt  }
0x41: {  	_ =	shalt  }
0x42: {  	_ =	shalt  }
0x43: {  	_ =	shalt  }
0x44: {  	_ =	shalt  }
0x45: {  	_ =	shalt  }
0x46: {  	_ =	shalt  }
0x47: {  	_ =	shalt  }
0x48: {  	_ =	shalt  }
0x49: {  	_ =	shalt  }
0x4a: {  	_ =	shalt  }
0x4b: {  	_ =	shalt  }
0x4c: {  	_ =	shalt  }
0x4d: {  	_ =	shalt  }
0x4e: {  	_ =	shalt  }
0x4f: {  	_ =	shalt  }
0x50: {  	_ =	shalt  }
0x51: {  	_ =	shalt  }
0x52: {  	_ =	shalt  }
0x53: {  	_ =	shalt  }
0x54: {  	_ =	shalt  }
0x55: {  	_ =	shalt  }
0x56: {  	_ =	shalt  }
0x57: {  	_ =	shalt  }
0x58: {  	_ =	shalt  }
0x59: {  	_ =	shalt  }
0x5a: {  	_ =	shalt  }
0x5b: {  	_ =	shalt  }
0x5c: {  	_ =	shalt  }
0x5d: {  	_ =	shalt  }
0x5e: {  	_ =	shalt  }
0x5f: {  	_ =	shalt  }
0x60: {  	_ =	shalt  }
0x61: {  	_ =	shalt  }
0x62: {  	_ =	shalt  }
0x63: {  	_ =	shalt  }
0x64: {  	_ =	shalt  }
0x65: {  	_ =	shalt  }
0x66: {  	_ =	shalt  }
0x67: {  	_ =	shalt  }
0x68: {  	_ =	shalt  }
0x69: {  	_ =	shalt  }
0x6a: {  	_ =	shalt  }
0x6b: {  	_ =	shalt  }
0x6c: {  	_ =	shalt  }
0x6d: {  	_ =	shalt  }
0x6e: {  	_ =	shalt  }
0x6f: {  	_ =	shalt  }
0x70: {  	_ =	shalt  }
0x71: {  	_ =	shalt  }
0x72: {  	_ =	shalt  }
0x73: {  	_ =	shalt  }
0x74: {  	_ =	shalt  }
0x75: {  	_ =	shalt  }
0x76: {  	_ =	shalt  }
0x77: {  	_ =	shalt  }
0x78: {  	_ =	shalt  }
0x79: {  	_ =	shalt  }
0x7a: {  	_ =	shalt  }
0x7b: {  	_ =	shalt  }
0x7c: {  	_ =	shalt  }
0x7d: {  	_ =	shalt  }
0x7e: {  	_ =	shalt  }
0x7f: {  	_ =	shalt  }
0x80: {  	_ =	shalt  }
0x81: {  	_ =	shalt  }
0x82: {  	_ =	shalt  }
0x83: {  	_ =	shalt  }
0x84: {  	_ =	shalt  }
0x85: {  	_ =	shalt  }
0x86: {  	_ =	shalt  }
0x87: {  	_ =	shalt  }
.Lfunc_end0:
.L_simem_size_0:
called_computation_lowered:
.L_overlay_start_0:
0x88: {  	s2 =	sld [smem:$0x3FD9]  }
0x89: {  	s3 =	sld [smem:$0x3FFE];
	_ =	sdelay $0x1  }
0x8a: {  	s1 =	srdreg.scid  }
0x8b: {  	s0 =	sand.u32 $0x1, s1  }
0x8c: {  	s17 =	sshll.u32 s0, $0xA;
	s2 =	sadd.s32 s3, s2  }
0x8d: {  	s2 =	sadd.s32 s2, s17  }
0x8e: {  	[smem:$0x3FC7] =	sst s2  }
0x8f: {  	_ = 	snop  }
0x90: {  	s2 =	sld [smem:$0x3FC9]  }
0x91: {  	s18 =	sld [smem:$0x3FD0];
	(tm) =	ssettm $0x1  }
0x92: {  	s4 =	sld [smem:$0x3FFB];
	_ =	sdelay $0x3  }
0x93: {  	_ =	strace s4  }
0x94: {  	s4 =	sld [smem:$0x3FFC];
	_ =	sdelay $0x3  }
0x95: {  	_ =	strace s4  }
0x96: {  	s4 =	sld [smem:$0x3FFD];
	_ =	sdelay $0x3  }
0x97: {  	_ =	strace s4  }
0x98: {  	_ =	strace $0x8FFFFFFF  }
0x99: {  	s19 =	sld [smem:$0x3FDB];
	_ =	sdelay $0x1  }
0x9a: {  	s5 =	simm.s32 $_scs_section_size  }
0x9b: {  	s6 =	simm.s32 $_size__tile_overlayer_lowered;
	s7 =	simm.s32 $_tile_overlayer_lowered  }
0x9c: {  	s22 =	simm.s32 $0x1BFF;
	s21 =	sshll.u32 s7, $0x1;
	s4 =	sadd.s32 s5, s19  }
0x9d: {  	s8 =	simm.s32 $0x0;
	s20 =	sshll.u32 s6, $0x1;
	s6 =	sadd.s32 s21, s4  }
0x9e: {  	[timem:s8], [sflag:s22] =	dma.local [hbm:s6], s20  }
0x9f: {  	_ =	swait.ge [sflag:s22], s20  }
0xa0: {  	s5 =	ssub.s32 $0x0, s20;
	[sflag:s22] =	ssyncset.done $0x0  }
0xa1: {  	[sflag:s22] =	ssyncadd.s32 s5;
	_ =	sdelay $0x1  }
0xa2: {  	s23 =	simm.s32 $0x1B8B  }
0xa3: {  	_ =	swait.ge [sflag:s23], $0x1  }
0xa4: {  	[sflag:s23] =	ssyncset.done $0x0  }
0xa5: {  	s25 =	simm.s32 $0x1B8E;
	s24 =	sld [smem:$0x3FFE];
	[sflag:s23] =	ssyncadd.s32 $0xFFFFFFFF  }
0xa6: {  	s26 =	simm.s32 $execute0_lowered;
	[smem:$0x3FD2] =	sst s25  }
0xa7: {  	s6 =	sshll.u32 s26, $0x1;
	_ =	strace $0x80000046;
	[dreg:$0x1] =	wrdreg $0xFFFFFFFF  }
0xa8: {  	s28 =	simm.s32 $_size_execute0_lowered;
	s4 =	sadd.s32 s4, s6;
	[dreg:$0x0] =	wrdreg $0x0  }
0xa9: {  	s6 =	sshll.u32 s28, $0x1;
	[dreg:$0x2] =	wrdreg s4  }
0xaa: {  	[dreg:$0x3] =	wrdreg s6  }
0xab: {  	[dreg:$0x4] =	wrdreg $0xC0  }
0xac: {  	_ =	task [dreg:s8], $0x5FFFF  }
0xad: {  	[dreg:$0x1] =	wrdreg $0xFFFFFFFF  }
0xae: {  	[dreg:$0x0] =	wrdreg $0x60  }
0xaf: {  	[dreg:$0x2] =	wrdreg s2  }
0xb0: {  	[dreg:$0x3] =	wrdreg s18  }
0xb1: {  	[dreg:$0x4] =	wrdreg s24  }
0xb2: {  	[dreg:$0x5] =	wrdreg $0x9  }
0xb3: {  	_ =	task.clear_ibuf [dreg:s8], $0x6FFFF;
	_ =	strace $0x90000046  }
0xb4: {  	s29 =	simm.s32 $0x9;
	_ =	strace $0x80000048  }
0xb5: {  	_ =	swait.ge [sflag:s29], $0x1  }
0xb6: {  	[sflag:s29] =	ssyncadd.s32 $0xFFFFFFFF  }
0xb7: {  	_ =	strace $0x90000048  }
0xb8: {  	_ =	sfence  }
0xb9: {  	s30 =	sld [smem:$0x0];
	_ =	sdelay $0x2  }
0xba: {  	s31 =	sshll.u32 s1, $0xD;
	s1 =	sshrl.u32 s1, $0x2  }
0xbb: {  	s3 =	sand.u32 $0x4000, s31;
	s1 =	sadd.s32 s1, s30  }
0xbc: {  	s0 =	sor.u32 s3, s0;
	s1 =	sshll.u32 s1, $0x11  }
0xbd: {  	s0 =	sor.u32 s1, s0  }
0xbe: {  	s0 =	sadd.s32 $0x8F2B, s0  }
0xbf: {  	[sflag:s0] =	ssyncadd.remote.s32 $0x1  }
0xc0: {  	_ =	sfence.sel $0xFFFF  }
0xc1: {  	[dreg:$0x0] =	wrdreg $0xFFFFFFFF;
	(pc) =	sbr.abs _section_cstart, $3  }
0xc2: {  	[dreg:$0x1] =	wrdreg $0xFFFFFFFF  }
0xc3: {  	_ =	task.clear_ibuf [dreg:s8], $0x2FFFF;
	_ =	strace $0x9FFFFFFF  }
0xc4: {  	(tm) =	ssettm $0x7FFFFFFF  }
0xc5: {  	_ =	shalt  }
tec
execute0_lowered:
.L_overlay_start_1:
0x0: {  	(tag) =	ssettag $0x1  }
0x1: {  	s4 =	rddreg [dreg:$0x0]  }
0x2: {  	s3 =	rddreg [dreg:$0x1]  }
0x3: {  	s5 =	rddreg [dreg:$0x2]  }
0x4: {  	s0 =	rddreg [dreg:$0x3]  }
0x5: {  	s6 =	srdreg.scid;
	s1 =	stileid.u32  }
0x6: {  	s2 =	simm.s32 $0x0;
	s6 =	sand.u32 $0x1, s6;
	s7 =	sshll.u32 s1, $0x1  }
0x7: {  	s12 =	simm.s32 $0x2;
	[smem:$0x7FF] =	sst s2;
	s7 =	sor.u32 s6, s7  }
0x8: {  	_ =	strace $0x80000047;
	s6 =	ssub.s32 $0x2, s6;
	s8 =	sshll.u32 s7, $0x4  }
0x9: {  	s7 =	sshll.u32 s7, $0xC;
	s30 =	sshrl.u32 s6, $0x1;
	s9 =	sadd.s32 s8, s5  }
0xa: {  	s10 =	sadd.s32 s7, s5;
	s11 =	ssub.s32 s6, s30;
	s3 =	sadd.s32 s3, s8  }
0xb: {  	s31 =	sadd.s32 s7, s4;
	s8 =	simm.s32 $0x8000;
	s4 =	sadd.s32 $0x600, s9  }
0xc: {  	s5 =	sadd.s32 $0x60000, s31;
	s6 =	sadd.s32 $0x800, s10;
	s7 =	smax.u32 s11, $0x1  }
0xd: {  	v0 =	vimm.f32 $0.0e+00;
	s9 =	simm.s32 $0x3;
	s10 =	simm.s32 $0x8080;
	s11 =	simm.s32 $0x1  }
.LBB2_1:
0xe: {  	[tilespmem:s8], [sflag:$0x3] =	stream.linear.gather [hbm4b:s3+s2], $0x80, $0x38;
	[tilespmem:$0x8100] =	vst v63  }
0xf: {  	_ =	swait.ge [sflag:s9], $0x80  }
0x10: {  	[sflag:s9] =	ssyncset.done $0x0  }
0x11: {  	[sflag:s9] =	ssyncadd.s32 $0xFFFFFF80  }
0x12: {  	[tilespmem:s10], [sflag:$0x3] =	stream.linear.gather [hbm4b:s4+s2], $0x80, $0x38;
	[tilespmem:$0x8100] =	vst v63  }
0x13: {  	_ =	swait.ge [sflag:s9], $0x80  }
0x14: {  	[sflag:s9] =	ssyncset.done $0x0  }
0x15: {  	[sflag:s9] =	ssyncadd.s32 $0xFFFFFF80  }
0x16: {  	[tilespmem:s2], [sflag:$0x1] =	stream.linear.gather [hbm4b:s5+s2], $0x8000, $0x38;
	[tilespmem:$0x8100] =	vst v63  }
0x17: {  	_ =	swait.ge [sflag:s11], $0x8000  }
0x18: {  	[sflag:s11] =	ssyncset.done $0x0  }
0x19: {  	[sflag:s11] =	ssyncadd.s32 $0xFFFF8000  }
0x1a: {  	v2 =	vld [tilespmem:$0x8000]  }
0x1b: {  	v3 =	vld [tilespmem:$0x8080];
	_ =	sdelay $0x4  }
0x1c: {  	v4 =	vand.u32 $0x7F, v3;
	v1 =	vshll.u32 v2, $0x8  }
0x1d: {  	v5 =	vshll.u32 v3, $0x3;
	v6 =	vadd.s32 $0x1, v3;
	v2 =	vshll.u32 v2, $0x7  }
0x1e: {  	v8 =	vadd.s32 $0x2, v3;
	v12 =	vadd.s32 $0x3, v3;
	v9 =	vadd.s32 $0x4, v3  }
0x1f: {  	v11 =	vadd.s32 $0x5, v3;
	v17 =	vadd.s32 $0x6, v3;
	v22 =	vadd.s32 $0x9, v3  }
0x20: {  	v27 =	vadd.s32 $0xC, v3;
	v32 =	vadd.s32 $0xF, v3;
	v37 =	vadd.s32 $0x12, v3  }
0x21: {  	v42 =	vadd.s32 $0x15, v3;
	v45 =	vadd.s32 $0x16, v3;
	v51 =	vadd.s32 $0x17, v3  }
0x22: {  	v55 =	vadd.s32 $0x18, v3;
	v57 =	vadd.s32 $0x19, v3;
	v59 =	vadd.s32 $0x1A, v3  }
0x23: {  	v1 =	vand.u32 $0xFFFFF800, v1;
	v5 =	vand.u32 $0xFFFFFC00, v5;
	v7 =	vshll.u32 v6, $0x3  }
0x24: {  	v2 =	vand.u32 $0x380, v2;
	v6 =	vand.u32 $0x7F, v6;
	v60 =	vshll.u32 v8, $0x3  }
0x25: {  	v63 =	vand.u32 $0x7F, v8;
	v13 =	vshll.u32 v12, $0x3;
	v10 =	vshll.u32 v9, $0x3  }
0x26: {  	v8 =	vand.u32 $0x7F, v12;
	v9 =	vand.u32 $0x7F, v9;
	v15 =	vshll.u32 v11, $0x3  }
0x27: {  	v16 =	vand.u32 $0x7F, v11;
	v18 =	vshll.u32 v17, $0x3;
	v12 =	vadd.s32 $0x7, v3  }
0x28: {  	v11 =	vand.u32 $0x7F, v17;
	v23 =	vshll.u32 v22, $0x3;
	v17 =	vadd.s32 $0xB, v3  }
0x29: {  	v28 =	vshll.u32 v27, $0x3;
	v33 =	vshll.u32 v32, $0x3;
	v38 =	vshll.u32 v37, $0x3  }
0x2a: {  	v44 =	vshll.u32 v42, $0x3;
	v48 =	vshll.u32 v45, $0x3;
	v49 =	vand.u32 $0x7F, v42  }
0x2b: {  	v50 =	vand.u32 $0x7F, v45;
	v53 =	vshll.u32 v51, $0x3;
	v54 =	vand.u32 $0x7F, v51  }
0x2c: {  	v56 =	vshll.u32 v55, $0x3;
	v58 =	vshll.u32 v57, $0x3;
	v5 =	vadd.s32 v1, v5  }
0x2d: {  	v7 =	vand.u32 $0xFFFFFC00, v7;
	v62 =	vand.u32 $0xFFFFFC00, v60;
	v10 =	vand.u32 $0xFFFFFC00, v10  }
0x2e: {  	v25 =	vshll.u32 v17, $0x3;
	v26 =	vand.u32 $0x7F, v17;
	v17 =	vand.u32 $0x7F, v27  }
0x2f: {  	v47 =	vand.u32 $0xFFFFFC00, v44;
	v7 =	vadd.s32 v1, v7;
	v4 =	vor.u32 v4, v5  }
0x30: {  	v10 =	vadd.s32 v1, v10;
	v6 =	vor.u32 v6, v7;
	v5 =	vor.u32 v2, v4  }
0x31: {  	v7 =	vand.u32 $0xFFFFFC00, v13;
	v14 =	vor.u32 v9, v10;
	v9 =	vand.u32 $0xFFFFFC00, v15  }
0x32: {  	v10 =	vand.u32 $0xFFFFFC00, v18;
	v13 =	vshll.u32 v12, $0x3;
	v12 =	vand.u32 $0x7F, v12  }
0x33: {  	v15 =	vadd.s32 $0xA, v3;
	v18 =	vadd.s32 $0xD, v3;
	v61 =	vor.u32 v2, v6  }
0x34: {  	v6 =	vadd.s32 v1, v62;
	v7 =	vadd.s32 v1, v7;
	v9 =	vadd.s32 v1, v9  }
0x35: {  	v10 =	vadd.s32 v1, v10;
	v13 =	vand.u32 $0xFFFFFC00, v13;
	v62 =	vand.u32 $0x7F, v59  }
0x36: {  	v6 =	vor.u32 v63, v6;
	v7 =	vor.u32 v8, v7;
	v8 =	vor.u32 v2, v14  }
0x37: {  	v9 =	vor.u32 v16, v9;
	v13 =	vadd.s32 v1, v13;
	v14 =	vadd.s32 $0x8, v3  }
0x38: {  	v10 =	vor.u32 v11, v10;
	v16 =	vshll.u32 v15, $0x3;
	v15 =	vand.u32 $0x7F, v15  }
0x39: {  	v63 =	vadd.s32 $0x1B, v3;
	v6 =	vor.u32 v2, v6;
	v7 =	vor.u32 v2, v7  }
0x3a: {  	v9 =	vor.u32 v2, v9;
	v19 =	vor.u32 v12, v13;
	v20 =	vshll.u32 v14, $0x3  }
0x3b: {  	v10 =	vor.u32 v2, v10;
	v21 =	vand.u32 $0x7F, v14;
	v13 =	vand.u32 $0xFFFFFC00, v23  }
0x3c: {  	v14 =	vand.u32 $0x7F, v22;
	v16 =	vand.u32 $0xFFFFFC00, v16;
	v23 =	vadd.s32 $0x11, v3  }
0x3d: {  	v11 =	vor.u32 v2, v19;
	v12 =	vand.u32 $0xFFFFFC00, v20;
	v13 =	vadd.s32 v1, v13  }
0x3e: {  	v16 =	vadd.s32 v1, v16;
	v19 =	vshll.u32 v18, $0x3;
	v18 =	vand.u32 $0x7F, v18  }
0x3f: {  	v20 =	vadd.s32 $0xE, v3;
	v35 =	vshll.u32 v23, $0x3;
	v36 =	vand.u32 $0x7F, v23  }
0x40: {  	v12 =	vadd.s32 v1, v12;
	v13 =	vor.u32 v14, v13;
	v24 =	vor.u32 v15, v16  }
0x41: {  	v15 =	vand.u32 $0xFFFFFC00, v25;
	v16 =	vand.u32 $0xFFFFFC00, v28;
	v19 =	vand.u32 $0xFFFFFC00, v19  }
0x42: {  	v30 =	vshll.u32 v20, $0x3;
	v31 =	vand.u32 $0x7F, v20;
	v20 =	vand.u32 $0x7F, v32;
	[tilespmem:v5+s2+$0x0] =	vst.idx.msk $0xffff, v0  }
0x43: {  	v5 =	vadd.s32 v1, v47;
	v12 =	vor.u32 v21, v12;
	v13 =	vor.u32 v2, v13  }
0x44: {  	v14 =	vor.u32 v2, v24;
	v15 =	vadd.s32 v1, v15;
	v16 =	vadd.s32 v1, v16  }
0x45: {  	v19 =	vadd.s32 v1, v19;
	v21 =	vadd.s32 $0x10, v3;
	v24 =	vadd.s32 $0x13, v3  }
0x46: {  	v5 =	vor.u32 v49, v5;
	v12 =	vor.u32 v2, v12;
	v15 =	vor.u32 v26, v15  }
0x47: {  	v16 =	vor.u32 v17, v16;
	v29 =	vor.u32 v18, v19;
	v18 =	vand.u32 $0xFFFFFC00, v30  }
0x48: {  	v19 =	vand.u32 $0xFFFFFC00, v33;
	v22 =	vshll.u32 v21, $0x3;
	v21 =	vand.u32 $0x7F, v21  }
0x49: {  	[tilespmem:v61+s2+$0x0] =	vst.idx.msk $0xffff, v0;
	v25 =	vshll.u32 v24, $0x3;
	v24 =	vand.u32 $0x7F, v24;
	v26 =	vadd.s32 $0x14, v3  }
0x4a: {  	v5 =	vor.u32 v2, v5;
	v15 =	vor.u32 v2, v15;
	v16 =	vor.u32 v2, v16  }
0x4b: {  	v17 =	vor.u32 v2, v29;
	v18 =	vadd.s32 v1, v18;
	v19 =	vadd.s32 v1, v19  }
0x4c: {  	v22 =	vand.u32 $0xFFFFFC00, v22;
	v25 =	vand.u32 $0xFFFFFC00, v25;
	v40 =	vshll.u32 v26, $0x3;
	[tilespmem:v6+s2+$0x0] =	vst.idx.msk $0xffff, v0  }
0x4d: {  	v18 =	vor.u32 v31, v18;
	v22 =	vadd.s32 v1, v22;
	v19 =	vor.u32 v20, v19  }
0x4e: {  	v25 =	vadd.s32 v1, v25;
	[tilespmem:v7+s2+$0x0] =	vst.idx.msk $0xffff, v0;
	v7 =	vand.u32 $0xFFFFFC00, v53;
	v18 =	vor.u32 v2, v18  }
0x4f: {  	v34 =	vor.u32 v21, v22;
	v19 =	vor.u32 v2, v19;
	v21 =	vand.u32 $0xFFFFFC00, v35  }
0x50: {  	v22 =	vand.u32 $0xFFFFFC00, v38;
	v39 =	vor.u32 v24, v25;
	v24 =	vand.u32 $0xFFFFFC00, v40  }
0x51: {  	[tilespmem:v8+s2+$0x0] =	vst.idx.msk $0xffff, v0;
	v7 =	vadd.s32 v1, v7;
	v8 =	vand.u32 $0xFFFFFC00, v56;
	v20 =	vor.u32 v2, v34  }
0x52: {  	v21 =	vadd.s32 v1, v21;
	v22 =	vadd.s32 v1, v22;
	v24 =	vadd.s32 v1, v24  }
0x53: {  	v23 =	vand.u32 $0x7F, v37;
	[tilespmem:v9+s2+$0x0] =	vst.idx.msk $0xffff, v0;
	v7 =	vor.u32 v54, v7;
	v8 =	vadd.s32 v1, v8  }
0x54: {  	v41 =	vand.u32 $0x7F, v26;
	v21 =	vor.u32 v36, v21;
	v22 =	vor.u32 v23, v22;
	[tilespmem:v10+s2+$0x0] =	vst.idx.msk $0xffff, v0  }
0x55: {  	v9 =	vand.u32 $0x7F, v55;
	v23 =	vor.u32 v2, v39;
	v43 =	vor.u32 v41, v24;
	[tilespmem:v11+s2+$0x0] =	vst.idx.msk $0xffff, v0  }
0x56: {  	v61 =	vshll.u32 v59, $0x3;
	v7 =	vor.u32 v2, v7;
	v8 =	vor.u32 v9, v8;
	[tilespmem:v12+s2+$0x0] =	vst.idx.msk $0xffff, v0  }
0x57: {  	v24 =	vand.u32 $0xFFFFFC00, v48;
	v21 =	vor.u32 v2, v21;
	v22 =	vor.u32 v2, v22;
	[tilespmem:v13+s2+$0x0] =	vst.idx.msk $0xffff, v0  }
0x58: {  	v46 =	vor.u32 v2, v43;
	v24 =	vadd.s32 v1, v24;
	v11 =	vand.u32 $0xFFFFFC00, v58;
	[tilespmem:v14+s2+$0x0] =	vst.idx.msk $0xffff, v0  }
0x59: {  	v10 =	vand.u32 $0x7F, v57;
	v8 =	vor.u32 v2, v8;
	v11 =	vadd.s32 v1, v11;
	[tilespmem:v15+s2+$0x0] =	vst.idx.msk $0xffff, v0  }
0x5a: {  	v52 =	vor.u32 v50, v24;
	v12 =	vand.u32 $0x7F, v63;
	v60 =	vor.u32 v10, v11;
	[tilespmem:v16+s2+$0x0] =	vst.idx.msk $0xffff, v0  }
0x5b: {  	v6 =	vor.u32 v2, v52;
	v10 =	vand.u32 $0xFFFFFC00, v61;
	v9 =	vor.u32 v2, v60;
	[tilespmem:v17+s2+$0x0] =	vst.idx.msk $0xffff, v0  }
0x5c: {  	v10 =	vadd.s32 v1, v10;
	v16 =	vshll.u32 v63, $0x3;
	v17 =	vadd.s32 $0x1C, v3;
	[tilespmem:v18+s2+$0x0] =	vst.idx.msk $0xffff, v0  }
0x5d: {  	v10 =	vor.u32 v62, v10;
	v11 =	vand.u32 $0xFFFFFC00, v16;
	v18 =	vshll.u32 v17, $0x3;
	[tilespmem:v19+s2+$0x0] =	vst.idx.msk $0xffff, v0  }
0x5e: {  	v10 =	vor.u32 v2, v10;
	v11 =	vadd.s32 v1, v11;
	v14 =	vand.u32 $0xFFFFFC00, v18;
	[tilespmem:v20+s2+$0x0] =	vst.idx.msk $0xffff, v0  }
0x5f: {  	v13 =	vand.u32 $0x7F, v17;
	v19 =	vadd.s32 $0x1D, v3;
	v14 =	vadd.s32 v1, v14;
	[tilespmem:v21+s2+$0x0] =	vst.idx.msk $0xffff, v0  }
0x60: {  	v11 =	vor.u32 v12, v11;
	v20 =	vor.u32 v13, v14;
	v21 =	vshll.u32 v19, $0x3;
	[tilespmem:v22+s2+$0x0] =	vst.idx.msk $0xffff, v0  }
0x61: {  	v11 =	vor.u32 v2, v11;
	v12 =	vor.u32 v2, v20;
	v13 =	vand.u32 $0xFFFFFC00, v21;
	[tilespmem:v23+s2+$0x0] =	vst.idx.msk $0xffff, v0  }
0x62: {  	v22 =	vand.u32 $0x7F, v19;
	v13 =	vadd.s32 v1, v13;
	v23 =	vadd.s32 $0x1E, v3;
	[tilespmem:v46+s2+$0x0] =	vst.idx.msk $0xffff, v0  }
0x63: {  	v3 =	vadd.s32 $0x1F, v3;
	v4 =	vor.u32 v22, v13;
	v24 =	vshll.u32 v23, $0x3;
	[tilespmem:v5+s2+$0x0] =	vst.idx.msk $0xffff, v0  }
0x64: {  	v25 =	vshll.u32 v3, $0x3;
	v26 =	vand.u32 $0x7F, v23;
	v5 =	vand.u32 $0xFFFFFC00, v24;
	[tilespmem:v6+s2+$0x0] =	vst.idx.msk $0xffff, v0  }
0x65: {  	v4 =	vor.u32 v2, v4;
	v5 =	vadd.s32 v1, v5;
	v6 =	vand.u32 $0xFFFFFC00, v25;
	[tilespmem:v7+s2+$0x0] =	vst.idx.msk $0xffff, v0  }
0x66: {  	v3 =	vand.u32 $0x7F, v3;
	v5 =	vor.u32 v26, v5;
	v1 =	vadd.s32 v1, v6;
	[tilespmem:v8+s2+$0x0] =	vst.idx.msk $0xffff, v0  }
0x67: {  	v5 =	vor.u32 v2, v5;
	v1 =	vor.u32 v3, v1;
	[tilespmem:v9+s2+$0x0] =	vst.idx.msk $0xffff, v0  }
0x68: {  	v1 =	vor.u32 v2, v1;
	[tilespmem:v10+s2+$0x0] =	vst.idx.msk $0xffff, v0  }
0x69: {  	[tilespmem:v11+s2+$0x0] =	vst.idx.msk $0xffff, v0  }
0x6a: {  	[tilespmem:v12+s2+$0x0] =	vst.idx.msk $0xffff, v0  }
0x6b: {  	[tilespmem:v4+s2+$0x0] =	vst.idx.msk $0xffff, v0  }
0x6c: {  	[tilespmem:v5+s2+$0x0] =	vst.idx.msk $0xffff, v0  }
0x6d: {  	[tilespmem:v1+s2+$0x0] =	vst.idx.msk $0xffff, v0  }
0x6e: {  	v2 =	vld [tilespmem:$0x8010]  }
0x6f: {  	v3 =	vld [tilespmem:$0x8090];
	_ =	sdelay $0x4  }
0x70: {  	v27 =	vand.u32 $0x7F, v3;
	v1 =	vshll.u32 v2, $0x8  }
0x71: {  	v28 =	vshll.u32 v3, $0x3;
	v29 =	vadd.s32 $0x1, v3;
	v2 =	vshll.u32 v2, $0x7  }
0x72: {  	v31 =	vadd.s32 $0x2, v3;
	v35 =	vadd.s32 $0x3, v3;
	v37 =	vadd.s32 $0x4, v3  }
0x73: {  	v39 =	vadd.s32 $0x5, v3;
	v43 =	vadd.s32 $0x6, v3;
	v45 =	vadd.s32 $0x7, v3  }
0x74: {  	v47 =	vadd.s32 $0x8, v3;
	v51 =	vadd.s32 $0x9, v3;
	v53 =	vadd.s32 $0xA, v3  }
0x75: {  	v55 =	vadd.s32 $0xB, v3;
	v59 =	vadd.s32 $0xC, v3;
	v61 =	vadd.s32 $0xD, v3  }
0x76: {  	v63 =	vadd.s32 $0xE, v3;
	v26 =	vadd.s32 $0xF, v3;
	v1 =	vand.u32 $0xFFFFF800, v1  }
0x77: {  	v5 =	vand.u32 $0xFFFFFC00, v28;
	v30 =	vshll.u32 v29, $0x3;
	v2 =	vand.u32 $0x380, v2  }
0x78: {  	v6 =	vand.u32 $0x7F, v29;
	v32 =	vshll.u32 v31, $0x3;
	v34 =	vand.u32 $0x7F, v31  }
0x79: {  	v36 =	vshll.u32 v35, $0x3;
	v38 =	vshll.u32 v37, $0x3;
	v8 =	vand.u32 $0x7F, v35  }
0x7a: {  	v9 =	vand.u32 $0x7F, v37;
	v41 =	vshll.u32 v39, $0x3;
	v42 =	vand.u32 $0x7F, v39  }
0x7b: {  	v44 =	vshll.u32 v43, $0x3;
	v46 =	vshll.u32 v45, $0x3;
	v11 =	vand.u32 $0x7F, v43  }
0x7c: {  	v12 =	vand.u32 $0x7F, v45;
	v49 =	vshll.u32 v47, $0x3;
	v50 =	vand.u32 $0x7F, v47  }
0x7d: {  	v52 =	vshll.u32 v51, $0x3;
	v54 =	vshll.u32 v53, $0x3;
	v14 =	vand.u32 $0x7F, v51  }
0x7e: {  	v15 =	vand.u32 $0x7F, v53;
	v57 =	vshll.u32 v55, $0x3;
	v58 =	vand.u32 $0x7F, v55  }
0x7f: {  	v60 =	vshll.u32 v59, $0x3;
	v62 =	vshll.u32 v61, $0x3;
	v17 =	vand.u32 $0x7F, v59  }
0x80: {  	v18 =	vand.u32 $0x7F, v61;
	v24 =	vshll.u32 v63, $0x3;
	v25 =	vand.u32 $0x7F, v63  }
0x81: {  	v28 =	vadd.s32 $0x10, v3;
	v20 =	vand.u32 $0x7F, v26;
	v45 =	vadd.s32 $0x16, v3  }
0x82: {  	v51 =	vadd.s32 $0x17, v3;
	v55 =	vadd.s32 $0x18, v3;
	v59 =	vadd.s32 $0x1A, v3  }
0x83: {  	v63 =	vadd.s32 $0x1B, v3;
	v5 =	vadd.s32 v1, v5;
	v7 =	vand.u32 $0xFFFFFC00, v30  }
0x84: {  	v33 =	vand.u32 $0xFFFFFC00, v32;
	v10 =	vand.u32 $0xFFFFFC00, v38;
	v13 =	vand.u32 $0xFFFFFC00, v46  }
0x85: {  	v16 =	vand.u32 $0xFFFFFC00, v54;
	v19 =	vand.u32 $0xFFFFFC00, v62;
	v29 =	vshll.u32 v28, $0x3  }
0x86: {  	v21 =	vand.u32 $0x7F, v28;
	v30 =	vadd.s32 $0x11, v3;
	v38 =	vadd.s32 $0x14, v3  }
0x87: {  	v53 =	vshll.u32 v51, $0x3;
	v54 =	vand.u32 $0x7F, v51;
	v61 =	vshll.u32 v59, $0x3  }
0x88: {  	v7 =	vadd.s32 v1, v7;
	v4 =	vor.u32 v27, v5;
	v10 =	vadd.s32 v1, v10  }
0x89: {  	v13 =	vadd.s32 v1, v13;
	v16 =	vadd.s32 v1, v16;
	v19 =	vadd.s32 v1, v19  }
0x8a: {  	v27 =	vshll.u32 v26, $0x3;
	v22 =	vand.u32 $0xFFFFFC00, v29;
	v32 =	vshll.u32 v30, $0x3  }
0x8b: {  	v6 =	vor.u32 v6, v7;
	v5 =	vor.u32 v2, v4;
	v7 =	vand.u32 $0xFFFFFC00, v36  }
0x8c: {  	v40 =	vor.u32 v9, v10;
	v9 =	vand.u32 $0xFFFFFC00, v41;
	v10 =	vand.u32 $0xFFFFFC00, v44  }
0x8d: {  	v48 =	vor.u32 v12, v13;
	v12 =	vand.u32 $0xFFFFFC00, v49;
	v13 =	vand.u32 $0xFFFFFC00, v52  }
0x8e: {  	v56 =	vor.u32 v15, v16;
	v15 =	vand.u32 $0xFFFFFC00, v57;
	v16 =	vand.u32 $0xFFFFFC00, v60  }
0x8f: {  	v23 =	vor.u32 v18, v19;
	v18 =	vand.u32 $0xFFFFFC00, v24;
	v19 =	vand.u32 $0xFFFFFC00, v27  }
0x90: {  	v22 =	vadd.s32 v1, v22;
	v36 =	vadd.s32 $0x13, v3;
	v41 =	vand.u32 $0x7F, v38  }
0x91: {  	v57 =	vadd.s32 $0x19, v3;
	v4 =	vor.u32 v2, v6;
	v6 =	vadd.s32 v1, v33  }
0x92: {  	v7 =	vadd.s32 v1, v7;
	v9 =	vadd.s32 v1, v9;
	v10 =	vadd.s32 v1, v10  }
0x93: {  	v12 =	vadd.s32 v1, v12;
	v13 =	vadd.s32 v1, v13;
	v15 =	vadd.s32 v1, v15  }
0x94: {  	v16 =	vadd.s32 v1, v16;
	v18 =	vadd.s32 v1, v18;
	v19 =	vadd.s32 v1, v19  }
0x95: {  	v31 =	vor.u32 v21, v22;
	v21 =	vand.u32 $0xFFFFFC00, v32;
	v33 =	vand.u32 $0x7F, v30  }
0x96: {  	v37 =	vshll.u32 v36, $0x3;
	v24 =	vand.u32 $0x7F, v36;
	v6 =	vor.u32 v34, v6  }
0x97: {  	v7 =	vor.u32 v8, v7;
	v8 =	vor.u32 v2, v40;
	v9 =	vor.u32 v42, v9  }
0x98: {  	v10 =	vor.u32 v11, v10;
	v11 =	vor.u32 v2, v48;
	v12 =	vor.u32 v50, v12  }
0x99: {  	v13 =	vor.u32 v14, v13;
	v14 =	vor.u32 v2, v56;
	v15 =	vor.u32 v58, v15  }
0x9a: {  	v16 =	vor.u32 v17, v16;
	v17 =	vor.u32 v2, v23;
	v18 =	vor.u32 v25, v18  }
0x9b: {  	v19 =	vor.u32 v20, v19;
	v20 =	vor.u32 v2, v31;
	v21 =	vadd.s32 v1, v21  }
0x9c: {  	v34 =	vadd.s32 $0x12, v3;
	v25 =	vand.u32 $0xFFFFFC00, v37;
	v40 =	vshll.u32 v38, $0x3  }
0x9d: {  	v42 =	vadd.s32 $0x15, v3;
	v48 =	vshll.u32 v45, $0x3;
	v6 =	vor.u32 v2, v6  }
0x9e: {  	v7 =	vor.u32 v2, v7;
	v9 =	vor.u32 v2, v9;
	v10 =	vor.u32 v2, v10  }
0x9f: {  	v12 =	vor.u32 v2, v12;
	v13 =	vor.u32 v2, v13;
	v15 =	vor.u32 v2, v15  }
0xa0: {  	v16 =	vor.u32 v2, v16;
	v18 =	vor.u32 v2, v18;
	v19 =	vor.u32 v2, v19  }
0xa1: {  	v21 =	vor.u32 v33, v21;
	v35 =	vshll.u32 v34, $0x3;
	v23 =	vand.u32 $0x7F, v34  }
0xa2: {  	v25 =	vadd.s32 v1, v25;
	v44 =	vshll.u32 v42, $0x3;
	v21 =	vor.u32 v2, v21;
	[tilespmem:v5+s2+$0x0] =	vst.idx.msk $0xffff, v0  }
0xa3: {  	v22 =	vand.u32 $0xFFFFFC00, v35;
	v39 =	vor.u32 v24, v25;
	v24 =	vand.u32 $0xFFFFFC00, v40;
	[tilespmem:v4+s2+$0x0] =	vst.idx.msk $0xffff, v0  }
0xa4: {  	v47 =	vand.u32 $0xFFFFFC00, v44;
	v22 =	vadd.s32 v1, v22;
	v24 =	vadd.s32 v1, v24;
	[tilespmem:v6+s2+$0x0] =	vst.idx.msk $0xffff, v0  }
0xa5: {  	v50 =	vand.u32 $0x7F, v45;
	v5 =	vadd.s32 v1, v47;
	v22 =	vor.u32 v23, v22;
	[tilespmem:v7+s2+$0x0] =	vst.idx.msk $0xffff, v0  }
0xa6: {  	v49 =	vand.u32 $0x7F, v42;
	v23 =	vor.u32 v2, v39;
	v43 =	vor.u32 v41, v24;
	[tilespmem:v8+s2+$0x0] =	vst.idx.msk $0xffff, v0  }
0xa7: {  	v24 =	vand.u32 $0xFFFFFC00, v48;
	v5 =	vor.u32 v49, v5;
	v22 =	vor.u32 v2, v22;
	[tilespmem:v9+s2+$0x0] =	vst.idx.msk $0xffff, v0  }
0xa8: {  	v56 =	vshll.u32 v55, $0x3;
	v46 =	vor.u32 v2, v43;
	v24 =	vadd.s32 v1, v24;
	[tilespmem:v10+s2+$0x0] =	vst.idx.msk $0xffff, v0  }
0xa9: {  	v5 =	vor.u32 v2, v5;
	v52 =	vor.u32 v50, v24;
	v7 =	vand.u32 $0xFFFFFC00, v53;
	[tilespmem:v11+s2+$0x0] =	vst.idx.msk $0xffff, v0  }
0xaa: {  	v58 =	vshll.u32 v57, $0x3;
	v6 =	vor.u32 v2, v52;
	v7 =	vadd.s32 v1, v7;
	[tilespmem:v12+s2+$0x0] =	vst.idx.msk $0xffff, v0  }
0xab: {  	v8 =	vand.u32 $0xFFFFFC00, v56;
	v7 =	vor.u32 v54, v7;
	v9 =	vand.u32 $0x7F, v55;
	[tilespmem:v13+s2+$0x0] =	vst.idx.msk $0xffff, v0  }
0xac: {  	v8 =	vadd.s32 v1, v8;
	v7 =	vor.u32 v2, v7;
	v11 =	vand.u32 $0xFFFFFC00, v58;
	[tilespmem:v14+s2+$0x0] =	vst.idx.msk $0xffff, v0  }
0xad: {  	v10 =	vand.u32 $0x7F, v57;
	v8 =	vor.u32 v9, v8;
	v11 =	vadd.s32 v1, v11;
	[tilespmem:v15+s2+$0x0] =	vst.idx.msk $0xffff, v0  }
0xae: {  	v62 =	vand.u32 $0x7F, v59;
	v8 =	vor.u32 v2, v8;
	v60 =	vor.u32 v10, v11;
	[tilespmem:v16+s2+$0x0] =	vst.idx.msk $0xffff, v0  }
0xaf: {  	v12 =	vand.u32 $0x7F, v63;
	v10 =	vand.u32 $0xFFFFFC00, v61;
	v9 =	vor.u32 v2, v60;
	[tilespmem:v17+s2+$0x0] =	vst.idx.msk $0xffff, v0  }
0xb0: {  	v10 =	vadd.s32 v1, v10;
	v16 =	vshll.u32 v63, $0x3;
	v17 =	vadd.s32 $0x1C, v3;
	[tilespmem:v18+s2+$0x0] =	vst.idx.msk $0xffff, v0  }
0xb1: {  	v10 =	vor.u32 v62, v10;
	v11 =	vand.u32 $0xFFFFFC00, v16;
	v18 =	vshll.u32 v17, $0x3;
	[tilespmem:v19+s2+$0x0] =	vst.idx.msk $0xffff, v0  }
0xb2: {  	v10 =	vor.u32 v2, v10;
	v11 =	vadd.s32 v1, v11;
	v14 =	vand.u32 $0xFFFFFC00, v18;
	[tilespmem:v20+s2+$0x0] =	vst.idx.msk $0xffff, v0  }
0xb3: {  	v13 =	vand.u32 $0x7F, v17;
	v19 =	vadd.s32 $0x1D, v3;
	v14 =	vadd.s32 v1, v14;
	[tilespmem:v21+s2+$0x0] =	vst.idx.msk $0xffff, v0  }
0xb4: {  	v11 =	vor.u32 v12, v11;
	v20 =	vor.u32 v13, v14;
	v21 =	vshll.u32 v19, $0x3;
	[tilespmem:v22+s2+$0x0] =	vst.idx.msk $0xffff, v0  }
0xb5: {  	v11 =	vor.u32 v2, v11;
	v12 =	vor.u32 v2, v20;
	v13 =	vand.u32 $0xFFFFFC00, v21;
	[tilespmem:v23+s2+$0x0] =	vst.idx.msk $0xffff, v0  }
0xb6: {  	v22 =	vand.u32 $0x7F, v19;
	v13 =	vadd.s32 v1, v13;
	v23 =	vadd.s32 $0x1E, v3;
	[tilespmem:v46+s2+$0x0] =	vst.idx.msk $0xffff, v0  }
0xb7: {  	v3 =	vadd.s32 $0x1F, v3;
	v4 =	vor.u32 v22, v13;
	v24 =	vshll.u32 v23, $0x3;
	[tilespmem:v5+s2+$0x0] =	vst.idx.msk $0xffff, v0  }
0xb8: {  	v25 =	vshll.u32 v3, $0x3;
	v26 =	vand.u32 $0x7F, v23;
	v5 =	vand.u32 $0xFFFFFC00, v24;
	[tilespmem:v6+s2+$0x0] =	vst.idx.msk $0xffff, v0  }
0xb9: {  	v4 =	vor.u32 v2, v4;
	v5 =	vadd.s32 v1, v5;
	v6 =	vand.u32 $0xFFFFFC00, v25;
	[tilespmem:v7+s2+$0x0] =	vst.idx.msk $0xffff, v0  }
0xba: {  	v3 =	vand.u32 $0x7F, v3;
	v5 =	vor.u32 v26, v5;
	v1 =	vadd.s32 v1, v6;
	[tilespmem:v8+s2+$0x0] =	vst.idx.msk $0xffff, v0  }
0xbb: {  	v5 =	vor.u32 v2, v5;
	v1 =	vor.u32 v3, v1;
	[tilespmem:v9+s2+$0x0] =	vst.idx.msk $0xffff, v0  }
0xbc: {  	v1 =	vor.u32 v2, v1;
	[tilespmem:v10+s2+$0x0] =	vst.idx.msk $0xffff, v0  }
0xbd: {  	[tilespmem:v11+s2+$0x0] =	vst.idx.msk $0xffff, v0  }
0xbe: {  	[tilespmem:v12+s2+$0x0] =	vst.idx.msk $0xffff, v0  }
0xbf: {  	[tilespmem:v4+s2+$0x0] =	vst.idx.msk $0xffff, v0  }
0xc0: {  	[tilespmem:v5+s2+$0x0] =	vst.idx.msk $0xffff, v0  }
0xc1: {  	[tilespmem:v1+s2+$0x0] =	vst.idx.msk $0xffff, v0  }
0xc2: {  	v2 =	vld [tilespmem:$0x8020]  }
0xc3: {  	v3 =	vld [tilespmem:$0x80A0];
	_ =	sdelay $0x4  }
0xc4: {  	v27 =	vand.u32 $0x7F, v3;
	v1 =	vshll.u32 v2, $0x8  }
0xc5: {  	v28 =	vshll.u32 v3, $0x3;
	v29 =	vadd.s32 $0x1, v3;
	v2 =	vshll.u32 v2, $0x7  }
0xc6: {  	v31 =	vadd.s32 $0x2, v3;
	v35 =	vadd.s32 $0x3, v3;
	v37 =	vadd.s32 $0x4, v3  }
0xc7: {  	v39 =	vadd.s32 $0x5, v3;
	v43 =	vadd.s32 $0x6, v3;
	v45 =	vadd.s32 $0x7, v3  }
0xc8: {  	v47 =	vadd.s32 $0x8, v3;
	v51 =	vadd.s32 $0x9, v3;
	v53 =	vadd.s32 $0xA, v3  }
0xc9: {  	v55 =	vadd.s32 $0xB, v3;
	v59 =	vadd.s32 $0xC, v3;
	v61 =	vadd.s32 $0xD, v3  }
0xca: {  	v63 =	vadd.s32 $0xE, v3;
	v26 =	vadd.s32 $0xF, v3;
	v1 =	vand.u32 $0xFFFFF800, v1  }
0xcb: {  	v5 =	vand.u32 $0xFFFFFC00, v28;
	v30 =	vshll.u32 v29, $0x3;
	v2 =	vand.u32 $0x380, v2  }
0xcc: {  	v6 =	vand.u32 $0x7F, v29;
	v32 =	vshll.u32 v31, $0x3;
	v34 =	vand.u32 $0x7F, v31  }
0xcd: {  	v36 =	vshll.u32 v35, $0x3;
	v38 =	vshll.u32 v37, $0x3;
	v8 =	vand.u32 $0x7F, v35  }
0xce: {  	v9 =	vand.u32 $0x7F, v37;
	v41 =	vshll.u32 v39, $0x3;
	v42 =	vand.u32 $0x7F, v39  }
0xcf: {  	v44 =	vshll.u32 v43, $0x3;
	v46 =	vshll.u32 v45, $0x3;
	v11 =	vand.u32 $0x7F, v43  }
0xd0: {  	v12 =	vand.u32 $0x7F, v45;
	v49 =	vshll.u32 v47, $0x3;
	v50 =	vand.u32 $0x7F, v47  }
0xd1: {  	v52 =	vshll.u32 v51, $0x3;
	v54 =	vshll.u32 v53, $0x3;
	v14 =	vand.u32 $0x7F, v51  }
0xd2: {  	v15 =	vand.u32 $0x7F, v53;
	v57 =	vshll.u32 v55, $0x3;
	v58 =	vand.u32 $0x7F, v55  }
0xd3: {  	v60 =	vshll.u32 v59, $0x3;
	v62 =	vshll.u32 v61, $0x3;
	v17 =	vand.u32 $0x7F, v59  }
0xd4: {  	v18 =	vand.u32 $0x7F, v61;
	v24 =	vshll.u32 v63, $0x3;
	v25 =	vand.u32 $0x7F, v63  }
0xd5: {  	v28 =	vadd.s32 $0x10, v3;
	v20 =	vand.u32 $0x7F, v26;
	v45 =	vadd.s32 $0x16, v3  }
0xd6: {  	v51 =	vadd.s32 $0x17, v3;
	v55 =	vadd.s32 $0x18, v3;
	v59 =	vadd.s32 $0x1A, v3  }
0xd7: {  	v63 =	vadd.s32 $0x1B, v3;
	v5 =	vadd.s32 v1, v5;
	v7 =	vand.u32 $0xFFFFFC00, v30  }
0xd8: {  	v33 =	vand.u32 $0xFFFFFC00, v32;
	v10 =	vand.u32 $0xFFFFFC00, v38;
	v13 =	vand.u32 $0xFFFFFC00, v46  }
0xd9: {  	v16 =	vand.u32 $0xFFFFFC00, v54;
	v19 =	vand.u32 $0xFFFFFC00, v62;
	v29 =	vshll.u32 v28, $0x3  }
0xda: {  	v21 =	vand.u32 $0x7F, v28;
	v30 =	vadd.s32 $0x11, v3;
	v38 =	vadd.s32 $0x14, v3  }
0xdb: {  	v53 =	vshll.u32 v51, $0x3;
	v54 =	vand.u32 $0x7F, v51;
	v61 =	vshll.u32 v59, $0x3  }
0xdc: {  	v7 =	vadd.s32 v1, v7;
	v4 =	vor.u32 v27, v5;
	v10 =	vadd.s32 v1, v10  }
0xdd: {  	v13 =	vadd.s32 v1, v13;
	v16 =	vadd.s32 v1, v16;
	v19 =	vadd.s32 v1, v19  }
0xde: {  	v27 =	vshll.u32 v26, $0x3;
	v22 =	vand.u32 $0xFFFFFC00, v29;
	v32 =	vshll.u32 v30, $0x3  }
0xdf: {  	v6 =	vor.u32 v6, v7;
	v5 =	vor.u32 v2, v4;
	v7 =	vand.u32 $0xFFFFFC00, v36  }
0xe0: {  	v40 =	vor.u32 v9, v10;
	v9 =	vand.u32 $0xFFFFFC00, v41;
	v10 =	vand.u32 $0xFFFFFC00, v44  }
0xe1: {  	v48 =	vor.u32 v12, v13;
	v12 =	vand.u32 $0xFFFFFC00, v49;
	v13 =	vand.u32 $0xFFFFFC00, v52  }
0xe2: {  	v56 =	vor.u32 v15, v16;
	v15 =	vand.u32 $0xFFFFFC00, v57;
	v16 =	vand.u32 $0xFFFFFC00, v60  }
0xe3: {  	v23 =	vor.u32 v18, v19;
	v18 =	vand.u32 $0xFFFFFC00, v24;
	v19 =	vand.u32 $0xFFFFFC00, v27  }
0xe4: {  	v22 =	vadd.s32 v1, v22;
	v36 =	vadd.s32 $0x13, v3;
	v41 =	vand.u32 $0x7F, v38  }
0xe5: {  	v57 =	vadd.s32 $0x19, v3;
	v4 =	vor.u32 v2, v6;
	v6 =	vadd.s32 v1, v33  }
0xe6: {  	v7 =	vadd.s32 v1, v7;
	v9 =	vadd.s32 v1, v9;
	v10 =	vadd.s32 v1, v10  }
0xe7: {  	v12 =	vadd.s32 v1, v12;
	v13 =	vadd.s32 v1, v13;
	v15 =	vadd.s32 v1, v15  }
0xe8: {  	v16 =	vadd.s32 v1, v16;
	v18 =	vadd.s32 v1, v18;
	v19 =	vadd.s32 v1, v19  }
0xe9: {  	v31 =	vor.u32 v21, v22;
	v21 =	vand.u32 $0xFFFFFC00, v32;
	v33 =	vand.u32 $0x7F, v30  }
0xea: {  	v37 =	vshll.u32 v36, $0x3;
	v24 =	vand.u32 $0x7F, v36;
	v6 =	vor.u32 v34, v6  }
0xeb: {  	v7 =	vor.u32 v8, v7;
	v8 =	vor.u32 v2, v40;
	v9 =	vor.u32 v42, v9  }
0xec: {  	v10 =	vor.u32 v11, v10;
	v11 =	vor.u32 v2, v48;
	v12 =	vor.u32 v50, v12  }
0xed: {  	v13 =	vor.u32 v14, v13;
	v14 =	vor.u32 v2, v56;
	v15 =	vor.u32 v58, v15  }
0xee: {  	v16 =	vor.u32 v17, v16;
	v17 =	vor.u32 v2, v23;
	v18 =	vor.u32 v25, v18  }
0xef: {  	v19 =	vor.u32 v20, v19;
	v20 =	vor.u32 v2, v31;
	v21 =	vadd.s32 v1, v21  }
0xf0: {  	v34 =	vadd.s32 $0x12, v3;
	v25 =	vand.u32 $0xFFFFFC00, v37;
	v40 =	vshll.u32 v38, $0x3  }
0xf1: {  	v42 =	vadd.s32 $0x15, v3;
	v48 =	vshll.u32 v45, $0x3;
	v6 =	vor.u32 v2, v6  }
0xf2: {  	v7 =	vor.u32 v2, v7;
	v9 =	vor.u32 v2, v9;
	v10 =	vor.u32 v2, v10  }
0xf3: {  	v12 =	vor.u32 v2, v12;
	v13 =	vor.u32 v2, v13;
	v15 =	vor.u32 v2, v15  }
0xf4: {  	v16 =	vor.u32 v2, v16;
	v18 =	vor.u32 v2, v18;
	v19 =	vor.u32 v2, v19  }
0xf5: {  	v21 =	vor.u32 v33, v21;
	v35 =	vshll.u32 v34, $0x3;
	v23 =	vand.u32 $0x7F, v34  }
0xf6: {  	v25 =	vadd.s32 v1, v25;
	v44 =	vshll.u32 v42, $0x3;
	v21 =	vor.u32 v2, v21;
	[tilespmem:v5+s2+$0x0] =	vst.idx.msk $0xffff, v0  }
0xf7: {  	v22 =	vand.u32 $0xFFFFFC00, v35;
	v39 =	vor.u32 v24, v25;
	v24 =	vand.u32 $0xFFFFFC00, v40;
	[tilespmem:v4+s2+$0x0] =	vst.idx.msk $0xffff, v0  }
0xf8: {  	v47 =	vand.u32 $0xFFFFFC00, v44;
	v22 =	vadd.s32 v1, v22;
	v24 =	vadd.s32 v1, v24;
	[tilespmem:v6+s2+$0x0] =	vst.idx.msk $0xffff, v0  }
0xf9: {  	v50 =	vand.u32 $0x7F, v45;
	v5 =	vadd.s32 v1, v47;
	v22 =	vor.u32 v23, v22;
	[tilespmem:v7+s2+$0x0] =	vst.idx.msk $0xffff, v0  }
0xfa: {  	v49 =	vand.u32 $0x7F, v42;
	v23 =	vor.u32 v2, v39;
	v43 =	vor.u32 v41, v24;
	[tilespmem:v8+s2+$0x0] =	vst.idx.msk $0xffff, v0  }
0xfb: {  	v24 =	vand.u32 $0xFFFFFC00, v48;
	v5 =	vor.u32 v49, v5;
	v22 =	vor.u32 v2, v22;
	[tilespmem:v9+s2+$0x0] =	vst.idx.msk $0xffff, v0  }
0xfc: {  	v56 =	vshll.u32 v55, $0x3;
	v46 =	vor.u32 v2, v43;
	v24 =	vadd.s32 v1, v24;
	[tilespmem:v10+s2+$0x0] =	vst.idx.msk $0xffff, v0  }
0xfd: {  	v5 =	vor.u32 v2, v5;
	v52 =	vor.u32 v50, v24;
	v7 =	vand.u32 $0xFFFFFC00, v53;
	[tilespmem:v11+s2+$0x0] =	vst.idx.msk $0xffff, v0  }
0xfe: {  	v58 =	vshll.u32 v57, $0x3;
	v6 =	vor.u32 v2, v52;
	v7 =	vadd.s32 v1, v7;
	[tilespmem:v12+s2+$0x0] =	vst.idx.msk $0xffff, v0  }
0xff: {  	v8 =	vand.u32 $0xFFFFFC00, v56;
	v7 =	vor.u32 v54, v7;
	v9 =	vand.u32 $0x7F, v55;
	[tilespmem:v13+s2+$0x0] =	vst.idx.msk $0xffff, v0  }
0x100: {  	v8 =	vadd.s32 v1, v8;
	v7 =	vor.u32 v2, v7;
	v11 =	vand.u32 $0xFFFFFC00, v58;
	[tilespmem:v14+s2+$0x0] =	vst.idx.msk $0xffff, v0  }
0x101: {  	v10 =	vand.u32 $0x7F, v57;
	v8 =	vor.u32 v9, v8;
	v11 =	vadd.s32 v1, v11;
	[tilespmem:v15+s2+$0x0] =	vst.idx.msk $0xffff, v0  }
0x102: {  	v62 =	vand.u32 $0x7F, v59;
	v8 =	vor.u32 v2, v8;
	v60 =	vor.u32 v10, v11;
	[tilespmem:v16+s2+$0x0] =	vst.idx.msk $0xffff, v0  }
0x103: {  	v12 =	vand.u32 $0x7F, v63;
	v10 =	vand.u32 $0xFFFFFC00, v61;
	v9 =	vor.u32 v2, v60;
	[tilespmem:v17+s2+$0x0] =	vst.idx.msk $0xffff, v0  }
0x104: {  	v10 =	vadd.s32 v1, v10;
	v16 =	vshll.u32 v63, $0x3;
	v17 =	vadd.s32 $0x1C, v3;
	[tilespmem:v18+s2+$0x0] =	vst.idx.msk $0xffff, v0  }
0x105: {  	v10 =	vor.u32 v62, v10;
	v11 =	vand.u32 $0xFFFFFC00, v16;
	v18 =	vshll.u32 v17, $0x3;
	[tilespmem:v19+s2+$0x0] =	vst.idx.msk $0xffff, v0  }
0x106: {  	v10 =	vor.u32 v2, v10;
	v11 =	vadd.s32 v1, v11;
	v14 =	vand.u32 $0xFFFFFC00, v18;
	[tilespmem:v20+s2+$0x0] =	vst.idx.msk $0xffff, v0  }
0x107: {  	v13 =	vand.u32 $0x7F, v17;
	v19 =	vadd.s32 $0x1D, v3;
	v14 =	vadd.s32 v1, v14;
	[tilespmem:v21+s2+$0x0] =	vst.idx.msk $0xffff, v0  }
0x108: {  	v11 =	vor.u32 v12, v11;
	v20 =	vor.u32 v13, v14;
	v21 =	vshll.u32 v19, $0x3;
	[tilespmem:v22+s2+$0x0] =	vst.idx.msk $0xffff, v0  }
0x109: {  	v11 =	vor.u32 v2, v11;
	v12 =	vor.u32 v2, v20;
	v13 =	vand.u32 $0xFFFFFC00, v21;
	[tilespmem:v23+s2+$0x0] =	vst.idx.msk $0xffff, v0  }
0x10a: {  	v22 =	vand.u32 $0x7F, v19;
	v13 =	vadd.s32 v1, v13;
	v23 =	vadd.s32 $0x1E, v3;
	[tilespmem:v46+s2+$0x0] =	vst.idx.msk $0xffff, v0  }
0x10b: {  	v3 =	vadd.s32 $0x1F, v3;
	v4 =	vor.u32 v22, v13;
	v24 =	vshll.u32 v23, $0x3;
	[tilespmem:v5+s2+$0x0] =	vst.idx.msk $0xffff, v0  }
0x10c: {  	v25 =	vshll.u32 v3, $0x3;
	v26 =	vand.u32 $0x7F, v23;
	v5 =	vand.u32 $0xFFFFFC00, v24;
	[tilespmem:v6+s2+$0x0] =	vst.idx.msk $0xffff, v0  }
0x10d: {  	v4 =	vor.u32 v2, v4;
	v5 =	vadd.s32 v1, v5;
	v6 =	vand.u32 $0xFFFFFC00, v25;
	[tilespmem:v7+s2+$0x0] =	vst.idx.msk $0xffff, v0  }
0x10e: {  	v3 =	vand.u32 $0x7F, v3;
	v5 =	vor.u32 v26, v5;
	v1 =	vadd.s32 v1, v6;
	[tilespmem:v8+s2+$0x0] =	vst.idx.msk $0xffff, v0  }
0x10f: {  	v5 =	vor.u32 v2, v5;
	v1 =	vor.u32 v3, v1;
	[tilespmem:v9+s2+$0x0] =	vst.idx.msk $0xffff, v0  }
0x110: {  	v1 =	vor.u32 v2, v1;
	[tilespmem:v10+s2+$0x0] =	vst.idx.msk $0xffff, v0  }
0x111: {  	[tilespmem:v11+s2+$0x0] =	vst.idx.msk $0xffff, v0  }
0x112: {  	[tilespmem:v12+s2+$0x0] =	vst.idx.msk $0xffff, v0  }
0x113: {  	[tilespmem:v4+s2+$0x0] =	vst.idx.msk $0xffff, v0  }
0x114: {  	[tilespmem:v5+s2+$0x0] =	vst.idx.msk $0xffff, v0  }
0x115: {  	[tilespmem:v1+s2+$0x0] =	vst.idx.msk $0xffff, v0  }
0x116: {  	v2 =	vld [tilespmem:$0x8030]  }
0x117: {  	v3 =	vld [tilespmem:$0x80B0];
	_ =	sdelay $0x4  }
0x118: {  	v27 =	vand.u32 $0x7F, v3;
	v1 =	vshll.u32 v2, $0x8  }
0x119: {  	v28 =	vshll.u32 v3, $0x3;
	v29 =	vadd.s32 $0x1, v3;
	v2 =	vshll.u32 v2, $0x7  }
0x11a: {  	v31 =	vadd.s32 $0x2, v3;
	v35 =	vadd.s32 $0x3, v3;
	v37 =	vadd.s32 $0x4, v3  }
0x11b: {  	v39 =	vadd.s32 $0x5, v3;
	v43 =	vadd.s32 $0x6, v3;
	v45 =	vadd.s32 $0x7, v3  }
0x11c: {  	v47 =	vadd.s32 $0x8, v3;
	v51 =	vadd.s32 $0x9, v3;
	v53 =	vadd.s32 $0xA, v3  }
0x11d: {  	v55 =	vadd.s32 $0xB, v3;
	v59 =	vadd.s32 $0xC, v3;
	v61 =	vadd.s32 $0xD, v3  }
0x11e: {  	v63 =	vadd.s32 $0xE, v3;
	v26 =	vadd.s32 $0xF, v3;
	v1 =	vand.u32 $0xFFFFF800, v1  }
0x11f: {  	v5 =	vand.u32 $0xFFFFFC00, v28;
	v30 =	vshll.u32 v29, $0x3;
	v2 =	vand.u32 $0x380, v2  }
0x120: {  	v6 =	vand.u32 $0x7F, v29;
	v32 =	vshll.u32 v31, $0x3;
	v34 =	vand.u32 $0x7F, v31  }
0x121: {  	v36 =	vshll.u32 v35, $0x3;
	v38 =	vshll.u32 v37, $0x3;
	v8 =	vand.u32 $0x7F, v35  }
0x122: {  	v9 =	vand.u32 $0x7F, v37;
	v41 =	vshll.u32 v39, $0x3;
	v42 =	vand.u32 $0x7F, v39  }
0x123: {  	v44 =	vshll.u32 v43, $0x3;
	v46 =	vshll.u32 v45, $0x3;
	v11 =	vand.u32 $0x7F, v43  }
0x124: {  	v12 =	vand.u32 $0x7F, v45;
	v49 =	vshll.u32 v47, $0x3;
	v50 =	vand.u32 $0x7F, v47  }
0x125: {  	v52 =	vshll.u32 v51, $0x3;
	v54 =	vshll.u32 v53, $0x3;
	v14 =	vand.u32 $0x7F, v51  }
0x126: {  	v15 =	vand.u32 $0x7F, v53;
	v57 =	vshll.u32 v55, $0x3;
	v58 =	vand.u32 $0x7F, v55  }
0x127: {  	v60 =	vshll.u32 v59, $0x3;
	v62 =	vshll.u32 v61, $0x3;
	v17 =	vand.u32 $0x7F, v59  }
0x128: {  	v18 =	vand.u32 $0x7F, v61;
	v24 =	vshll.u32 v63, $0x3;
	v25 =	vand.u32 $0x7F, v63  }
0x129: {  	v28 =	vadd.s32 $0x10, v3;
	v20 =	vand.u32 $0x7F, v26;
	v45 =	vadd.s32 $0x16, v3  }
0x12a: {  	v51 =	vadd.s32 $0x17, v3;
	v55 =	vadd.s32 $0x18, v3;
	v59 =	vadd.s32 $0x1A, v3  }
0x12b: {  	v63 =	vadd.s32 $0x1B, v3;
	v5 =	vadd.s32 v1, v5;
	v7 =	vand.u32 $0xFFFFFC00, v30  }
0x12c: {  	v33 =	vand.u32 $0xFFFFFC00, v32;
	v10 =	vand.u32 $0xFFFFFC00, v38;
	v13 =	vand.u32 $0xFFFFFC00, v46  }
0x12d: {  	v16 =	vand.u32 $0xFFFFFC00, v54;
	v19 =	vand.u32 $0xFFFFFC00, v62;
	v29 =	vshll.u32 v28, $0x3  }
0x12e: {  	v21 =	vand.u32 $0x7F, v28;
	v30 =	vadd.s32 $0x11, v3;
	v38 =	vadd.s32 $0x14, v3  }
0x12f: {  	v53 =	vshll.u32 v51, $0x3;
	v54 =	vand.u32 $0x7F, v51;
	v61 =	vshll.u32 v59, $0x3  }
0x130: {  	v7 =	vadd.s32 v1, v7;
	v4 =	vor.u32 v27, v5;
	v10 =	vadd.s32 v1, v10  }
0x131: {  	v13 =	vadd.s32 v1, v13;
	v16 =	vadd.s32 v1, v16;
	v19 =	vadd.s32 v1, v19  }
0x132: {  	v27 =	vshll.u32 v26, $0x3;
	v22 =	vand.u32 $0xFFFFFC00, v29;
	v32 =	vshll.u32 v30, $0x3  }
0x133: {  	v6 =	vor.u32 v6, v7;
	v5 =	vor.u32 v2, v4;
	v7 =	vand.u32 $0xFFFFFC00, v36  }
0x134: {  	v40 =	vor.u32 v9, v10;
	v9 =	vand.u32 $0xFFFFFC00, v41;
	v10 =	vand.u32 $0xFFFFFC00, v44  }
0x135: {  	v48 =	vor.u32 v12, v13;
	v12 =	vand.u32 $0xFFFFFC00, v49;
	v13 =	vand.u32 $0xFFFFFC00, v52  }
0x136: {  	v56 =	vor.u32 v15, v16;
	v15 =	vand.u32 $0xFFFFFC00, v57;
	v16 =	vand.u32 $0xFFFFFC00, v60  }
0x137: {  	v23 =	vor.u32 v18, v19;
	v18 =	vand.u32 $0xFFFFFC00, v24;
	v19 =	vand.u32 $0xFFFFFC00, v27  }
0x138: {  	v22 =	vadd.s32 v1, v22;
	v36 =	vadd.s32 $0x13, v3;
	v41 =	vand.u32 $0x7F, v38  }
0x139: {  	v57 =	vadd.s32 $0x19, v3;
	v4 =	vor.u32 v2, v6;
	v6 =	vadd.s32 v1, v33  }
0x13a: {  	v7 =	vadd.s32 v1, v7;
	v9 =	vadd.s32 v1, v9;
	v10 =	vadd.s32 v1, v10  }
0x13b: {  	v12 =	vadd.s32 v1, v12;
	v13 =	vadd.s32 v1, v13;
	v15 =	vadd.s32 v1, v15  }
0x13c: {  	v16 =	vadd.s32 v1, v16;
	v18 =	vadd.s32 v1, v18;
	v19 =	vadd.s32 v1, v19  }
0x13d: {  	v31 =	vor.u32 v21, v22;
	v21 =	vand.u32 $0xFFFFFC00, v32;
	v33 =	vand.u32 $0x7F, v30  }
0x13e: {  	v37 =	vshll.u32 v36, $0x3;
	v24 =	vand.u32 $0x7F, v36;
	v6 =	vor.u32 v34, v6  }
0x13f: {  	v7 =	vor.u32 v8, v7;
	v8 =	vor.u32 v2, v40;
	v9 =	vor.u32 v42, v9  }
0x140: {  	v10 =	vor.u32 v11, v10;
	v11 =	vor.u32 v2, v48;
	v12 =	vor.u32 v50, v12  }
0x141: {  	v13 =	vor.u32 v14, v13;
	v14 =	vor.u32 v2, v56;
	v15 =	vor.u32 v58, v15  }
0x142: {  	v16 =	vor.u32 v17, v16;
	v17 =	vor.u32 v2, v23;
	v18 =	vor.u32 v25, v18  }
0x143: {  	v19 =	vor.u32 v20, v19;
	v20 =	vor.u32 v2, v31;
	v21 =	vadd.s32 v1, v21  }
0x144: {  	v34 =	vadd.s32 $0x12, v3;
	v25 =	vand.u32 $0xFFFFFC00, v37;
	v40 =	vshll.u32 v38, $0x3  }
0x145: {  	v42 =	vadd.s32 $0x15, v3;
	v48 =	vshll.u32 v45, $0x3;
	v6 =	vor.u32 v2, v6  }
0x146: {  	v7 =	vor.u32 v2, v7;
	v9 =	vor.u32 v2, v9;
	v10 =	vor.u32 v2, v10  }
0x147: {  	v12 =	vor.u32 v2, v12;
	v13 =	vor.u32 v2, v13;
	v15 =	vor.u32 v2, v15  }
0x148: {  	v16 =	vor.u32 v2, v16;
	v18 =	vor.u32 v2, v18;
	v19 =	vor.u32 v2, v19  }
0x149: {  	v21 =	vor.u32 v33, v21;
	v35 =	vshll.u32 v34, $0x3;
	v23 =	vand.u32 $0x7F, v34  }
0x14a: {  	v25 =	vadd.s32 v1, v25;
	v44 =	vshll.u32 v42, $0x3;
	v21 =	vor.u32 v2, v21;
	[tilespmem:v5+s2+$0x0] =	vst.idx.msk $0xffff, v0  }
0x14b: {  	v22 =	vand.u32 $0xFFFFFC00, v35;
	v39 =	vor.u32 v24, v25;
	v24 =	vand.u32 $0xFFFFFC00, v40;
	[tilespmem:v4+s2+$0x0] =	vst.idx.msk $0xffff, v0  }
0x14c: {  	v47 =	vand.u32 $0xFFFFFC00, v44;
	v22 =	vadd.s32 v1, v22;
	v24 =	vadd.s32 v1, v24;
	[tilespmem:v6+s2+$0x0] =	vst.idx.msk $0xffff, v0  }
0x14d: {  	v50 =	vand.u32 $0x7F, v45;
	v5 =	vadd.s32 v1, v47;
	v22 =	vor.u32 v23, v22;
	[tilespmem:v7+s2+$0x0] =	vst.idx.msk $0xffff, v0  }
0x14e: {  	v49 =	vand.u32 $0x7F, v42;
	v23 =	vor.u32 v2, v39;
	v43 =	vor.u32 v41, v24;
	[tilespmem:v8+s2+$0x0] =	vst.idx.msk $0xffff, v0  }
0x14f: {  	v24 =	vand.u32 $0xFFFFFC00, v48;
	v5 =	vor.u32 v49, v5;
	v22 =	vor.u32 v2, v22;
	[tilespmem:v9+s2+$0x0] =	vst.idx.msk $0xffff, v0  }
0x150: {  	v56 =	vshll.u32 v55, $0x3;
	v46 =	vor.u32 v2, v43;
	v24 =	vadd.s32 v1, v24;
	[tilespmem:v10+s2+$0x0] =	vst.idx.msk $0xffff, v0  }
0x151: {  	v5 =	vor.u32 v2, v5;
	v52 =	vor.u32 v50, v24;
	v7 =	vand.u32 $0xFFFFFC00, v53;
	[tilespmem:v11+s2+$0x0] =	vst.idx.msk $0xffff, v0  }
0x152: {  	v58 =	vshll.u32 v57, $0x3;
	v6 =	vor.u32 v2, v52;
	v7 =	vadd.s32 v1, v7;
	[tilespmem:v12+s2+$0x0] =	vst.idx.msk $0xffff, v0  }
0x153: {  	v8 =	vand.u32 $0xFFFFFC00, v56;
	v7 =	vor.u32 v54, v7;
	v9 =	vand.u32 $0x7F, v55;
	[tilespmem:v13+s2+$0x0] =	vst.idx.msk $0xffff, v0  }
0x154: {  	v8 =	vadd.s32 v1, v8;
	v7 =	vor.u32 v2, v7;
	v11 =	vand.u32 $0xFFFFFC00, v58;
	[tilespmem:v14+s2+$0x0] =	vst.idx.msk $0xffff, v0  }
0x155: {  	v10 =	vand.u32 $0x7F, v57;
	v8 =	vor.u32 v9, v8;
	v11 =	vadd.s32 v1, v11;
	[tilespmem:v15+s2+$0x0] =	vst.idx.msk $0xffff, v0  }
0x156: {  	v62 =	vand.u32 $0x7F, v59;
	v8 =	vor.u32 v2, v8;
	v60 =	vor.u32 v10, v11;
	[tilespmem:v16+s2+$0x0] =	vst.idx.msk $0xffff, v0  }
0x157: {  	v12 =	vand.u32 $0x7F, v63;
	v10 =	vand.u32 $0xFFFFFC00, v61;
	v9 =	vor.u32 v2, v60;
	[tilespmem:v17+s2+$0x0] =	vst.idx.msk $0xffff, v0  }
0x158: {  	v10 =	vadd.s32 v1, v10;
	v16 =	vshll.u32 v63, $0x3;
	v17 =	vadd.s32 $0x1C, v3;
	[tilespmem:v18+s2+$0x0] =	vst.idx.msk $0xffff, v0  }
0x159: {  	v10 =	vor.u32 v62, v10;
	v11 =	vand.u32 $0xFFFFFC00, v16;
	v18 =	vshll.u32 v17, $0x3;
	[tilespmem:v19+s2+$0x0] =	vst.idx.msk $0xffff, v0  }
0x15a: {  	v10 =	vor.u32 v2, v10;
	v11 =	vadd.s32 v1, v11;
	v14 =	vand.u32 $0xFFFFFC00, v18;
	[tilespmem:v20+s2+$0x0] =	vst.idx.msk $0xffff, v0  }
0x15b: {  	v13 =	vand.u32 $0x7F, v17;
	v19 =	vadd.s32 $0x1D, v3;
	v14 =	vadd.s32 v1, v14;
	[tilespmem:v21+s2+$0x0] =	vst.idx.msk $0xffff, v0  }
0x15c: {  	v11 =	vor.u32 v12, v11;
	v20 =	vor.u32 v13, v14;
	v21 =	vshll.u32 v19, $0x3;
	[tilespmem:v22+s2+$0x0] =	vst.idx.msk $0xffff, v0  }
0x15d: {  	v11 =	vor.u32 v2, v11;
	v12 =	vor.u32 v2, v20;
	v13 =	vand.u32 $0xFFFFFC00, v21;
	[tilespmem:v23+s2+$0x0] =	vst.idx.msk $0xffff, v0  }
0x15e: {  	v22 =	vand.u32 $0x7F, v19;
	v13 =	vadd.s32 v1, v13;
	v23 =	vadd.s32 $0x1E, v3;
	[tilespmem:v46+s2+$0x0] =	vst.idx.msk $0xffff, v0  }
0x15f: {  	v3 =	vadd.s32 $0x1F, v3;
	v4 =	vor.u32 v22, v13;
	v24 =	vshll.u32 v23, $0x3;
	[tilespmem:v5+s2+$0x0] =	vst.idx.msk $0xffff, v0  }
0x160: {  	v25 =	vshll.u32 v3, $0x3;
	v26 =	vand.u32 $0x7F, v23;
	v5 =	vand.u32 $0xFFFFFC00, v24;
	[tilespmem:v6+s2+$0x0] =	vst.idx.msk $0xffff, v0  }
0x161: {  	v4 =	vor.u32 v2, v4;
	v5 =	vadd.s32 v1, v5;
	v6 =	vand.u32 $0xFFFFFC00, v25;
	[tilespmem:v7+s2+$0x0] =	vst.idx.msk $0xffff, v0  }
0x162: {  	v3 =	vand.u32 $0x7F, v3;
	v5 =	vor.u32 v26, v5;
	v1 =	vadd.s32 v1, v6;
	[tilespmem:v8+s2+$0x0] =	vst.idx.msk $0xffff, v0  }
0x163: {  	v5 =	vor.u32 v2, v5;
	v1 =	vor.u32 v3, v1;
	[tilespmem:v9+s2+$0x0] =	vst.idx.msk $0xffff, v0  }
0x164: {  	v1 =	vor.u32 v2, v1;
	[tilespmem:v10+s2+$0x0] =	vst.idx.msk $0xffff, v0  }
0x165: {  	[tilespmem:v11+s2+$0x0] =	vst.idx.msk $0xffff, v0  }
0x166: {  	[tilespmem:v12+s2+$0x0] =	vst.idx.msk $0xffff, v0  }
0x167: {  	[tilespmem:v4+s2+$0x0] =	vst.idx.msk $0xffff, v0  }
0x168: {  	[tilespmem:v5+s2+$0x0] =	vst.idx.msk $0xffff, v0  }
0x169: {  	[tilespmem:v1+s2+$0x0] =	vst.idx.msk $0xffff, v0  }
0x16a: {  	v2 =	vld [tilespmem:$0x8040]  }
0x16b: {  	v3 =	vld [tilespmem:$0x80C0];
	_ =	sdelay $0x4  }
0x16c: {  	v27 =	vand.u32 $0x7F, v3;
	v1 =	vshll.u32 v2, $0x8  }
0x16d: {  	v28 =	vshll.u32 v3, $0x3;
	v29 =	vadd.s32 $0x1, v3;
	v2 =	vshll.u32 v2, $0x7  }
0x16e: {  	v31 =	vadd.s32 $0x2, v3;
	v35 =	vadd.s32 $0x3, v3;
	v37 =	vadd.s32 $0x4, v3  }
0x16f: {  	v39 =	vadd.s32 $0x5, v3;
	v43 =	vadd.s32 $0x6, v3;
	v45 =	vadd.s32 $0x7, v3  }
0x170: {  	v47 =	vadd.s32 $0x8, v3;
	v51 =	vadd.s32 $0x9, v3;
	v53 =	vadd.s32 $0xA, v3  }
0x171: {  	v55 =	vadd.s32 $0xB, v3;
	v59 =	vadd.s32 $0xC, v3;
	v61 =	vadd.s32 $0xD, v3  }
0x172: {  	v63 =	vadd.s32 $0xE, v3;
	v26 =	vadd.s32 $0xF, v3;
	v1 =	vand.u32 $0xFFFFF800, v1  }
0x173: {  	v5 =	vand.u32 $0xFFFFFC00, v28;
	v30 =	vshll.u32 v29, $0x3;
	v2 =	vand.u32 $0x380, v2  }
0x174: {  	v6 =	vand.u32 $0x7F, v29;
	v32 =	vshll.u32 v31, $0x3;
	v34 =	vand.u32 $0x7F, v31  }
0x175: {  	v36 =	vshll.u32 v35, $0x3;
	v38 =	vshll.u32 v37, $0x3;
	v8 =	vand.u32 $0x7F, v35  }
0x176: {  	v9 =	vand.u32 $0x7F, v37;
	v41 =	vshll.u32 v39, $0x3;
	v42 =	vand.u32 $0x7F, v39  }
0x177: {  	v44 =	vshll.u32 v43, $0x3;
	v46 =	vshll.u32 v45, $0x3;
	v11 =	vand.u32 $0x7F, v43  }
0x178: {  	v12 =	vand.u32 $0x7F, v45;
	v49 =	vshll.u32 v47, $0x3;
	v50 =	vand.u32 $0x7F, v47  }
0x179: {  	v52 =	vshll.u32 v51, $0x3;
	v54 =	vshll.u32 v53, $0x3;
	v14 =	vand.u32 $0x7F, v51  }
0x17a: {  	v15 =	vand.u32 $0x7F, v53;
	v57 =	vshll.u32 v55, $0x3;
	v58 =	vand.u32 $0x7F, v55  }
0x17b: {  	v60 =	vshll.u32 v59, $0x3;
	v62 =	vshll.u32 v61, $0x3;
	v17 =	vand.u32 $0x7F, v59  }
0x17c: {  	v18 =	vand.u32 $0x7F, v61;
	v24 =	vshll.u32 v63, $0x3;
	v25 =	vand.u32 $0x7F, v63  }
0x17d: {  	v28 =	vadd.s32 $0x10, v3;
	v20 =	vand.u32 $0x7F, v26;
	v45 =	vadd.s32 $0x16, v3  }
0x17e: {  	v51 =	vadd.s32 $0x17, v3;
	v55 =	vadd.s32 $0x18, v3;
	v59 =	vadd.s32 $0x1A, v3  }
0x17f: {  	v63 =	vadd.s32 $0x1B, v3;
	v5 =	vadd.s32 v1, v5;
	v7 =	vand.u32 $0xFFFFFC00, v30  }
0x180: {  	v33 =	vand.u32 $0xFFFFFC00, v32;
	v10 =	vand.u32 $0xFFFFFC00, v38;
	v13 =	vand.u32 $0xFFFFFC00, v46  }
0x181: {  	v16 =	vand.u32 $0xFFFFFC00, v54;
	v19 =	vand.u32 $0xFFFFFC00, v62;
	v29 =	vshll.u32 v28, $0x3  }
0x182: {  	v21 =	vand.u32 $0x7F, v28;
	v30 =	vadd.s32 $0x11, v3;
	v38 =	vadd.s32 $0x14, v3  }
0x183: {  	v53 =	vshll.u32 v51, $0x3;
	v54 =	vand.u32 $0x7F, v51;
	v61 =	vshll.u32 v59, $0x3  }
0x184: {  	v7 =	vadd.s32 v1, v7;
	v4 =	vor.u32 v27, v5;
	v10 =	vadd.s32 v1, v10  }
0x185: {  	v13 =	vadd.s32 v1, v13;
	v16 =	vadd.s32 v1, v16;
	v19 =	vadd.s32 v1, v19  }
0x186: {  	v27 =	vshll.u32 v26, $0x3;
	v22 =	vand.u32 $0xFFFFFC00, v29;
	v32 =	vshll.u32 v30, $0x3  }
0x187: {  	v6 =	vor.u32 v6, v7;
	v5 =	vor.u32 v2, v4;
	v7 =	vand.u32 $0xFFFFFC00, v36  }
0x188: {  	v40 =	vor.u32 v9, v10;
	v9 =	vand.u32 $0xFFFFFC00, v41;
	v10 =	vand.u32 $0xFFFFFC00, v44  }
0x189: {  	v48 =	vor.u32 v12, v13;
	v12 =	vand.u32 $0xFFFFFC00, v49;
	v13 =	vand.u32 $0xFFFFFC00, v52  }
0x18a: {  	v56 =	vor.u32 v15, v16;
	v15 =	vand.u32 $0xFFFFFC00, v57;
	v16 =	vand.u32 $0xFFFFFC00, v60  }
0x18b: {  	v23 =	vor.u32 v18, v19;
	v18 =	vand.u32 $0xFFFFFC00, v24;
	v19 =	vand.u32 $0xFFFFFC00, v27  }
0x18c: {  	v22 =	vadd.s32 v1, v22;
	v36 =	vadd.s32 $0x13, v3;
	v41 =	vand.u32 $0x7F, v38  }
0x18d: {  	v57 =	vadd.s32 $0x19, v3;
	v4 =	vor.u32 v2, v6;
	v6 =	vadd.s32 v1, v33  }
0x18e: {  	v7 =	vadd.s32 v1, v7;
	v9 =	vadd.s32 v1, v9;
	v10 =	vadd.s32 v1, v10  }
0x18f: {  	v12 =	vadd.s32 v1, v12;
	v13 =	vadd.s32 v1, v13;
	v15 =	vadd.s32 v1, v15  }
0x190: {  	v16 =	vadd.s32 v1, v16;
	v18 =	vadd.s32 v1, v18;
	v19 =	vadd.s32 v1, v19  }
0x191: {  	v31 =	vor.u32 v21, v22;
	v21 =	vand.u32 $0xFFFFFC00, v32;
	v33 =	vand.u32 $0x7F, v30  }
0x192: {  	v37 =	vshll.u32 v36, $0x3;
	v24 =	vand.u32 $0x7F, v36;
	v6 =	vor.u32 v34, v6  }
0x193: {  	v7 =	vor.u32 v8, v7;
	v8 =	vor.u32 v2, v40;
	v9 =	vor.u32 v42, v9  }
0x194: {  	v10 =	vor.u32 v11, v10;
	v11 =	vor.u32 v2, v48;
	v12 =	vor.u32 v50, v12  }
0x195: {  	v13 =	vor.u32 v14, v13;
	v14 =	vor.u32 v2, v56;
	v15 =	vor.u32 v58, v15  }
0x196: {  	v16 =	vor.u32 v17, v16;
	v17 =	vor.u32 v2, v23;
	v18 =	vor.u32 v25, v18  }
0x197: {  	v19 =	vor.u32 v20, v19;
	v20 =	vor.u32 v2, v31;
	v21 =	vadd.s32 v1, v21  }
0x198: {  	v34 =	vadd.s32 $0x12, v3;
	v25 =	vand.u32 $0xFFFFFC00, v37;
	v40 =	vshll.u32 v38, $0x3  }
0x199: {  	v42 =	vadd.s32 $0x15, v3;
	v48 =	vshll.u32 v45, $0x3;
	v6 =	vor.u32 v2, v6  }
0x19a: {  	v7 =	vor.u32 v2, v7;
	v9 =	vor.u32 v2, v9;
	v10 =	vor.u32 v2, v10  }
0x19b: {  	v12 =	vor.u32 v2, v12;
	v13 =	vor.u32 v2, v13;
	v15 =	vor.u32 v2, v15  }
0x19c: {  	v16 =	vor.u32 v2, v16;
	v18 =	vor.u32 v2, v18;
	v19 =	vor.u32 v2, v19  }
0x19d: {  	v21 =	vor.u32 v33, v21;
	v35 =	vshll.u32 v34, $0x3;
	v23 =	vand.u32 $0x7F, v34  }
0x19e: {  	v25 =	vadd.s32 v1, v25;
	v44 =	vshll.u32 v42, $0x3;
	v21 =	vor.u32 v2, v21;
	[tilespmem:v5+s2+$0x0] =	vst.idx.msk $0xffff, v0  }
0x19f: {  	v22 =	vand.u32 $0xFFFFFC00, v35;
	v39 =	vor.u32 v24, v25;
	v24 =	vand.u32 $0xFFFFFC00, v40;
	[tilespmem:v4+s2+$0x0] =	vst.idx.msk $0xffff, v0  }
0x1a0: {  	v47 =	vand.u32 $0xFFFFFC00, v44;
	v22 =	vadd.s32 v1, v22;
	v24 =	vadd.s32 v1, v24;
	[tilespmem:v6+s2+$0x0] =	vst.idx.msk $0xffff, v0  }
0x1a1: {  	v50 =	vand.u32 $0x7F, v45;
	v5 =	vadd.s32 v1, v47;
	v22 =	vor.u32 v23, v22;
	[tilespmem:v7+s2+$0x0] =	vst.idx.msk $0xffff, v0  }
0x1a2: {  	v49 =	vand.u32 $0x7F, v42;
	v23 =	vor.u32 v2, v39;
	v43 =	vor.u32 v41, v24;
	[tilespmem:v8+s2+$0x0] =	vst.idx.msk $0xffff, v0  }
0x1a3: {  	v24 =	vand.u32 $0xFFFFFC00, v48;
	v5 =	vor.u32 v49, v5;
	v22 =	vor.u32 v2, v22;
	[tilespmem:v9+s2+$0x0] =	vst.idx.msk $0xffff, v0  }
0x1a4: {  	v56 =	vshll.u32 v55, $0x3;
	v46 =	vor.u32 v2, v43;
	v24 =	vadd.s32 v1, v24;
	[tilespmem:v10+s2+$0x0] =	vst.idx.msk $0xffff, v0  }
0x1a5: {  	v5 =	vor.u32 v2, v5;
	v52 =	vor.u32 v50, v24;
	v7 =	vand.u32 $0xFFFFFC00, v53;
	[tilespmem:v11+s2+$0x0] =	vst.idx.msk $0xffff, v0  }
0x1a6: {  	v58 =	vshll.u32 v57, $0x3;
	v6 =	vor.u32 v2, v52;
	v7 =	vadd.s32 v1, v7;
	[tilespmem:v12+s2+$0x0] =	vst.idx.msk $0xffff, v0  }
0x1a7: {  	v8 =	vand.u32 $0xFFFFFC00, v56;
	v7 =	vor.u32 v54, v7;
	v9 =	vand.u32 $0x7F, v55;
	[tilespmem:v13+s2+$0x0] =	vst.idx.msk $0xffff, v0  }
0x1a8: {  	v8 =	vadd.s32 v1, v8;
	v7 =	vor.u32 v2, v7;
	v11 =	vand.u32 $0xFFFFFC00, v58;
	[tilespmem:v14+s2+$0x0] =	vst.idx.msk $0xffff, v0  }
0x1a9: {  	v10 =	vand.u32 $0x7F, v57;
	v8 =	vor.u32 v9, v8;
	v11 =	vadd.s32 v1, v11;
	[tilespmem:v15+s2+$0x0] =	vst.idx.msk $0xffff, v0  }
0x1aa: {  	v62 =	vand.u32 $0x7F, v59;
	v8 =	vor.u32 v2, v8;
	v60 =	vor.u32 v10, v11;
	[tilespmem:v16+s2+$0x0] =	vst.idx.msk $0xffff, v0  }
0x1ab: {  	v12 =	vand.u32 $0x7F, v63;
	v10 =	vand.u32 $0xFFFFFC00, v61;
	v9 =	vor.u32 v2, v60;
	[tilespmem:v17+s2+$0x0] =	vst.idx.msk $0xffff, v0  }
0x1ac: {  	v10 =	vadd.s32 v1, v10;
	v16 =	vshll.u32 v63, $0x3;
	v17 =	vadd.s32 $0x1C, v3;
	[tilespmem:v18+s2+$0x0] =	vst.idx.msk $0xffff, v0  }
0x1ad: {  	v10 =	vor.u32 v62, v10;
	v11 =	vand.u32 $0xFFFFFC00, v16;
	v18 =	vshll.u32 v17, $0x3;
	[tilespmem:v19+s2+$0x0] =	vst.idx.msk $0xffff, v0  }
0x1ae: {  	v10 =	vor.u32 v2, v10;
	v11 =	vadd.s32 v1, v11;
	v14 =	vand.u32 $0xFFFFFC00, v18;
	[tilespmem:v20+s2+$0x0] =	vst.idx.msk $0xffff, v0  }
0x1af: {  	v13 =	vand.u32 $0x7F, v17;
	v19 =	vadd.s32 $0x1D, v3;
	v14 =	vadd.s32 v1, v14;
	[tilespmem:v21+s2+$0x0] =	vst.idx.msk $0xffff, v0  }
0x1b0: {  	v11 =	vor.u32 v12, v11;
	v20 =	vor.u32 v13, v14;
	v21 =	vshll.u32 v19, $0x3;
	[tilespmem:v22+s2+$0x0] =	vst.idx.msk $0xffff, v0  }
0x1b1: {  	v11 =	vor.u32 v2, v11;
	v12 =	vor.u32 v2, v20;
	v13 =	vand.u32 $0xFFFFFC00, v21;
	[tilespmem:v23+s2+$0x0] =	vst.idx.msk $0xffff, v0  }
0x1b2: {  	v22 =	vand.u32 $0x7F, v19;
	v13 =	vadd.s32 v1, v13;
	v23 =	vadd.s32 $0x1E, v3;
	[tilespmem:v46+s2+$0x0] =	vst.idx.msk $0xffff, v0  }
0x1b3: {  	v3 =	vadd.s32 $0x1F, v3;
	v4 =	vor.u32 v22, v13;
	v24 =	vshll.u32 v23, $0x3;
	[tilespmem:v5+s2+$0x0] =	vst.idx.msk $0xffff, v0  }
0x1b4: {  	v25 =	vshll.u32 v3, $0x3;
	v26 =	vand.u32 $0x7F, v23;
	v5 =	vand.u32 $0xFFFFFC00, v24;
	[tilespmem:v6+s2+$0x0] =	vst.idx.msk $0xffff, v0  }
0x1b5: {  	v4 =	vor.u32 v2, v4;
	v5 =	vadd.s32 v1, v5;
	v6 =	vand.u32 $0xFFFFFC00, v25;
	[tilespmem:v7+s2+$0x0] =	vst.idx.msk $0xffff, v0  }
0x1b6: {  	v3 =	vand.u32 $0x7F, v3;
	v5 =	vor.u32 v26, v5;
	v1 =	vadd.s32 v1, v6;
	[tilespmem:v8+s2+$0x0] =	vst.idx.msk $0xffff, v0  }
0x1b7: {  	v5 =	vor.u32 v2, v5;
	v1 =	vor.u32 v3, v1;
	[tilespmem:v9+s2+$0x0] =	vst.idx.msk $0xffff, v0  }
0x1b8: {  	v1 =	vor.u32 v2, v1;
	[tilespmem:v10+s2+$0x0] =	vst.idx.msk $0xffff, v0  }
0x1b9: {  	[tilespmem:v11+s2+$0x0] =	vst.idx.msk $0xffff, v0  }
0x1ba: {  	[tilespmem:v12+s2+$0x0] =	vst.idx.msk $0xffff, v0  }
0x1bb: {  	[tilespmem:v4+s2+$0x0] =	vst.idx.msk $0xffff, v0  }
0x1bc: {  	[tilespmem:v5+s2+$0x0] =	vst.idx.msk $0xffff, v0  }
0x1bd: {  	[tilespmem:v1+s2+$0x0] =	vst.idx.msk $0xffff, v0  }
0x1be: {  	v2 =	vld [tilespmem:$0x8050]  }
0x1bf: {  	v3 =	vld [tilespmem:$0x80D0];
	_ =	sdelay $0x4  }
0x1c0: {  	v27 =	vand.u32 $0x7F, v3;
	v1 =	vshll.u32 v2, $0x8  }
0x1c1: {  	v28 =	vshll.u32 v3, $0x3;
	v29 =	vadd.s32 $0x1, v3;
	v2 =	vshll.u32 v2, $0x7  }
0x1c2: {  	v31 =	vadd.s32 $0x2, v3;
	v35 =	vadd.s32 $0x3, v3;
	v37 =	vadd.s32 $0x4, v3  }
0x1c3: {  	v39 =	vadd.s32 $0x5, v3;
	v43 =	vadd.s32 $0x6, v3;
	v45 =	vadd.s32 $0x7, v3  }
0x1c4: {  	v47 =	vadd.s32 $0x8, v3;
	v51 =	vadd.s32 $0x9, v3;
	v53 =	vadd.s32 $0xA, v3  }
0x1c5: {  	v55 =	vadd.s32 $0xB, v3;
	v59 =	vadd.s32 $0xC, v3;
	v61 =	vadd.s32 $0xD, v3  }
0x1c6: {  	v63 =	vadd.s32 $0xE, v3;
	v26 =	vadd.s32 $0xF, v3;
	v1 =	vand.u32 $0xFFFFF800, v1  }
0x1c7: {  	v5 =	vand.u32 $0xFFFFFC00, v28;
	v30 =	vshll.u32 v29, $0x3;
	v2 =	vand.u32 $0x380, v2  }
0x1c8: {  	v6 =	vand.u32 $0x7F, v29;
	v32 =	vshll.u32 v31, $0x3;
	v34 =	vand.u32 $0x7F, v31  }
0x1c9: {  	v36 =	vshll.u32 v35, $0x3;
	v38 =	vshll.u32 v37, $0x3;
	v8 =	vand.u32 $0x7F, v35  }
0x1ca: {  	v9 =	vand.u32 $0x7F, v37;
	v41 =	vshll.u32 v39, $0x3;
	v42 =	vand.u32 $0x7F, v39  }
0x1cb: {  	v44 =	vshll.u32 v43, $0x3;
	v46 =	vshll.u32 v45, $0x3;
	v11 =	vand.u32 $0x7F, v43  }
0x1cc: {  	v12 =	vand.u32 $0x7F, v45;
	v49 =	vshll.u32 v47, $0x3;
	v50 =	vand.u32 $0x7F, v47  }
0x1cd: {  	v52 =	vshll.u32 v51, $0x3;
	v54 =	vshll.u32 v53, $0x3;
	v14 =	vand.u32 $0x7F, v51  }
0x1ce: {  	v15 =	vand.u32 $0x7F, v53;
	v57 =	vshll.u32 v55, $0x3;
	v58 =	vand.u32 $0x7F, v55  }
0x1cf: {  	v60 =	vshll.u32 v59, $0x3;
	v62 =	vshll.u32 v61, $0x3;
	v17 =	vand.u32 $0x7F, v59  }
0x1d0: {  	v18 =	vand.u32 $0x7F, v61;
	v24 =	vshll.u32 v63, $0x3;
	v25 =	vand.u32 $0x7F, v63  }
0x1d1: {  	v28 =	vadd.s32 $0x10, v3;
	v20 =	vand.u32 $0x7F, v26;
	v45 =	vadd.s32 $0x16, v3  }
0x1d2: {  	v51 =	vadd.s32 $0x17, v3;
	v55 =	vadd.s32 $0x18, v3;
	v59 =	vadd.s32 $0x1A, v3  }
0x1d3: {  	v63 =	vadd.s32 $0x1B, v3;
	v5 =	vadd.s32 v1, v5;
	v7 =	vand.u32 $0xFFFFFC00, v30  }
0x1d4: {  	v33 =	vand.u32 $0xFFFFFC00, v32;
	v10 =	vand.u32 $0xFFFFFC00, v38;
	v13 =	vand.u32 $0xFFFFFC00, v46  }
0x1d5: {  	v16 =	vand.u32 $0xFFFFFC00, v54;
	v19 =	vand.u32 $0xFFFFFC00, v62;
	v29 =	vshll.u32 v28, $0x3  }
0x1d6: {  	v21 =	vand.u32 $0x7F, v28;
	v30 =	vadd.s32 $0x11, v3;
	v38 =	vadd.s32 $0x14, v3  }
0x1d7: {  	v53 =	vshll.u32 v51, $0x3;
	v54 =	vand.u32 $0x7F, v51;
	v61 =	vshll.u32 v59, $0x3  }
0x1d8: {  	v7 =	vadd.s32 v1, v7;
	v4 =	vor.u32 v27, v5;
	v10 =	vadd.s32 v1, v10  }
0x1d9: {  	v13 =	vadd.s32 v1, v13;
	v16 =	vadd.s32 v1, v16;
	v19 =	vadd.s32 v1, v19  }
0x1da: {  	v27 =	vshll.u32 v26, $0x3;
	v22 =	vand.u32 $0xFFFFFC00, v29;
	v32 =	vshll.u32 v30, $0x3  }
0x1db: {  	v6 =	vor.u32 v6, v7;
	v5 =	vor.u32 v2, v4;
	v7 =	vand.u32 $0xFFFFFC00, v36  }
0x1dc: {  	v40 =	vor.u32 v9, v10;
	v9 =	vand.u32 $0xFFFFFC00, v41;
	v10 =	vand.u32 $0xFFFFFC00, v44  }
0x1dd: {  	v48 =	vor.u32 v12, v13;
	v12 =	vand.u32 $0xFFFFFC00, v49;
	v13 =	vand.u32 $0xFFFFFC00, v52  }
0x1de: {  	v56 =	vor.u32 v15, v16;
	v15 =	vand.u32 $0xFFFFFC00, v57;
	v16 =	vand.u32 $0xFFFFFC00, v60  }
0x1df: {  	v23 =	vor.u32 v18, v19;
	v18 =	vand.u32 $0xFFFFFC00, v24;
	v19 =	vand.u32 $0xFFFFFC00, v27  }
0x1e0: {  	v22 =	vadd.s32 v1, v22;
	v36 =	vadd.s32 $0x13, v3;
	v41 =	vand.u32 $0x7F, v38  }
0x1e1: {  	v57 =	vadd.s32 $0x19, v3;
	v4 =	vor.u32 v2, v6;
	v6 =	vadd.s32 v1, v33  }
0x1e2: {  	v7 =	vadd.s32 v1, v7;
	v9 =	vadd.s32 v1, v9;
	v10 =	vadd.s32 v1, v10  }
0x1e3: {  	v12 =	vadd.s32 v1, v12;
	v13 =	vadd.s32 v1, v13;
	v15 =	vadd.s32 v1, v15  }
0x1e4: {  	v16 =	vadd.s32 v1, v16;
	v18 =	vadd.s32 v1, v18;
	v19 =	vadd.s32 v1, v19  }
0x1e5: {  	v31 =	vor.u32 v21, v22;
	v21 =	vand.u32 $0xFFFFFC00, v32;
	v33 =	vand.u32 $0x7F, v30  }
0x1e6: {  	v37 =	vshll.u32 v36, $0x3;
	v24 =	vand.u32 $0x7F, v36;
	v6 =	vor.u32 v34, v6  }
0x1e7: {  	v7 =	vor.u32 v8, v7;
	v8 =	vor.u32 v2, v40;
	v9 =	vor.u32 v42, v9  }
0x1e8: {  	v10 =	vor.u32 v11, v10;
	v11 =	vor.u32 v2, v48;
	v12 =	vor.u32 v50, v12  }
0x1e9: {  	v13 =	vor.u32 v14, v13;
	v14 =	vor.u32 v2, v56;
	v15 =	vor.u32 v58, v15  }
0x1ea: {  	v16 =	vor.u32 v17, v16;
	v17 =	vor.u32 v2, v23;
	v18 =	vor.u32 v25, v18  }
0x1eb: {  	v19 =	vor.u32 v20, v19;
	v20 =	vor.u32 v2, v31;
	v21 =	vadd.s32 v1, v21  }
0x1ec: {  	v34 =	vadd.s32 $0x12, v3;
	v25 =	vand.u32 $0xFFFFFC00, v37;
	v40 =	vshll.u32 v38, $0x3  }
0x1ed: {  	v42 =	vadd.s32 $0x15, v3;
	v48 =	vshll.u32 v45, $0x3;
	v6 =	vor.u32 v2, v6  }
0x1ee: {  	v7 =	vor.u32 v2, v7;
	v9 =	vor.u32 v2, v9;
	v10 =	vor.u32 v2, v10  }
0x1ef: {  	v12 =	vor.u32 v2, v12;
	v13 =	vor.u32 v2, v13;
	v15 =	vor.u32 v2, v15  }
0x1f0: {  	v16 =	vor.u32 v2, v16;
	v18 =	vor.u32 v2, v18;
	v19 =	vor.u32 v2, v19  }
0x1f1: {  	v21 =	vor.u32 v33, v21;
	v35 =	vshll.u32 v34, $0x3;
	v23 =	vand.u32 $0x7F, v34  }
0x1f2: {  	v25 =	vadd.s32 v1, v25;
	v44 =	vshll.u32 v42, $0x3;
	v21 =	vor.u32 v2, v21;
	[tilespmem:v5+s2+$0x0] =	vst.idx.msk $0xffff, v0  }
0x1f3: {  	v22 =	vand.u32 $0xFFFFFC00, v35;
	v39 =	vor.u32 v24, v25;
	v24 =	vand.u32 $0xFFFFFC00, v40;
	[tilespmem:v4+s2+$0x0] =	vst.idx.msk $0xffff, v0  }
0x1f4: {  	v47 =	vand.u32 $0xFFFFFC00, v44;
	v22 =	vadd.s32 v1, v22;
	v24 =	vadd.s32 v1, v24;
	[tilespmem:v6+s2+$0x0] =	vst.idx.msk $0xffff, v0  }
0x1f5: {  	v50 =	vand.u32 $0x7F, v45;
	v5 =	vadd.s32 v1, v47;
	v22 =	vor.u32 v23, v22;
	[tilespmem:v7+s2+$0x0] =	vst.idx.msk $0xffff, v0  }
0x1f6: {  	v49 =	vand.u32 $0x7F, v42;
	v23 =	vor.u32 v2, v39;
	v43 =	vor.u32 v41, v24;
	[tilespmem:v8+s2+$0x0] =	vst.idx.msk $0xffff, v0  }
0x1f7: {  	v24 =	vand.u32 $0xFFFFFC00, v48;
	v5 =	vor.u32 v49, v5;
	v22 =	vor.u32 v2, v22;
	[tilespmem:v9+s2+$0x0] =	vst.idx.msk $0xffff, v0  }
0x1f8: {  	v56 =	vshll.u32 v55, $0x3;
	v46 =	vor.u32 v2, v43;
	v24 =	vadd.s32 v1, v24;
	[tilespmem:v10+s2+$0x0] =	vst.idx.msk $0xffff, v0  }
0x1f9: {  	v5 =	vor.u32 v2, v5;
	v52 =	vor.u32 v50, v24;
	v7 =	vand.u32 $0xFFFFFC00, v53;
	[tilespmem:v11+s2+$0x0] =	vst.idx.msk $0xffff, v0  }
0x1fa: {  	v58 =	vshll.u32 v57, $0x3;
	v6 =	vor.u32 v2, v52;
	v7 =	vadd.s32 v1, v7;
	[tilespmem:v12+s2+$0x0] =	vst.idx.msk $0xffff, v0  }
0x1fb: {  	v8 =	vand.u32 $0xFFFFFC00, v56;
	v7 =	vor.u32 v54, v7;
	v9 =	vand.u32 $0x7F, v55;
	[tilespmem:v13+s2+$0x0] =	vst.idx.msk $0xffff, v0  }
0x1fc: {  	v8 =	vadd.s32 v1, v8;
	v7 =	vor.u32 v2, v7;
	v11 =	vand.u32 $0xFFFFFC00, v58;
	[tilespmem:v14+s2+$0x0] =	vst.idx.msk $0xffff, v0  }
0x1fd: {  	v10 =	vand.u32 $0x7F, v57;
	v8 =	vor.u32 v9, v8;
	v11 =	vadd.s32 v1, v11;
	[tilespmem:v15+s2+$0x0] =	vst.idx.msk $0xffff, v0  }
0x1fe: {  	v62 =	vand.u32 $0x7F, v59;
	v8 =	vor.u32 v2, v8;
	v60 =	vor.u32 v10, v11;
	[tilespmem:v16+s2+$0x0] =	vst.idx.msk $0xffff, v0  }
0x1ff: {  	v12 =	vand.u32 $0x7F, v63;
	v10 =	vand.u32 $0xFFFFFC00, v61;
	v9 =	vor.u32 v2, v60;
	[tilespmem:v17+s2+$0x0] =	vst.idx.msk $0xffff, v0  }
0x200: {  	v10 =	vadd.s32 v1, v10;
	v16 =	vshll.u32 v63, $0x3;
	v17 =	vadd.s32 $0x1C, v3;
	[tilespmem:v18+s2+$0x0] =	vst.idx.msk $0xffff, v0  }
0x201: {  	v10 =	vor.u32 v62, v10;
	v11 =	vand.u32 $0xFFFFFC00, v16;
	v18 =	vshll.u32 v17, $0x3;
	[tilespmem:v19+s2+$0x0] =	vst.idx.msk $0xffff, v0  }
0x202: {  	v10 =	vor.u32 v2, v10;
	v11 =	vadd.s32 v1, v11;
	v14 =	vand.u32 $0xFFFFFC00, v18;
	[tilespmem:v20+s2+$0x0] =	vst.idx.msk $0xffff, v0  }
0x203: {  	v13 =	vand.u32 $0x7F, v17;
	v19 =	vadd.s32 $0x1D, v3;
	v14 =	vadd.s32 v1, v14;
	[tilespmem:v21+s2+$0x0] =	vst.idx.msk $0xffff, v0  }
0x204: {  	v11 =	vor.u32 v12, v11;
	v20 =	vor.u32 v13, v14;
	v21 =	vshll.u32 v19, $0x3;
	[tilespmem:v22+s2+$0x0] =	vst.idx.msk $0xffff, v0  }
0x205: {  	v11 =	vor.u32 v2, v11;
	v12 =	vor.u32 v2, v20;
	v13 =	vand.u32 $0xFFFFFC00, v21;
	[tilespmem:v23+s2+$0x0] =	vst.idx.msk $0xffff, v0  }
0x206: {  	v22 =	vand.u32 $0x7F, v19;
	v13 =	vadd.s32 v1, v13;
	v23 =	vadd.s32 $0x1E, v3;
	[tilespmem:v46+s2+$0x0] =	vst.idx.msk $0xffff, v0  }
0x207: {  	v3 =	vadd.s32 $0x1F, v3;
	v4 =	vor.u32 v22, v13;
	v24 =	vshll.u32 v23, $0x3;
	[tilespmem:v5+s2+$0x0] =	vst.idx.msk $0xffff, v0  }
0x208: {  	v25 =	vshll.u32 v3, $0x3;
	v26 =	vand.u32 $0x7F, v23;
	v5 =	vand.u32 $0xFFFFFC00, v24;
	[tilespmem:v6+s2+$0x0] =	vst.idx.msk $0xffff, v0  }
0x209: {  	v4 =	vor.u32 v2, v4;
	v5 =	vadd.s32 v1, v5;
	v6 =	vand.u32 $0xFFFFFC00, v25;
	[tilespmem:v7+s2+$0x0] =	vst.idx.msk $0xffff, v0  }
0x20a: {  	v3 =	vand.u32 $0x7F, v3;
	v5 =	vor.u32 v26, v5;
	v1 =	vadd.s32 v1, v6;
	[tilespmem:v8+s2+$0x0] =	vst.idx.msk $0xffff, v0  }
0x20b: {  	v5 =	vor.u32 v2, v5;
	v1 =	vor.u32 v3, v1;
	[tilespmem:v9+s2+$0x0] =	vst.idx.msk $0xffff, v0  }
0x20c: {  	v1 =	vor.u32 v2, v1;
	[tilespmem:v10+s2+$0x0] =	vst.idx.msk $0xffff, v0  }
0x20d: {  	[tilespmem:v11+s2+$0x0] =	vst.idx.msk $0xffff, v0  }
0x20e: {  	[tilespmem:v12+s2+$0x0] =	vst.idx.msk $0xffff, v0  }
0x20f: {  	[tilespmem:v4+s2+$0x0] =	vst.idx.msk $0xffff, v0  }
0x210: {  	[tilespmem:v5+s2+$0x0] =	vst.idx.msk $0xffff, v0  }
0x211: {  	[tilespmem:v1+s2+$0x0] =	vst.idx.msk $0xffff, v0  }
0x212: {  	v2 =	vld [tilespmem:$0x8060]  }
0x213: {  	v3 =	vld [tilespmem:$0x80E0];
	_ =	sdelay $0x4  }
0x214: {  	v27 =	vand.u32 $0x7F, v3;
	v1 =	vshll.u32 v2, $0x8  }
0x215: {  	v28 =	vshll.u32 v3, $0x3;
	v29 =	vadd.s32 $0x1, v3;
	v2 =	vshll.u32 v2, $0x7  }
0x216: {  	v31 =	vadd.s32 $0x2, v3;
	v35 =	vadd.s32 $0x3, v3;
	v37 =	vadd.s32 $0x4, v3  }
0x217: {  	v39 =	vadd.s32 $0x5, v3;
	v43 =	vadd.s32 $0x6, v3;
	v45 =	vadd.s32 $0x7, v3  }
0x218: {  	v47 =	vadd.s32 $0x8, v3;
	v51 =	vadd.s32 $0x9, v3;
	v53 =	vadd.s32 $0xA, v3  }
0x219: {  	v55 =	vadd.s32 $0xB, v3;
	v59 =	vadd.s32 $0xC, v3;
	v61 =	vadd.s32 $0xD, v3  }
0x21a: {  	v63 =	vadd.s32 $0xE, v3;
	v1 =	vand.u32 $0xFFFFF800, v1;
	v5 =	vand.u32 $0xFFFFFC00, v28  }
0x21b: {  	v30 =	vshll.u32 v29, $0x3;
	v2 =	vand.u32 $0x380, v2;
	v6 =	vand.u32 $0x7F, v29  }
0x21c: {  	v32 =	vshll.u32 v31, $0x3;
	v34 =	vand.u32 $0x7F, v31;
	v36 =	vshll.u32 v35, $0x3  }
0x21d: {  	v38 =	vshll.u32 v37, $0x3;
	v8 =	vand.u32 $0x7F, v35;
	v9 =	vand.u32 $0x7F, v37  }
0x21e: {  	v41 =	vshll.u32 v39, $0x3;
	v42 =	vand.u32 $0x7F, v39;
	v44 =	vshll.u32 v43, $0x3  }
0x21f: {  	v46 =	vshll.u32 v45, $0x3;
	v11 =	vand.u32 $0x7F, v43;
	v12 =	vand.u32 $0x7F, v45  }
0x220: {  	v49 =	vshll.u32 v47, $0x3;
	v50 =	vand.u32 $0x7F, v47;
	v52 =	vshll.u32 v51, $0x3  }
0x221: {  	v54 =	vshll.u32 v53, $0x3;
	v14 =	vand.u32 $0x7F, v51;
	v15 =	vand.u32 $0x7F, v53  }
0x222: {  	v57 =	vshll.u32 v55, $0x3;
	v58 =	vand.u32 $0x7F, v55;
	v60 =	vshll.u32 v59, $0x3  }
0x223: {  	v62 =	vshll.u32 v61, $0x3;
	v17 =	vand.u32 $0x7F, v59;
	v18 =	vand.u32 $0x7F, v61  }
0x224: {  	v25 =	vshll.u32 v63, $0x3;
	v26 =	vand.u32 $0x7F, v63;
	v29 =	vadd.s32 $0x10, v3  }
0x225: {  	v31 =	vadd.s32 $0x11, v3;
	v35 =	vadd.s32 $0x12, v3;
	v37 =	vadd.s32 $0x13, v3  }
0x226: {  	v39 =	vadd.s32 $0x14, v3;
	v43 =	vadd.s32 $0x15, v3;
	v5 =	vadd.s32 v1, v5  }
0x227: {  	v7 =	vand.u32 $0xFFFFFC00, v30;
	v33 =	vand.u32 $0xFFFFFC00, v32;
	v10 =	vand.u32 $0xFFFFFC00, v38  }
0x228: {  	v13 =	vand.u32 $0xFFFFFC00, v46;
	v16 =	vand.u32 $0xFFFFFC00, v54;
	v19 =	vand.u32 $0xFFFFFC00, v62  }
0x229: {  	v30 =	vshll.u32 v29, $0x3;
	v21 =	vand.u32 $0x7F, v29;
	v38 =	vshll.u32 v37, $0x3  }
0x22a: {  	v23 =	vand.u32 $0x7F, v35;
	v45 =	vshll.u32 v43, $0x3;
	v46 =	vadd.s32 $0x16, v3  }
0x22b: {  	v7 =	vadd.s32 v1, v7;
	v4 =	vor.u32 v27, v5;
	v10 =	vadd.s32 v1, v10  }
0x22c: {  	v13 =	vadd.s32 v1, v13;
	v16 =	vadd.s32 v1, v16;
	v19 =	vadd.s32 v1, v19  }
0x22d: {  	v27 =	vadd.s32 $0xF, v3;
	v22 =	vand.u32 $0xFFFFFC00, v30;
	v51 =	vand.u32 $0x7F, v46  }
0x22e: {  	v6 =	vor.u32 v6, v7;
	v5 =	vor.u32 v2, v4;
	v7 =	vand.u32 $0xFFFFFC00, v36  }
0x22f: {  	v40 =	vor.u32 v9, v10;
	v9 =	vand.u32 $0xFFFFFC00, v41;
	v10 =	vand.u32 $0xFFFFFC00, v44  }
0x230: {  	v48 =	vor.u32 v12, v13;
	v12 =	vand.u32 $0xFFFFFC00, v49;
	v13 =	vand.u32 $0xFFFFFC00, v52  }
0x231: {  	v56 =	vor.u32 v15, v16;
	v15 =	vand.u32 $0xFFFFFC00, v57;
	v16 =	vand.u32 $0xFFFFFC00, v60  }
0x232: {  	v24 =	vor.u32 v18, v19;
	v18 =	vand.u32 $0xFFFFFC00, v25;
	v28 =	vshll.u32 v27, $0x3  }
0x233: {  	v20 =	vand.u32 $0x7F, v27;
	v22 =	vadd.s32 v1, v22;
	v36 =	vshll.u32 v35, $0x3  }
0x234: {  	v25 =	vand.u32 $0xFFFFFC00, v38;
	v41 =	vshll.u32 v39, $0x3;
	v49 =	vshll.u32 v46, $0x3  }
0x235: {  	v52 =	vadd.s32 $0x17, v3;
	v60 =	vadd.s32 $0x1A, v3;
	v4 =	vor.u32 v2, v6  }
0x236: {  	v6 =	vadd.s32 v1, v33;
	v7 =	vadd.s32 v1, v7;
	v9 =	vadd.s32 v1, v9  }
0x237: {  	v10 =	vadd.s32 v1, v10;
	v12 =	vadd.s32 v1, v12;
	v13 =	vadd.s32 v1, v13  }
0x238: {  	v15 =	vadd.s32 v1, v15;
	v16 =	vadd.s32 v1, v16;
	v18 =	vadd.s32 v1, v18  }
0x239: {  	v19 =	vand.u32 $0xFFFFFC00, v28;
	v32 =	vor.u32 v21, v22;
	v33 =	vshll.u32 v31, $0x3  }
0x23a: {  	v22 =	vand.u32 $0xFFFFFC00, v36;
	v25 =	vadd.s32 v1, v25;
	v54 =	vshll.u32 v52, $0x3  }
0x23b: {  	v55 =	vand.u32 $0x7F, v52;
	v62 =	vshll.u32 v60, $0x3;
	v63 =	vand.u32 $0x7F, v60  }
0x23c: {  	v6 =	vor.u32 v34, v6;
	v7 =	vor.u32 v8, v7;
	v8 =	vor.u32 v2, v40  }
0x23d: {  	v9 =	vor.u32 v42, v9;
	v10 =	vor.u32 v11, v10;
	v11 =	vor.u32 v2, v48  }
0x23e: {  	v12 =	vor.u32 v50, v12;
	v13 =	vor.u32 v14, v13;
	v14 =	vor.u32 v2, v56  }
0x23f: {  	v15 =	vor.u32 v58, v15;
	v16 =	vor.u32 v17, v16;
	v17 =	vor.u32 v2, v24  }
0x240: {  	v18 =	vor.u32 v26, v18;
	v19 =	vadd.s32 v1, v19;
	v21 =	vand.u32 $0xFFFFFC00, v33  }
0x241: {  	v34 =	vand.u32 $0x7F, v31;
	v22 =	vadd.s32 v1, v22;
	v24 =	vand.u32 $0x7F, v37  }
0x242: {  	v42 =	vand.u32 $0x7F, v39;
	v48 =	vand.u32 $0xFFFFFC00, v45;
	v50 =	vand.u32 $0x7F, v43  }
0x243: {  	v6 =	vor.u32 v2, v6;
	v7 =	vor.u32 v2, v7;
	v9 =	vor.u32 v2, v9  }
0x244: {  	v10 =	vor.u32 v2, v10;
	v12 =	vor.u32 v2, v12;
	v13 =	vor.u32 v2, v13  }
0x245: {  	v15 =	vor.u32 v2, v15;
	v16 =	vor.u32 v2, v16;
	v18 =	vor.u32 v2, v18  }
0x246: {  	v56 =	vadd.s32 $0x18, v3;
	v19 =	vor.u32 v20, v19;
	v20 =	vor.u32 v2, v32;
	[tilespmem:v5+s2+$0x0] =	vst.idx.msk $0xffff, v0  }
0x247: {  	v58 =	vadd.s32 $0x19, v3;
	v21 =	vadd.s32 v1, v21;
	v22 =	vor.u32 v23, v22;
	[tilespmem:v4+s2+$0x0] =	vst.idx.msk $0xffff, v0  }
0x248: {  	v40 =	vor.u32 v24, v25;
	v24 =	vand.u32 $0xFFFFFC00, v41;
	v19 =	vor.u32 v2, v19;
	[tilespmem:v6+s2+$0x0] =	vst.idx.msk $0xffff, v0  }
0x249: {  	v57 =	vshll.u32 v56, $0x3;
	v21 =	vor.u32 v34, v21;
	v22 =	vor.u32 v2, v22;
	[tilespmem:v7+s2+$0x0] =	vst.idx.msk $0xffff, v0  }
0x24a: {  	v59 =	vshll.u32 v58, $0x3;
	v23 =	vor.u32 v2, v40;
	v24 =	vadd.s32 v1, v24;
	[tilespmem:v8+s2+$0x0] =	vst.idx.msk $0xffff, v0  }
0x24b: {  	v25 =	vadd.s32 $0x1E, v3;
	v21 =	vor.u32 v2, v21;
	v44 =	vor.u32 v42, v24;
	[tilespmem:v9+s2+$0x0] =	vst.idx.msk $0xffff, v0  }
0x24c: {  	v5 =	vadd.s32 v1, v48;
	v24 =	vand.u32 $0xFFFFFC00, v49;
	v47 =	vor.u32 v2, v44;
	[tilespmem:v10+s2+$0x0] =	vst.idx.msk $0xffff, v0  }
0x24d: {  	v26 =	vshll.u32 v25, $0x3;
	v24 =	vadd.s32 v1, v24;
	v5 =	vor.u32 v50, v5;
	[tilespmem:v11+s2+$0x0] =	vst.idx.msk $0xffff, v0  }
0x24e: {  	v53 =	vor.u32 v51, v24;
	v5 =	vor.u32 v2, v5;
	v7 =	vand.u32 $0xFFFFFC00, v54;
	[tilespmem:v12+s2+$0x0] =	vst.idx.msk $0xffff, v0  }
0x24f: {  	v6 =	vor.u32 v2, v53;
	v7 =	vadd.s32 v1, v7;
	v8 =	vand.u32 $0xFFFFFC00, v57;
	[tilespmem:v13+s2+$0x0] =	vst.idx.msk $0xffff, v0  }
0x250: {  	v7 =	vor.u32 v55, v7;
	v9 =	vand.u32 $0x7F, v56;
	v11 =	vand.u32 $0xFFFFFC00, v59;
	[tilespmem:v14+s2+$0x0] =	vst.idx.msk $0xffff, v0  }
0x251: {  	v8 =	vadd.s32 v1, v8;
	v10 =	vand.u32 $0x7F, v58;
	v11 =	vadd.s32 v1, v11;
	[tilespmem:v15+s2+$0x0] =	vst.idx.msk $0xffff, v0  }
0x252: {  	v7 =	vor.u32 v2, v7;
	v61 =	vor.u32 v10, v11;
	v10 =	vand.u32 $0xFFFFFC00, v62;
	[tilespmem:v16+s2+$0x0] =	vst.idx.msk $0xffff, v0  }
0x253: {  	v28 =	vand.u32 $0x7F, v25;
	v8 =	vor.u32 v9, v8;
	v10 =	vadd.s32 v1, v10;
	[tilespmem:v17+s2+$0x0] =	vst.idx.msk $0xffff, v0  }
0x254: {  	v8 =	vor.u32 v2, v8;
	v10 =	vor.u32 v63, v10;
	v16 =	vadd.s32 $0x1B, v3;
	[tilespmem:v18+s2+$0x0] =	vst.idx.msk $0xffff, v0  }
0x255: {  	v9 =	vor.u32 v2, v61;
	v10 =	vor.u32 v2, v10;
	v17 =	vshll.u32 v16, $0x3;
	[tilespmem:v19+s2+$0x0] =	vst.idx.msk $0xffff, v0  }
0x256: {  	v12 =	vand.u32 $0x7F, v16;
	v18 =	vadd.s32 $0x1C, v3;
	v11 =	vand.u32 $0xFFFFFC00, v17;
	[tilespmem:v20+s2+$0x0] =	vst.idx.msk $0xffff, v0  }
0x257: {  	v19 =	vshll.u32 v18, $0x3;
	v11 =	vadd.s32 v1, v11;
	v13 =	vand.u32 $0x7F, v18;
	[tilespmem:v21+s2+$0x0] =	vst.idx.msk $0xffff, v0  }
0x258: {  	v14 =	vand.u32 $0xFFFFFC00, v19;
	v20 =	vadd.s32 $0x1D, v3;
	v11 =	vor.u32 v12, v11;
	[tilespmem:v22+s2+$0x0] =	vst.idx.msk $0xffff, v0  }
0x259: {  	v3 =	vadd.s32 $0x1F, v3;
	v14 =	vadd.s32 v1, v14;
	v22 =	vshll.u32 v20, $0x3;
	[tilespmem:v23+s2+$0x0] =	vst.idx.msk $0xffff, v0  }
0x25a: {  	v11 =	vor.u32 v2, v11;
	v21 =	vor.u32 v13, v14;
	v13 =	vand.u32 $0xFFFFFC00, v22;
	[tilespmem:v47+s2+$0x0] =	vst.idx.msk $0xffff, v0  }
0x25b: {  	v24 =	vand.u32 $0x7F, v20;
	v27 =	vshll.u32 v3, $0x3;
	v13 =	vadd.s32 v1, v13;
	[tilespmem:v5+s2+$0x0] =	vst.idx.msk $0xffff, v0  }
0x25c: {  	v12 =	vor.u32 v2, v21;
	v4 =	vor.u32 v24, v13;
	v5 =	vand.u32 $0xFFFFFC00, v26;
	[tilespmem:v6+s2+$0x0] =	vst.idx.msk $0xffff, v0  }
0x25d: {  	v4 =	vor.u32 v2, v4;
	v5 =	vadd.s32 v1, v5;
	v6 =	vand.u32 $0xFFFFFC00, v27;
	[tilespmem:v7+s2+$0x0] =	vst.idx.msk $0xffff, v0  }
0x25e: {  	v3 =	vand.u32 $0x7F, v3;
	v5 =	vor.u32 v28, v5;
	v1 =	vadd.s32 v1, v6;
	[tilespmem:v8+s2+$0x0] =	vst.idx.msk $0xffff, v0  }
0x25f: {  	v5 =	vor.u32 v2, v5;
	v1 =	vor.u32 v3, v1;
	[tilespmem:v9+s2+$0x0] =	vst.idx.msk $0xffff, v0  }
0x260: {  	v1 =	vor.u32 v2, v1;
	[tilespmem:v10+s2+$0x0] =	vst.idx.msk $0xffff, v0  }
0x261: {  	[tilespmem:v11+s2+$0x0] =	vst.idx.msk $0xffff, v0  }
0x262: {  	[tilespmem:v12+s2+$0x0] =	vst.idx.msk $0xffff, v0  }
0x263: {  	[tilespmem:v4+s2+$0x0] =	vst.idx.msk $0xffff, v0  }
0x264: {  	[tilespmem:v5+s2+$0x0] =	vst.idx.msk $0xffff, v0  }
0x265: {  	[tilespmem:v1+s2+$0x0] =	vst.idx.msk $0xffff, v0  }
0x266: {  	v1 =	vld [tilespmem:$0x8070]  }
0x267: {  	v3 =	vld [tilespmem:$0x80F0];
	_ =	sdelay $0x4  }
0x268: {  	v2 =	vshll.u32 v1, $0x8;
	v29 =	vshll.u32 v3, $0x3  }
0x269: {  	v30 =	vand.u32 $0x7F, v3;
	v1 =	vshll.u32 v1, $0x7;
	v31 =	vadd.s32 $0x1, v3  }
0x26a: {  	v33 =	vadd.s32 $0x2, v3;
	v36 =	vadd.s32 $0x3, v3;
	v39 =	vadd.s32 $0x4, v3  }
0x26b: {  	v42 =	vadd.s32 $0x5, v3;
	v45 =	vadd.s32 $0x6, v3;
	v48 =	vadd.s32 $0x7, v3  }
0x26c: {  	v51 =	vadd.s32 $0x8, v3;
	v54 =	vadd.s32 $0x9, v3;
	v57 =	vadd.s32 $0xA, v3  }
0x26d: {  	v60 =	vadd.s32 $0xB, v3;
	v63 =	vadd.s32 $0xC, v3;
	v23 =	vadd.s32 $0xD, v3  }
0x26e: {  	v26 =	vadd.s32 $0xE, v3;
	v2 =	vand.u32 $0xFFFFF800, v2;
	v4 =	vand.u32 $0xFFFFFC00, v29  }
0x26f: {  	v1 =	vand.u32 $0x380, v1;
	v32 =	vshll.u32 v31, $0x3;
	v6 =	vand.u32 $0x7F, v31  }
0x270: {  	v34 =	vshll.u32 v33, $0x3;
	v7 =	vand.u32 $0x7F, v33;
	v37 =	vshll.u32 v36, $0x3  }
0x271: {  	v8 =	vand.u32 $0x7F, v36;
	v41 =	vshll.u32 v39, $0x3;
	v9 =	vand.u32 $0x7F, v39  }
0x272: {  	v43 =	vshll.u32 v42, $0x3;
	v46 =	vshll.u32 v45, $0x3;
	v11 =	vand.u32 $0x7F, v45  }
0x273: {  	v49 =	vshll.u32 v48, $0x3;
	v12 =	vand.u32 $0x7F, v48;
	v52 =	vshll.u32 v51, $0x3  }
0x274: {  	v13 =	vand.u32 $0x7F, v51;
	v55 =	vshll.u32 v54, $0x3;
	v14 =	vand.u32 $0x7F, v54  }
0x275: {  	v58 =	vshll.u32 v57, $0x3;
	v15 =	vand.u32 $0x7F, v57;
	v61 =	vshll.u32 v60, $0x3  }
0x276: {  	v16 =	vand.u32 $0x7F, v60;
	v21 =	vshll.u32 v63, $0x3;
	v17 =	vand.u32 $0x7F, v63  }
0x277: {  	v24 =	vshll.u32 v23, $0x3;
	v18 =	vand.u32 $0x7F, v23;
	v27 =	vshll.u32 v26, $0x3  }
0x278: {  	v29 =	vadd.s32 $0xF, v3;
	v19 =	vand.u32 $0x7F, v26;
	v51 =	vadd.s32 $0x17, v3  }
0x279: {  	v57 =	vadd.s32 $0x18, v3;
	v63 =	vadd.s32 $0x19, v3;
	v4 =	vadd.s32 v2, v4  }
0x27a: {  	v5 =	vand.u32 $0xFFFFFC00, v32;
	v35 =	vand.u32 $0xFFFFFC00, v34;
	v38 =	vand.u32 $0xFFFFFC00, v37  }
0x27b: {  	v44 =	vand.u32 $0xFFFFFC00, v43;
	v47 =	vand.u32 $0xFFFFFC00, v46;
	v50 =	vand.u32 $0xFFFFFC00, v49  }
0x27c: {  	v53 =	vand.u32 $0xFFFFFC00, v52;
	v56 =	vand.u32 $0xFFFFFC00, v55;
	v59 =	vand.u32 $0xFFFFFC00, v58  }
0x27d: {  	v62 =	vand.u32 $0xFFFFFC00, v61;
	v22 =	vand.u32 $0xFFFFFC00, v21;
	v25 =	vand.u32 $0xFFFFFC00, v24  }
0x27e: {  	v28 =	vand.u32 $0xFFFFFC00, v27;
	v32 =	vadd.s32 $0x10, v3;
	v20 =	vand.u32 $0x7F, v29  }
0x27f: {  	v49 =	vadd.s32 $0x16, v3;
	v52 =	vshll.u32 v51, $0x3;
	v4 =	vor.u32 v30, v4  }
0x280: {  	v5 =	vadd.s32 v2, v5;
	v30 =	vshll.u32 v29, $0x3;
	v33 =	vshll.u32 v32, $0x3  }
0x281: {  	v21 =	vand.u32 $0x7F, v32;
	v55 =	vand.u32 $0xFFFFFC00, v52;
	v32 =	vadd.s32 $0x1A, v3  }
0x282: {  	v4 =	vor.u32 v1, v4;
	v5 =	vor.u32 v6, v5;
	v6 =	vadd.s32 v2, v35  }
0x283: {  	v31 =	vand.u32 $0xFFFFFC00, v30;
	v34 =	vand.u32 $0xFFFFFC00, v33;
	v35 =	vadd.s32 $0x11, v3  }
0x284: {  	v5 =	vor.u32 v1, v5;
	v6 =	vor.u32 v7, v6;
	v7 =	vadd.s32 v2, v38  }
0x285: {  	v36 =	vshll.u32 v35, $0x3;
	v38 =	vadd.s32 $0x12, v3;
	v10 =	vor.u32 v1, v6  }
0x286: {  	v40 =	vor.u32 v8, v7;
	v7 =	vand.u32 $0xFFFFFC00, v41;
	v8 =	vand.u32 $0x7F, v42  }
0x287: {  	v37 =	vand.u32 $0xFFFFFC00, v36;
	v39 =	vshll.u32 v38, $0x3;
	v41 =	vadd.s32 $0x13, v3  }
0x288: {  	v23 =	vand.u32 $0x7F, v38;
	v38 =	vadd.s32 $0x1B, v3;
	v6 =	vor.u32 v1, v40  }
0x289: {  	v7 =	vadd.s32 v2, v7;
	v40 =	vand.u32 $0xFFFFFC00, v39;
	v42 =	vshll.u32 v41, $0x3  }
0x28a: {  	v24 =	vand.u32 $0x7F, v41;
	v7 =	vor.u32 v9, v7;
	v9 =	vadd.s32 v2, v44  }
0x28b: {  	v43 =	vand.u32 $0xFFFFFC00, v42;
	v44 =	vadd.s32 $0x14, v3;
	v8 =	vor.u32 v8, v9  }
0x28c: {  	v9 =	vadd.s32 v2, v47;
	v45 =	vshll.u32 v44, $0x3;
	v47 =	vadd.s32 $0x15, v3  }
0x28d: {  	v7 =	vor.u32 v1, v7;
	v9 =	vor.u32 v11, v9;
	v11 =	vadd.s32 v2, v50  }
0x28e: {  	v46 =	vand.u32 $0xFFFFFC00, v45;
	v27 =	vshll.u32 v47, $0x3;
	v26 =	vand.u32 $0x7F, v47  }
0x28f: {  	v8 =	vor.u32 v1, v8;
	v11 =	vor.u32 v12, v11;
	v12 =	vadd.s32 v2, v53  }
0x290: {  	[tilespmem:v4+s2+$0x0] =	vst.idx.msk $0xffff, v0;
	v48 =	vand.u32 $0xFFFFFC00, v27;
	v27 =	vand.u32 $0x7F, v49;
	v53 =	vor.u32 v1, v9  }
0x291: {  	v12 =	vor.u32 v13, v12;
	v13 =	vadd.s32 v2, v56;
	v54 =	vor.u32 v1, v11  }
0x292: {  	[tilespmem:v5+s2+$0x0] =	vst.idx.msk $0xffff, v0;
	v56 =	vand.u32 $0x7F, v51;
	v11 =	vadd.s32 v2, v55;
	v55 =	vadd.s32 $0x1E, v3  }
0x293: {  	v13 =	vor.u32 v14, v13;
	v14 =	vadd.s32 v2, v59;
	v58 =	vor.u32 v1, v12  }
0x294: {  	v5 =	vor.u32 v56, v11;
	v14 =	vor.u32 v15, v14;
	v15 =	vadd.s32 v2, v62  }
0x295: {  	v59 =	vshll.u32 v57, $0x3;
	v15 =	vor.u32 v16, v15;
	v16 =	vadd.s32 v2, v22  }
0x296: {  	v60 =	vor.u32 v1, v13;
	v16 =	vor.u32 v17, v16;
	v17 =	vadd.s32 v2, v25  }
0x297: {  	v11 =	vand.u32 $0xFFFFFC00, v59;
	v17 =	vor.u32 v18, v17;
	v18 =	vadd.s32 v2, v28  }
0x298: {  	v5 =	vor.u32 v1, v5;
	v18 =	vor.u32 v19, v18;
	v19 =	vadd.s32 v2, v31  }
0x299: {  	v22 =	vand.u32 $0x7F, v35;
	v19 =	vor.u32 v20, v19;
	v20 =	vadd.s32 v2, v34  }
0x29a: {  	v61 =	vor.u32 v1, v14;
	v20 =	vor.u32 v21, v20;
	v21 =	vadd.s32 v2, v37  }
0x29b: {  	v11 =	vadd.s32 v2, v11;
	v21 =	vor.u32 v22, v21;
	v22 =	vadd.s32 v2, v40  }
0x29c: {  	[tilespmem:v10+s2+$0x0] =	vst.idx.msk $0xffff, v0;
	v25 =	vand.u32 $0x7F, v44;
	v22 =	vor.u32 v23, v22;
	v23 =	vadd.s32 v2, v43  }
0x29d: {  	[tilespmem:v6+s2+$0x0] =	vst.idx.msk $0xffff, v0;
	v28 =	vshll.u32 v49, $0x3;
	v23 =	vor.u32 v24, v23;
	v24 =	vadd.s32 v2, v46  }
0x29e: {  	[tilespmem:v7+s2+$0x0] =	vst.idx.msk $0xffff, v0;
	v50 =	vand.u32 $0xFFFFFC00, v28;
	v24 =	vor.u32 v25, v24;
	v25 =	vadd.s32 v2, v48  }
0x29f: {  	v62 =	vand.u32 $0x7F, v57;
	[tilespmem:v8+s2+$0x0] =	vst.idx.msk $0xffff, v0;
	v25 =	vor.u32 v26, v25;
	v26 =	vadd.s32 v2, v50  }
0x2a0: {  	v13 =	vand.u32 $0x7F, v38;
	[tilespmem:v53+s2+$0x0] =	vst.idx.msk $0xffff, v0;
	v26 =	vor.u32 v27, v26;
	v27 =	vor.u32 v1, v15  }
0x2a1: {  	v57 =	vshll.u32 v55, $0x3;
	v7 =	vor.u32 v62, v11;
	v29 =	vor.u32 v1, v16;
	[tilespmem:v54+s2+$0x0] =	vst.idx.msk $0xffff, v0  }
0x2a2: {  	v59 =	vand.u32 $0x7F, v55;
	v51 =	vor.u32 v1, v7;
	v30 =	vor.u32 v1, v17;
	[tilespmem:v58+s2+$0x0] =	vst.idx.msk $0xffff, v0  }
0x2a3: {  	v28 =	vshll.u32 v63, $0x3;
	v31 =	vand.u32 $0x7F, v63;
	v33 =	vor.u32 v1, v18;
	[tilespmem:v60+s2+$0x0] =	vst.idx.msk $0xffff, v0  }
0x2a4: {  	v11 =	vand.u32 $0xFFFFFC00, v28;
	v34 =	vshll.u32 v32, $0x3;
	v35 =	vor.u32 v1, v19;
	[tilespmem:v61+s2+$0x0] =	vst.idx.msk $0xffff, v0  }
0x2a5: {  	v11 =	vadd.s32 v2, v11;
	v37 =	vand.u32 $0x7F, v32;
	v36 =	vor.u32 v1, v20;
	[tilespmem:v27+s2+$0x0] =	vst.idx.msk $0xffff, v0  }
0x2a6: {  	v9 =	vor.u32 v31, v11;
	v11 =	vand.u32 $0xFFFFFC00, v34;
	v39 =	vor.u32 v1, v21;
	[tilespmem:v29+s2+$0x0] =	vst.idx.msk $0xffff, v0  }
0x2a7: {  	v40 =	vshll.u32 v38, $0x3;
	v11 =	vadd.s32 v2, v11;
	v41 =	vor.u32 v1, v22;
	[tilespmem:v30+s2+$0x0] =	vst.idx.msk $0xffff, v0  }
0x2a8: {  	v12 =	vand.u32 $0xFFFFFC00, v40;
	v52 =	vor.u32 v1, v9;
	v42 =	vor.u32 v1, v23;
	[tilespmem:v33+s2+$0x0] =	vst.idx.msk $0xffff, v0  }
0x2a9: {  	v43 =	vadd.s32 $0x1C, v3;
	v11 =	vor.u32 v37, v11;
	v44 =	vor.u32 v1, v24;
	[tilespmem:v35+s2+$0x0] =	vst.idx.msk $0xffff, v0  }
0x2aa: {  	v12 =	vadd.s32 v2, v12;
	v45 =	vshll.u32 v43, $0x3;
	v46 =	vor.u32 v1, v25;
	[tilespmem:v36+s2+$0x0] =	vst.idx.msk $0xffff, v0  }
0x2ab: {  	v14 =	vand.u32 $0x7F, v43;
	v12 =	vor.u32 v13, v12;
	v47 =	vor.u32 v1, v26;
	[tilespmem:v39+s2+$0x0] =	vst.idx.msk $0xffff, v0  }
0x2ac: {  	v13 =	vand.u32 $0xFFFFFC00, v45;
	v48 =	vadd.s32 $0x1D, v3;
	v56 =	vor.u32 v1, v11;
	[tilespmem:v41+s2+$0x0] =	vst.idx.msk $0xffff, v0  }
0x2ad: {  	v11 =	vand.u32 $0xFFFFFC00, v57;
	v3 =	vadd.s32 $0x1F, v3;
	v13 =	vadd.s32 v2, v13;
	[tilespmem:v42+s2+$0x0] =	vst.idx.msk $0xffff, v0  }
0x2ae: {  	v50 =	vshll.u32 v48, $0x3;
	v54 =	vand.u32 $0x7F, v48;
	v58 =	vor.u32 v1, v12;
	[tilespmem:v44+s2+$0x0] =	vst.idx.msk $0xffff, v0  }
0x2af: {  	v11 =	vadd.s32 v2, v11;
	v49 =	vor.u32 v14, v13;
	v53 =	vand.u32 $0xFFFFFC00, v50;
	[tilespmem:v46+s2+$0x0] =	vst.idx.msk $0xffff, v0  }
0x2b0: {  	v60 =	vshll.u32 v3, $0x3;
	v61 =	vor.u32 v59, v11;
	v9 =	vadd.s32 v2, v53;
	[tilespmem:v47+s2+$0x0] =	vst.idx.msk $0xffff, v0  }
0x2b1: {  	v62 =	vand.u32 $0xFFFFFC00, v60;
	v8 =	vor.u32 v1, v49;
	v9 =	vor.u32 v54, v9;
	[tilespmem:v5+s2+$0x0] =	vst.idx.msk $0xffff, v0  }
0x2b2: {  	v3 =	vand.u32 $0x7F, v3;
	v2 =	vadd.s32 v2, v62;
	v63 =	vor.u32 v1, v9;
	[tilespmem:v51+s2+$0x0] =	vst.idx.msk $0xffff, v0  }
0x2b3: {  	v2 =	vor.u32 v3, v2;
	v3 =	vor.u32 v1, v61;
	[tilespmem:v52+s2+$0x0] =	vst.idx.msk $0xffff, v0  }
0x2b4: {  	v1 =	vor.u32 v1, v2;
	[tilespmem:v56+s2+$0x0] =	vst.idx.msk $0xffff, v0  }
0x2b5: {  	[tilespmem:v58+s2+$0x0] =	vst.idx.msk $0xffff, v0  }
0x2b6: {  	[tilespmem:v8+s2+$0x0] =	vst.idx.msk $0xffff, v0  }
0x2b7: {  	[tilespmem:v63+s2+$0x0] =	vst.idx.msk $0xffff, v0  }
0x2b8: {  	p0 =	sne.s32 s7, $0x1;
	[tilespmem:v3+s2+$0x0] =	vst.idx.msk $0xffff, v0  }
.Ltmp0:
0x2b9: {  	[tilespmem:v1+s2+$0x0] =	vst.idx.msk $0xffff, v0;
	(pc) =	sbr.rel @p0 .LBB2_1-.Ltmp0, $4  }
0x2ba: {  	[hbm4b:s6+s2] =	stream.linear.scatter [tilespmem:s2], [sflag:$0x2], $0x8000, $0x38;
	[tilespmem:$0x8100] =	vst v63  }
0x2bb: {  	_ =	swait.ge [sflag:s12], $0x8000  }
0x2bc: {  	[sflag:s12] =	ssyncset.done $0x0  }
0x2bd: {  	s7 =	sadd.s32 $0xFFFFFFFF, s7;
	[sflag:s12] =	ssyncadd.s32 $0xFFFF8000  }
0x2be: {  	_ =	sfence.sel $0x180000  }
0x2bf: {  	[bflag:$0x0] =	sbarrier.arrive $0xFFFF  }
0x2c0: {  	p0 =	sne.s32 s1, $0x0;
	_ =	strace $0x90000047  }
0x2c1: {  	s0 =	sadd.s32 @!p0 $0x100000, s0;
	[bflag:$0x2] =	sbarrier.arrive $0xFFFF  }
0x2c2: {  	[sflag:s0] =	ssyncadd.tile.s32 @!p0 $0x1;
	_ =	shalt  }
.Lfunc_end2:
_tile_overlayer_lowered:
.L_overlay_start_2:
0x2c3: {  	(tag) =	ssettag $0x2  }
0x2c4: {  	s0 =	rddreg [dreg:$0x0];
	s2 =	stileid.u32  }
0x2c5: {  	s1 =	rddreg [dreg:$0x1];
	p0 =	sne.s32 s2, $0x0  }
0x2c6: {  	s3 =	rddreg [dreg:$0x2];
	[bflag:$0x3] =	sbarrier.arrive $0xFFFF;
	s2 =	simm.s32 @!p0 $0x1C03  }
0x2c7: {  	[timem:s3], [sflag:s2] =	dma.local @!p0 [hbm:s0], s1  }
0x2c8: {  	s0 =	simm.s32 @!p0 $0x3  }
0x2c9: {  	_ =	swait.ge @!p0 [sflag:s0], s1  }
0x2ca: {  	s1 =	ssub.s32 @!p0 $0x0, s1;
	[sflag:s0] =	ssyncset.done @!p0 $0x0  }
0x2cb: {  	[sflag:s0] =	ssyncadd.s32 @!p0 s1  }
0x2cc: {  	[bflag:$0x3] =	sbarrier.arrive $0xFFFF  }
0x2cd: {  	_ =	shalt  }

</sc_bundles>
